<compile_context>
chip_gen: v7x
topology: tpu7x:2x2x1
jax: 0.10.2.dev20260603
libtpu: 0.0.44.dev20260713+nightly
codegen_flags: <defaults>
</compile_context>

<pallas_src>
import functools

import jax
import jax.numpy as jnp
from jax import lax
from jax.experimental import pallas as pl
from jax.experimental.pallas import tpu as pltpu
from jax.experimental.pallas import tpu_sc as plsc

_NC = 2
_NS = 16
_LANES = 16
_NBUF = 4
_CHUNK = 128


def _make_sc_kernel(nlayers, rows_layer, nembed, batch, npeople):
    nw = _NC * _NS
    gpw = batch // nw
    rpwl = gpw * npeople
    ch = min(_CHUNK, rpwl)
    nchunks = rpwl // ch
    gpc = ch // npeople
    nk = nembed // _LANES
    nt = nlayers * nchunks
    nbuf = min(_NBUF, nt)
    assert nt % nbuf == 0

    mesh = plsc.VectorSubcoreMesh(core_axis_name="c", subcore_axis_name="s")

    @functools.partial(
        pl.kernel,
        out_type=jax.ShapeDtypeStruct((nlayers * rows_layer, nembed),
                                      jnp.float32),
        mesh=mesh,
        scratch_types=[
            pltpu.VMEM((gpw,), jnp.int32),
            pltpu.VMEM((gpw, nembed), jnp.float32),
            [pltpu.VMEM((ch, nembed), jnp.float32)] * nbuf,
            pltpu.SemaphoreType.DMA,
            [pltpu.SemaphoreType.DMA] * nbuf,
            [pltpu.SemaphoreType.DMA] * nbuf,
        ],
    )
    def body(r_hbm, off_hbm, oe_hbm, out_hbm, offs_v, oerows_v,
             bufs, gsem, isems, osems):
        wid = lax.axis_index("s") * _NC + lax.axis_index("c")
        g0 = wid * gpw
        row0 = g0 * npeople

        def base_of(t):
            return (t // nchunks) * rows_layer + row0 + (t % nchunks) * ch

        def in_cp(t, b):
            return pltpu.make_async_copy(r_hbm.at[pl.ds(base_of(t), ch)],
                                         bufs[b], isems[b])

        def out_cp(t, b):
            return pltpu.make_async_copy(bufs[b],
                                         out_hbm.at[pl.ds(base_of(t), ch)],
                                         osems[b])

        for b in range(nbuf):
            in_cp(b, b).start()
        pltpu.sync_copy(off_hbm.at[pl.ds(g0, gpw)], offs_v)
        pltpu.async_copy(oe_hbm.at[offs_v], oerows_v, gsem).wait()

        def add_chunk(buf, c):
            def group_body(g, carry):
                addends = [oerows_v[c * gpc + g, pl.ds(k * _LANES, _LANES)]
                           for k in range(nk)]

                def row_body(i, carry2):
                    rr = g * npeople + i
                    for k in range(nk):
                        sl = pl.ds(k * _LANES, _LANES)
                        buf[rr, sl] = buf[rr, sl] + addends[k]
                    return carry2

                return lax.fori_loop(0, npeople, row_body, carry,
                                     unroll=4)

            lax.fori_loop(0, gpc, group_body, 0)

        def round_body(g, carry):
            for j in range(nbuf):
                u = g * nbuf + j
                b = j
                pb = (j - 1) % nbuf
                refill = jnp.logical_and(u >= 1, u + nbuf - 1 < nt)

                @pl.when(refill)
                def _():
                    out_cp(u - 1, pb).wait()
                    in_cp(u - 1 + nbuf, pb).start()

                in_cp(u, b).wait()
                add_chunk(bufs[b], (u % nchunks) if nchunks > 1 else 0)
                out_cp(u, b).start()
            return carry

        lax.fori_loop(0, nt // nbuf, round_body, 0)
        for t in range(nt - nbuf, nt):
            out_cp(t, t % nbuf).wait()

    return body


def kernel(r, offset, npeople, oe):
    nlayers, rows_layer, nembed = r.shape
    batch = offset.shape[0]
    np_static = rows_layer // batch
    r2 = r.reshape(nlayers * rows_layer, nembed)
    fn = _make_sc_kernel(nlayers, rows_layer, nembed, batch, np_static)
    out = fn(r2, offset, oe)
    return out.reshape(nlayers, rows_layer, nembed)

# --- scband reference (transcript-rebuilt; emitter-appended) ---
"""Pipeline reference for scband-future-offset-encoder-74388833567369 (READ-ONLY COPY).

The authoritative reference and input builder live on the scoring server;
editing this copy changes nothing except your own understanding.
"""

import math
import jax, jax.numpy as jnp
import numpy as np

NEMBED = 128
MAX_LEN = 2000
NLAYERS = 4
BATCH = 1024
NPEOPLE = 16


def _build_oe(max_len: int, nembed: int) -> jnp.ndarray:
    offsets = jnp.arange(0, max_len, dtype=jnp.float32)[:, None]
    div_term = jnp.exp(jnp.arange(0, nembed, 2, dtype=jnp.float32) * (-math.log(10000.0) / nembed))
    oe = jnp.zeros((max_len, nembed), dtype=jnp.float32)
    oe = oe.at[:, 0::2].set(jnp.sin(offsets * div_term))
    oe = oe.at[:, 1::2].set(jnp.cos(offsets * div_term))
    return oe


def setup_inputs(seed: int = 0) -> dict:
    key = jax.random.key(seed)
    k1, k2 = jax.random.split(key)
    r = jax.random.normal(k1, (NLAYERS, BATCH * NPEOPLE, NEMBED), dtype=jnp.float32)
    offset = jax.random.randint(k2, (BATCH,), 0, MAX_LEN, dtype=jnp.int32)
    oe = _build_oe(MAX_LEN, NEMBED)
    return {"r": r, "offset": offset, "npeople": NPEOPLE, "oe": oe}


def reference(r, offset, npeople, oe):
    # offsets = torch.repeat_interleave(offset, npeople)
    idx = jnp.arange(r.shape[1], dtype=jnp.int32) // npeople
    offsets = jnp.take(offset, idx)  # (batch * npeople,)
    # r += self.oe[offsets]  (gather + broadcast add over nlayers dim)
    out = r + jnp.take(oe, offsets, axis=0)[None, :, :]
    # dropout in eval mode is identity
    return out

if __name__ == "__main__":
    import jax
    _d = setup_inputs()
    print(jax.jit(kernel)(*tuple(_d.values())))

</pallas_src>

<mosaic_0001>
#map = affine_map<(d0, d1) -> (0, 0)>
#map1 = affine_map<(d0, d1) -> (0)>
module attributes {stable_mosaic.version = 14 : i64} {
  func.func @body(%arg0: i32, %arg1: i32, %arg2: memref<65536x128xf32, #tpu.memory_space<hbm>>, %arg3: memref<1024xi32, #tpu.memory_space<hbm>>, %arg4: memref<2000x128xf32, #tpu.memory_space<hbm>>, %arg5: memref<65536x128xf32, #tpu.memory_space<hbm>>, %arg6: memref<32xi32, #tpu.memory_space<vmem>>, %arg7: memref<32x128xf32, #tpu.memory_space<vmem>>, %arg8: memref<128x128xf32, #tpu.memory_space<vmem>>, %arg9: memref<128x128xf32, #tpu.memory_space<vmem>>, %arg10: memref<128x128xf32, #tpu.memory_space<vmem>>, %arg11: memref<128x128xf32, #tpu.memory_space<vmem>>, %arg12: memref<!tpu.dma_semaphore, #tpu.memory_space<semaphore_mem>>, %arg13: memref<!tpu.dma_semaphore, #tpu.memory_space<semaphore_mem>>, %arg14: memref<!tpu.dma_semaphore, #tpu.memory_space<semaphore_mem>>, %arg15: memref<!tpu.dma_semaphore, #tpu.memory_space<semaphore_mem>>, %arg16: memref<!tpu.dma_semaphore, #tpu.memory_space<semaphore_mem>>, %arg17: memref<!tpu.dma_semaphore, #tpu.memory_space<semaphore_mem>>, %arg18: memref<!tpu.dma_semaphore, #tpu.memory_space<semaphore_mem>>, %arg19: memref<!tpu.dma_semaphore, #tpu.memory_space<semaphore_mem>>, %arg20: memref<!tpu.dma_semaphore, #tpu.memory_space<semaphore_mem>>) attributes {dimension_semantics = [#tpu.dimension_semantics<core_parallel>, #tpu.dimension_semantics<subcore_parallel>], iteration_bounds = array<i64: 2, 16>, scalar_prefetch = 0 : i64, scratch_operands = 15 : i64, tpu.core_type = #tpu.core_type<sc_vector_subcore>, window_params = [{transform_indices = #map}, {transform_indices = #map1}, {transform_indices = #map}, {transform_indices = #map}]} {
    %mul3A = arith.constant 2 : i32
    %mul3A_0 = arith.muli %arg1, %mul3A : i32
    %add3A = arith.addi %mul3A_0, %arg0 : i32
    %mul3A_1 = arith.constant 32 : i32
    %mul3A_2 = arith.muli %add3A, %mul3A_1 : i32
    %mul3A_3 = arith.constant 16 : i32
    %mul3A_4 = arith.muli %mul3A_2, %mul3A_3 : i32
    %add3A_5 = arith.constant 0 : i32
    %add3A_6 = arith.addi %add3A_5, %mul3A_4 : i32
    %add3A_7 = arith.constant 0 : i32
    %add3A_8 = arith.addi %add3A_6, %add3A_7 : i32
    %dma_start3A = arith.constant 0 : i32
    %dma_start3A_9 = tpu.memref_slice %arg2[%add3A_8, %dma_start3A] : memref<65536x128xf32, #tpu.memory_space<hbm>> -> memref<128x128xf32, #tpu.memory_space<hbm>>
    %dma_start3A_10 = arith.constant 0 : i32
    %dma_start3A_11 = tpu.memref_slice %arg2[%add3A_8, %dma_start3A_10] : memref<65536x128xf32, #tpu.memory_space<hbm>> -> memref<128x128xf32, #tpu.memory_space<hbm>>
    tpu.enqueue_dma source(%dma_start3A_11 : memref<128x128xf32, #tpu.memory_space<hbm>>) target(%arg8 : memref<128x128xf32, #tpu.memory_space<vmem>>) target_semaphore(%arg13 : memref<!tpu.dma_semaphore, #tpu.memory_space<semaphore_mem>>)
    %add3A_12 = arith.constant 0 : i32
    %add3A_13 = arith.addi %add3A_12, %mul3A_4 : i32
    %add3A_14 = arith.constant 128 : i32
    %add3A_15 = arith.addi %add3A_13, %add3A_14 : i32
    %dma_start3A_16 = arith.constant 0 : i32
    %dma_start3A_17 = tpu.memref_slice %arg2[%add3A_15, %dma_start3A_16] : memref<65536x128xf32, #tpu.memory_space<hbm>> -> memref<128x128xf32, #tpu.memory_space<hbm>>
    %dma_start3A_18 = arith.constant 0 : i32
    %dma_start3A_19 = tpu.memref_slice %arg2[%add3A_15, %dma_start3A_18] : memref<65536x128xf32, #tpu.memory_space<hbm>> -> memref<128x128xf32, #tpu.memory_space<hbm>>
    tpu.enqueue_dma source(%dma_start3A_19 : memref<128x128xf32, #tpu.memory_space<hbm>>) target(%arg9 : memref<128x128xf32, #tpu.memory_space<vmem>>) target_semaphore(%arg14 : memref<!tpu.dma_semaphore, #tpu.memory_space<semaphore_mem>>)
    %add3A_20 = arith.constant 0 : i32
    %add3A_21 = arith.addi %add3A_20, %mul3A_4 : i32
    %add3A_22 = arith.constant 256 : i32
    %add3A_23 = arith.addi %add3A_21, %add3A_22 : i32
    %dma_start3A_24 = arith.constant 0 : i32
    %dma_start3A_25 = tpu.memref_slice %arg2[%add3A_23, %dma_start3A_24] : memref<65536x128xf32, #tpu.memory_space<hbm>> -> memref<128x128xf32, #tpu.memory_space<hbm>>
    %dma_start3A_26 = arith.constant 0 : i32
    %dma_start3A_27 = tpu.memref_slice %arg2[%add3A_23, %dma_start3A_26] : memref<65536x128xf32, #tpu.memory_space<hbm>> -> memref<128x128xf32, #tpu.memory_space<hbm>>
    tpu.enqueue_dma source(%dma_start3A_27 : memref<128x128xf32, #tpu.memory_space<hbm>>) target(%arg10 : memref<128x128xf32, #tpu.memory_space<vmem>>) target_semaphore(%arg15 : memref<!tpu.dma_semaphore, #tpu.memory_space<semaphore_mem>>)
    %add3A_28 = arith.constant 0 : i32
    %add3A_29 = arith.addi %add3A_28, %mul3A_4 : i32
    %add3A_30 = arith.constant 384 : i32
    %add3A_31 = arith.addi %add3A_29, %add3A_30 : i32
    %dma_start3A_32 = arith.constant 0 : i32
    %dma_start3A_33 = tpu.memref_slice %arg2[%add3A_31, %dma_start3A_32] : memref<65536x128xf32, #tpu.memory_space<hbm>> -> memref<128x128xf32, #tpu.memory_space<hbm>>
    %dma_start3A_34 = arith.constant 0 : i32
    %dma_start3A_35 = tpu.memref_slice %arg2[%add3A_31, %dma_start3A_34] : memref<65536x128xf32, #tpu.memory_space<hbm>> -> memref<128x128xf32, #tpu.memory_space<hbm>>
    tpu.enqueue_dma source(%dma_start3A_35 : memref<128x128xf32, #tpu.memory_space<hbm>>) target(%arg11 : memref<128x128xf32, #tpu.memory_space<vmem>>) target_semaphore(%arg16 : memref<!tpu.dma_semaphore, #tpu.memory_space<semaphore_mem>>)
    "tpu.region"() ({
      %run_scoped3A = tpu.sem_alloc : memref<!tpu.dma_semaphore, #tpu.memory_space<semaphore_mem>>
      %dma_start3A_78 = tpu.memref_slice %arg3[%mul3A_2] : memref<1024xi32, #tpu.memory_space<hbm>> -> memref<32xi32, #tpu.memory_space<hbm>>
      %dma_start3A_79 = tpu.memref_slice %arg3[%mul3A_2] : memref<1024xi32, #tpu.memory_space<hbm>> -> memref<32xi32, #tpu.memory_space<hbm>>
      tpu.enqueue_dma source(%dma_start3A_79 : memref<32xi32, #tpu.memory_space<hbm>>) target(%arg6 : memref<32xi32, #tpu.memory_space<vmem>>) target_semaphore(%run_scoped3A : memref<!tpu.dma_semaphore, #tpu.memory_space<semaphore_mem>>)
      %dma_wait3A_80 = tpu.memref_slice %arg3[%mul3A_2] : memref<1024xi32, #tpu.memory_space<hbm>> -> memref<32xi32, #tpu.memory_space<hbm>>
      %dma_wait3A_81 = tpu.memref_slice %arg3[%mul3A_2] : memref<1024xi32, #tpu.memory_space<hbm>> -> memref<32xi32, #tpu.memory_space<hbm>>
      tpu.wait_dma2 semaphore(%run_scoped3A : memref<!tpu.dma_semaphore, #tpu.memory_space<semaphore_mem>>) src(%dma_wait3A_81 : memref<32xi32, #tpu.memory_space<hbm>>) dst(%arg6 : memref<32xi32, #tpu.memory_space<vmem>>)
      tpu.yield
    }) : () -> ()
    %dma_start3A_36 = arith.constant 0 : i32
    %dma_start3A_37 = arith.constant 0 : i32
    %dma_start3A_38 = tpu.memref_slice %arg4[%dma_start3A_36, %dma_start3A_37] : memref<2000x128xf32, #tpu.memory_space<hbm>> -> memref<2000x128xf32, #tpu.memory_space<hbm>>
    tpu.enqueue_indirect_dma source(%dma_start3A_38 : memref<2000x128xf32, #tpu.memory_space<hbm>>) target(%arg7 : memref<32x128xf32, #tpu.memory_space<vmem>>) offsets(%arg6 : memref<32xi32, #tpu.memory_space<vmem>>) semaphore(%arg12 : memref<!tpu.dma_semaphore, #tpu.memory_space<semaphore_mem>>)
    %dma_wait3A = arith.constant 0 : i32
    %dma_wait3A_39 = arith.constant 0 : i32
    %dma_wait3A_40 = tpu.memref_slice %arg4[%dma_wait3A, %dma_wait3A_39] : memref<2000x128xf32, #tpu.memory_space<hbm>> -> memref<2000x128xf32, #tpu.memory_space<hbm>>
    tpu.wait_indirect_dma semaphore(%arg12 : memref<!tpu.dma_semaphore, #tpu.memory_space<semaphore_mem>>) src(%dma_wait3A_40 : memref<2000x128xf32, #tpu.memory_space<hbm>>) dst(%arg7 : memref<32x128xf32, #tpu.memory_space<vmem>>)
    %scan3A = arith.constant 0 : i32
    %scan3A_41 = arith.constant 0 : i32
    %scan3A_42 = arith.constant 4 : i32
    %scan3A_43 = arith.addi %scan3A_41, %scan3A_42 : i32
    %scan3A_44 = arith.constant 1 : i32
    scf.for %scan3A_78 = %scan3A_41 to %scan3A_43 step %scan3A_44  : i32 {
      %mul3A_79 = arith.constant 4 : i32
      %mul3A_80 = arith.muli %scan3A_78, %mul3A_79 : i32
      %add3A_81 = arith.constant 0 : i32
      %add3A_82 = arith.addi %mul3A_80, %add3A_81 : i32
      %ge3A = arith.constant 1 : i32
      %ge3A_83 = arith.cmpi sge, %add3A_82, %ge3A : i32
      %add3A_84 = arith.constant 4 : i32
      %add3A_85 = arith.addi %add3A_82, %add3A_84 : i32
      %sub3A = arith.constant 1 : i32
      %sub3A_86 = arith.subi %add3A_85, %sub3A : i32
      %lt3A = arith.constant 16 : i32
      %lt3A_87 = arith.cmpi slt, %sub3A_86, %lt3A : i32
      %and3A = arith.andi %ge3A_83, %lt3A_87 : i1
      %convert_element_type3A = arith.extui %and3A : i1 to i32
      %cond3A = arith.constant 0 : i32
      %cond3A_88 = arith.cmpi ne, %convert_element_type3A, %cond3A : i32
      scf.if %cond3A_88 {
        %sub3A_618 = arith.constant 1 : i32
        %sub3A_619 = arith.subi %add3A_82, %sub3A_618 : i32
        %jit3A_620 = arith.constant 4 : i32
        %div3A_621 = arith.divsi %sub3A_619, %jit3A_620 : i32
        %sign3A_622 = arith.constant 0 : i32
        %sign3A_623 = arith.cmpi sgt, %sub3A_619, %sign3A_622 : i32
        %sign3A_624 = arith.extui %sign3A_623 : i1 to i32
        %sign3A_625 = arith.constant 0 : i32
        %sign3A_626 = arith.cmpi slt, %sub3A_619, %sign3A_625 : i32
        %sign3A_627 = arith.extui %sign3A_626 : i1 to i32
        %sign3A_628 = arith.subi %sign3A_624, %sign3A_627 : i32
        %sign3A_629 = arith.constant 0 : i32
        %sign3A_630 = arith.cmpi sgt, %jit3A_620, %sign3A_629 : i32
        %sign3A_631 = arith.extui %sign3A_630 : i1 to i32
        %sign3A_632 = arith.constant 0 : i32
        %sign3A_633 = arith.cmpi slt, %jit3A_620, %sign3A_632 : i32
        %sign3A_634 = arith.extui %sign3A_633 : i1 to i32
        %sign3A_635 = arith.subi %sign3A_631, %sign3A_634 : i32
        %ne3A_636 = arith.cmpi ne, %sign3A_628, %sign3A_635 : i32
        %rem3A_637 = arith.remsi %sub3A_619, %jit3A_620 : i32
        %ne3A_638 = arith.constant 0 : i32
        %ne3A_639 = arith.cmpi ne, %rem3A_637, %ne3A_638 : i32
        %and3A_640 = arith.andi %ne3A_636, %ne3A_639 : i1
        %sub3A_641 = arith.constant 1 : i32
        %sub3A_642 = arith.subi %div3A_621, %sub3A_641 : i32
        %select_n3A_643 = arith.select %and3A_640, %sub3A_642, %div3A_621 : i32
        %mul3A_644 = arith.constant 16384 : i32
        %mul3A_645 = arith.muli %select_n3A_643, %mul3A_644 : i32
        %add3A_646 = arith.addi %mul3A_645, %mul3A_4 : i32
        %jit3A_647 = arith.constant 4 : i32
        %eq3A_648 = arith.constant 0 : i32
        %eq3A_649 = arith.cmpi eq, %jit3A_647, %eq3A_648 : i32
        %jit3A_650 = arith.constant 1 : i32
        %select_n3A_651 = arith.select %eq3A_649, %jit3A_650, %jit3A_647 : i32
        %rem3A_652 = arith.remsi %sub3A_619, %select_n3A_651 : i32
        %ne3A_653 = arith.constant 0 : i32
        %ne3A_654 = arith.cmpi ne, %rem3A_652, %ne3A_653 : i32
        %lt3A_655 = arith.constant 0 : i32
        %lt3A_656 = arith.cmpi slt, %rem3A_652, %lt3A_655 : i32
        %lt3A_657 = arith.constant 0 : i32
        %lt3A_658 = arith.cmpi slt, %select_n3A_651, %lt3A_657 : i32
        %ne3A_659 = arith.xori %lt3A_656, %lt3A_658 : i1
        %and3A_660 = arith.andi %ne3A_659, %ne3A_654 : i1
        %add3A_661 = arith.addi %rem3A_652, %select_n3A_651 : i32
        %select_n3A_662 = arith.select %and3A_660, %add3A_661, %rem3A_652 : i32
        %mul3A_663 = arith.constant 128 : i32
        %mul3A_664 = arith.muli %select_n3A_662, %mul3A_663 : i32
        %add3A_665 = arith.addi %add3A_646, %mul3A_664 : i32
        %dma_wait3A_666 = arith.constant 0 : i32
        %dma_wait3A_667 = tpu.memref_slice %arg5[%add3A_665, %dma_wait3A_666] : memref<65536x128xf32, #tpu.memory_space<hbm>> -> memref<128x128xf32, #tpu.memory_space<hbm>>
        %dma_wait3A_668 = arith.constant 0 : i32
        %dma_wait3A_669 = tpu.memref_slice %arg5[%add3A_665, %dma_wait3A_668] : memref<65536x128xf32, #tpu.memory_space<hbm>> -> memref<128x128xf32, #tpu.memory_space<hbm>>
        tpu.wait_dma2 semaphore(%arg20 : memref<!tpu.dma_semaphore, #tpu.memory_space<semaphore_mem>>) src(%arg11 : memref<128x128xf32, #tpu.memory_space<vmem>>) dst(%dma_wait3A_669 : memref<128x128xf32, #tpu.memory_space<hbm>>)
        %sub3A_670 = arith.constant 1 : i32
        %sub3A_671 = arith.subi %add3A_82, %sub3A_670 : i32
        %add3A_672 = arith.constant 4 : i32
        %add3A_673 = arith.addi %sub3A_671, %add3A_672 : i32
        %jit3A_674 = arith.constant 4 : i32
        %div3A_675 = arith.divsi %add3A_673, %jit3A_674 : i32
        %sign3A_676 = arith.constant 0 : i32
        %sign3A_677 = arith.cmpi sgt, %add3A_673, %sign3A_676 : i32
        %sign3A_678 = arith.extui %sign3A_677 : i1 to i32
        %sign3A_679 = arith.constant 0 : i32
        %sign3A_680 = arith.cmpi slt, %add3A_673, %sign3A_679 : i32
        %sign3A_681 = arith.extui %sign3A_680 : i1 to i32
        %sign3A_682 = arith.subi %sign3A_678, %sign3A_681 : i32
        %sign3A_683 = arith.constant 0 : i32
        %sign3A_684 = arith.cmpi sgt, %jit3A_674, %sign3A_683 : i32
        %sign3A_685 = arith.extui %sign3A_684 : i1 to i32
        %sign3A_686 = arith.constant 0 : i32
        %sign3A_687 = arith.cmpi slt, %jit3A_674, %sign3A_686 : i32
        %sign3A_688 = arith.extui %sign3A_687 : i1 to i32
        %sign3A_689 = arith.subi %sign3A_685, %sign3A_688 : i32
        %ne3A_690 = arith.cmpi ne, %sign3A_682, %sign3A_689 : i32
        %rem3A_691 = arith.remsi %add3A_673, %jit3A_674 : i32
        %ne3A_692 = arith.constant 0 : i32
        %ne3A_693 = arith.cmpi ne, %rem3A_691, %ne3A_692 : i32
        %and3A_694 = arith.andi %ne3A_690, %ne3A_693 : i1
        %sub3A_695 = arith.constant 1 : i32
        %sub3A_696 = arith.subi %div3A_675, %sub3A_695 : i32
        %select_n3A_697 = arith.select %and3A_694, %sub3A_696, %div3A_675 : i32
        %mul3A_698 = arith.constant 16384 : i32
        %mul3A_699 = arith.muli %select_n3A_697, %mul3A_698 : i32
        %add3A_700 = arith.addi %mul3A_699, %mul3A_4 : i32
        %jit3A_701 = arith.constant 4 : i32
        %eq3A_702 = arith.constant 0 : i32
        %eq3A_703 = arith.cmpi eq, %jit3A_701, %eq3A_702 : i32
        %jit3A_704 = arith.constant 1 : i32
        %select_n3A_705 = arith.select %eq3A_703, %jit3A_704, %jit3A_701 : i32
        %rem3A_706 = arith.remsi %add3A_673, %select_n3A_705 : i32
        %ne3A_707 = arith.constant 0 : i32
        %ne3A_708 = arith.cmpi ne, %rem3A_706, %ne3A_707 : i32
        %lt3A_709 = arith.constant 0 : i32
        %lt3A_710 = arith.cmpi slt, %rem3A_706, %lt3A_709 : i32
        %lt3A_711 = arith.constant 0 : i32
        %lt3A_712 = arith.cmpi slt, %select_n3A_705, %lt3A_711 : i32
        %ne3A_713 = arith.xori %lt3A_710, %lt3A_712 : i1
        %and3A_714 = arith.andi %ne3A_713, %ne3A_708 : i1
        %add3A_715 = arith.addi %rem3A_706, %select_n3A_705 : i32
        %select_n3A_716 = arith.select %and3A_714, %add3A_715, %rem3A_706 : i32
        %mul3A_717 = arith.constant 128 : i32
        %mul3A_718 = arith.muli %select_n3A_716, %mul3A_717 : i32
        %add3A_719 = arith.addi %add3A_700, %mul3A_718 : i32
        %dma_start3A_720 = arith.constant 0 : i32
        %dma_start3A_721 = tpu.memref_slice %arg2[%add3A_719, %dma_start3A_720] : memref<65536x128xf32, #tpu.memory_space<hbm>> -> memref<128x128xf32, #tpu.memory_space<hbm>>
        %dma_start3A_722 = arith.constant 0 : i32
        %dma_start3A_723 = tpu.memref_slice %arg2[%add3A_719, %dma_start3A_722] : memref<65536x128xf32, #tpu.memory_space<hbm>> -> memref<128x128xf32, #tpu.memory_space<hbm>>
        tpu.enqueue_dma source(%dma_start3A_723 : memref<128x128xf32, #tpu.memory_space<hbm>>) target(%arg11 : memref<128x128xf32, #tpu.memory_space<vmem>>) target_semaphore(%arg16 : memref<!tpu.dma_semaphore, #tpu.memory_space<semaphore_mem>>)
      } else {
      }
      %jit3A = arith.constant 4 : i32
      %div3A = arith.divsi %add3A_82, %jit3A : i32
      %sign3A = arith.constant 0 : i32
      %sign3A_89 = arith.cmpi sgt, %add3A_82, %sign3A : i32
      %sign3A_90 = arith.extui %sign3A_89 : i1 to i32
      %sign3A_91 = arith.constant 0 : i32
      %sign3A_92 = arith.cmpi slt, %add3A_82, %sign3A_91 : i32
      %sign3A_93 = arith.extui %sign3A_92 : i1 to i32
      %sign3A_94 = arith.subi %sign3A_90, %sign3A_93 : i32
      %sign3A_95 = arith.constant 0 : i32
      %sign3A_96 = arith.cmpi sgt, %jit3A, %sign3A_95 : i32
      %sign3A_97 = arith.extui %sign3A_96 : i1 to i32
      %sign3A_98 = arith.constant 0 : i32
      %sign3A_99 = arith.cmpi slt, %jit3A, %sign3A_98 : i32
      %sign3A_100 = arith.extui %sign3A_99 : i1 to i32
      %sign3A_101 = arith.subi %sign3A_97, %sign3A_100 : i32
      %ne3A = arith.cmpi ne, %sign3A_94, %sign3A_101 : i32
      %rem3A = arith.remsi %add3A_82, %jit3A : i32
      %ne3A_102 = arith.constant 0 : i32
      %ne3A_103 = arith.cmpi ne, %rem3A, %ne3A_102 : i32
      %and3A_104 = arith.andi %ne3A, %ne3A_103 : i1
      %sub3A_105 = arith.constant 1 : i32
      %sub3A_106 = arith.subi %div3A, %sub3A_105 : i32
      %select_n3A = arith.select %and3A_104, %sub3A_106, %div3A : i32
      %mul3A_107 = arith.constant 16384 : i32
      %mul3A_108 = arith.muli %select_n3A, %mul3A_107 : i32
      %add3A_109 = arith.addi %mul3A_108, %mul3A_4 : i32
      %jit3A_110 = arith.constant 4 : i32
      %eq3A = arith.constant 0 : i32
      %eq3A_111 = arith.cmpi eq, %jit3A_110, %eq3A : i32
      %jit3A_112 = arith.constant 1 : i32
      %select_n3A_113 = arith.select %eq3A_111, %jit3A_112, %jit3A_110 : i32
      %rem3A_114 = arith.remsi %add3A_82, %select_n3A_113 : i32
      %ne3A_115 = arith.constant 0 : i32
      %ne3A_116 = arith.cmpi ne, %rem3A_114, %ne3A_115 : i32
      %lt3A_117 = arith.constant 0 : i32
      %lt3A_118 = arith.cmpi slt, %rem3A_114, %lt3A_117 : i32
      %lt3A_119 = arith.constant 0 : i32
      %lt3A_120 = arith.cmpi slt, %select_n3A_113, %lt3A_119 : i32
      %ne3A_121 = arith.xori %lt3A_118, %lt3A_120 : i1
      %and3A_122 = arith.andi %ne3A_121, %ne3A_116 : i1
      %add3A_123 = arith.addi %rem3A_114, %select_n3A_113 : i32
      %select_n3A_124 = arith.select %and3A_122, %add3A_123, %rem3A_114 : i32
      %mul3A_125 = arith.constant 128 : i32
      %mul3A_126 = arith.muli %select_n3A_124, %mul3A_125 : i32
      %add3A_127 = arith.addi %add3A_109, %mul3A_126 : i32
      %dma_wait3A_128 = arith.constant 0 : i32
      %dma_wait3A_129 = tpu.memref_slice %arg2[%add3A_127, %dma_wait3A_128] : memref<65536x128xf32, #tpu.memory_space<hbm>> -> memref<128x128xf32, #tpu.memory_space<hbm>>
      %dma_wait3A_130 = arith.constant 0 : i32
      %dma_wait3A_131 = tpu.memref_slice %arg2[%add3A_127, %dma_wait3A_130] : memref<65536x128xf32, #tpu.memory_space<hbm>> -> memref<128x128xf32, #tpu.memory_space<hbm>>
      tpu.wait_dma2 semaphore(%arg13 : memref<!tpu.dma_semaphore, #tpu.memory_space<semaphore_mem>>) src(%dma_wait3A_131 : memref<128x128xf32, #tpu.memory_space<hbm>>) dst(%arg8 : memref<128x128xf32, #tpu.memory_space<vmem>>)
      %jit3A_132 = arith.constant 4 : i32
      %eq3A_133 = arith.constant 0 : i32
      %eq3A_134 = arith.cmpi eq, %jit3A_132, %eq3A_133 : i32
      %jit3A_135 = arith.constant 1 : i32
      %select_n3A_136 = arith.select %eq3A_134, %jit3A_135, %jit3A_132 : i32
      %rem3A_137 = arith.remsi %add3A_82, %select_n3A_136 : i32
      %ne3A_138 = arith.constant 0 : i32
      %ne3A_139 = arith.cmpi ne, %rem3A_137, %ne3A_138 : i32
      %lt3A_140 = arith.constant 0 : i32
      %lt3A_141 = arith.cmpi slt, %rem3A_137, %lt3A_140 : i32
      %lt3A_142 = arith.constant 0 : i32
      %lt3A_143 = arith.cmpi slt, %select_n3A_136, %lt3A_142 : i32
      %ne3A_144 = arith.xori %lt3A_141, %lt3A_143 : i1
      %and3A_145 = arith.andi %ne3A_144, %ne3A_139 : i1
      %add3A_146 = arith.addi %rem3A_137, %select_n3A_136 : i32
      %select_n3A_147 = arith.select %and3A_145, %add3A_146, %rem3A_137 : i32
      %scan3A_148 = arith.constant 0 : i32
      %scan3A_149 = arith.constant 0 : i32
      %scan3A_150 = arith.constant 8 : i32
      %scan3A_151 = arith.addi %scan3A_149, %scan3A_150 : i32
      %scan3A_152 = arith.constant 1 : i32
      scf.for %scan3A_618 = %scan3A_149 to %scan3A_151 step %scan3A_152  : i32 {
        %mul3A_619 = arith.constant 8 : i32
        %mul3A_620 = arith.muli %select_n3A_147, %mul3A_619 : i32
        %add3A_621 = arith.addi %mul3A_620, %scan3A_618 : i32
        %get3A = arith.index_cast %add3A_621 : i32 to index
        %get3A_622 = arith.constant 0 : index
        %get3A_623 = tpu.vector_load %arg7[%get3A, %get3A_622] {strides = array<i32>} : memref<32x128xf32, #tpu.memory_space<vmem>>, vector<1x16xf32>,
        %get3A_624 = vector.shape_cast %get3A_623 : vector<1x16xf32> to vector<16xf32>
        %mul3A_625 = arith.constant 8 : i32
        %mul3A_626 = arith.muli %select_n3A_147, %mul3A_625 : i32
        %add3A_627 = arith.addi %mul3A_626, %scan3A_618 : i32
        %get3A_628 = arith.index_cast %add3A_627 : i32 to index
        %get3A_629 = arith.constant 16 : index
        %get3A_630 = tpu.vector_load %arg7[%get3A_628, %get3A_629] {strides = array<i32>} : memref<32x128xf32, #tpu.memory_space<vmem>>, vector<1x16xf32>,
        %get3A_631 = vector.shape_cast %get3A_630 : vector<1x16xf32> to vector<16xf32>
        %mul3A_632 = arith.constant 8 : i32
        %mul3A_633 = arith.muli %select_n3A_147, %mul3A_632 : i32
        %add3A_634 = arith.addi %mul3A_633, %scan3A_618 : i32
        %get3A_635 = arith.index_cast %add3A_634 : i32 to index
        %get3A_636 = arith.constant 32 : index
        %get3A_637 = tpu.vector_load %arg7[%get3A_635, %get3A_636] {strides = array<i32>} : memref<32x128xf32, #tpu.memory_space<vmem>>, vector<1x16xf32>,
        %get3A_638 = vector.shape_cast %get3A_637 : vector<1x16xf32> to vector<16xf32>
        %mul3A_639 = arith.constant 8 : i32
        %mul3A_640 = arith.muli %select_n3A_147, %mul3A_639 : i32
        %add3A_641 = arith.addi %mul3A_640, %scan3A_618 : i32
        %get3A_642 = arith.index_cast %add3A_641 : i32 to index
        %get3A_643 = arith.constant 48 : index
        %get3A_644 = tpu.vector_load %arg7[%get3A_642, %get3A_643] {strides = array<i32>} : memref<32x128xf32, #tpu.memory_space<vmem>>, vector<1x16xf32>,
        %get3A_645 = vector.shape_cast %get3A_644 : vector<1x16xf32> to vector<16xf32>
        %mul3A_646 = arith.constant 8 : i32
        %mul3A_647 = arith.muli %select_n3A_147, %mul3A_646 : i32
        %add3A_648 = arith.addi %mul3A_647, %scan3A_618 : i32
        %get3A_649 = arith.index_cast %add3A_648 : i32 to index
        %get3A_650 = arith.constant 64 : index
        %get3A_651 = tpu.vector_load %arg7[%get3A_649, %get3A_650] {strides = array<i32>} : memref<32x128xf32, #tpu.memory_space<vmem>>, vector<1x16xf32>,
        %get3A_652 = vector.shape_cast %get3A_651 : vector<1x16xf32> to vector<16xf32>
        %mul3A_653 = arith.constant 8 : i32
        %mul3A_654 = arith.muli %select_n3A_147, %mul3A_653 : i32
        %add3A_655 = arith.addi %mul3A_654, %scan3A_618 : i32
        %get3A_656 = arith.index_cast %add3A_655 : i32 to index
        %get3A_657 = arith.constant 80 : index
        %get3A_658 = tpu.vector_load %arg7[%get3A_656, %get3A_657] {strides = array<i32>} : memref<32x128xf32, #tpu.memory_space<vmem>>, vector<1x16xf32>,
        %get3A_659 = vector.shape_cast %get3A_658 : vector<1x16xf32> to vector<16xf32>
        %mul3A_660 = arith.constant 8 : i32
        %mul3A_661 = arith.muli %select_n3A_147, %mul3A_660 : i32
        %add3A_662 = arith.addi %mul3A_661, %scan3A_618 : i32
        %get3A_663 = arith.index_cast %add3A_662 : i32 to index
        %get3A_664 = arith.constant 96 : index
        %get3A_665 = tpu.vector_load %arg7[%get3A_663, %get3A_664] {strides = array<i32>} : memref<32x128xf32, #tpu.memory_space<vmem>>, vector<1x16xf32>,
        %get3A_666 = vector.shape_cast %get3A_665 : vector<1x16xf32> to vector<16xf32>
        %mul3A_667 = arith.constant 8 : i32
        %mul3A_668 = arith.muli %select_n3A_147, %mul3A_667 : i32
        %add3A_669 = arith.addi %mul3A_668, %scan3A_618 : i32
        %get3A_670 = arith.index_cast %add3A_669 : i32 to index
        %get3A_671 = arith.constant 112 : index
        %get3A_672 = tpu.vector_load %arg7[%get3A_670, %get3A_671] {strides = array<i32>} : memref<32x128xf32, #tpu.memory_space<vmem>>, vector<1x16xf32>,
        %get3A_673 = vector.shape_cast %get3A_672 : vector<1x16xf32> to vector<16xf32>
        %scan3A_674 = arith.constant 0 : i32
        %scan3A_675 = arith.constant 16 : i32
        %scan3A_676 = arith.addi %scan3A_674, %scan3A_675 : i32
        %scan3A_677 = arith.constant 4 : i32
        scf.for %scan3A_679 = %scan3A_674 to %scan3A_676 step %scan3A_677  : i32 {
          %mul3A_680 = arith.constant 16 : i32
          %mul3A_681 = arith.muli %scan3A_618, %mul3A_680 : i32
          %add3A_682 = arith.addi %mul3A_681, %scan3A_679 : i32
          %get3A_683 = arith.index_cast %add3A_682 : i32 to index
          %get3A_684 = arith.constant 0 : index
          %get3A_685 = tpu.vector_load %arg8[%get3A_683, %get3A_684] {strides = array<i32>} : memref<128x128xf32, #tpu.memory_space<vmem>>, vector<1x16xf32>,
          %get3A_686 = vector.shape_cast %get3A_685 : vector<1x16xf32> to vector<16xf32>
          %add3A_687 = arith.addf %get3A_686, %get3A_624 : vector<16xf32>
          %swap3A = arith.index_cast %add3A_682 : i32 to index
          %swap3A_688 = arith.constant 0 : index
          %swap3A_689 = tpu.vector_load %arg8[%swap3A, %swap3A_688] {strides = array<i32>} : memref<128x128xf32, #tpu.memory_space<vmem>>, vector<1x16xf32>,
          %swap3A_690 = vector.shape_cast %swap3A_689 : vector<1x16xf32> to vector<16xf32>
          %swap3A_691 = vector.shape_cast %add3A_687 : vector<16xf32> to vector<1x16xf32>
          tpu.vector_store %arg8[%swap3A, %swap3A_688], %swap3A_691 {strides = array<i32>} : memref<128x128xf32, #tpu.memory_space<vmem>>, vector<1x16xf32>,
          %get3A_692 = arith.index_cast %add3A_682 : i32 to index
          %get3A_693 = arith.constant 16 : index
          %get3A_694 = tpu.vector_load %arg8[%get3A_692, %get3A_693] {strides = array<i32>} : memref<128x128xf32, #tpu.memory_space<vmem>>, vector<1x16xf32>,
          %get3A_695 = vector.shape_cast %get3A_694 : vector<1x16xf32> to vector<16xf32>
          %add3A_696 = arith.addf %get3A_695, %get3A_631 : vector<16xf32>
          %swap3A_697 = arith.index_cast %add3A_682 : i32 to index
          %swap3A_698 = arith.constant 16 : index
          %swap3A_699 = tpu.vector_load %arg8[%swap3A_697, %swap3A_698] {strides = array<i32>} : memref<128x128xf32, #tpu.memory_space<vmem>>, vector<1x16xf32>,
          %swap3A_700 = vector.shape_cast %swap3A_699 : vector<1x16xf32> to vector<16xf32>
          %swap3A_701 = vector.shape_cast %add3A_696 : vector<16xf32> to vector<1x16xf32>
          tpu.vector_store %arg8[%swap3A_697, %swap3A_698], %swap3A_701 {strides = array<i32>} : memref<128x128xf32, #tpu.memory_space<vmem>>, vector<1x16xf32>,
          %get3A_702 = arith.index_cast %add3A_682 : i32 to index
          %get3A_703 = arith.constant 32 : index
          %get3A_704 = tpu.vector_load %arg8[%get3A_702, %get3A_703] {strides = array<i32>} : memref<128x128xf32, #tpu.memory_space<vmem>>, vector<1x16xf32>,
          %get3A_705 = vector.shape_cast %get3A_704 : vector<1x16xf32> to vector<16xf32>
          %add3A_706 = arith.addf %get3A_705, %get3A_638 : vector<16xf32>
          %swap3A_707 = arith.index_cast %add3A_682 : i32 to index
          %swap3A_708 = arith.constant 32 : index
          %swap3A_709 = tpu.vector_load %arg8[%swap3A_707, %swap3A_708] {strides = array<i32>} : memref<128x128xf32, #tpu.memory_space<vmem>>, vector<1x16xf32>,
          %swap3A_710 = vector.shape_cast %swap3A_709 : vector<1x16xf32> to vector<16xf32>
          %swap3A_711 = vector.shape_cast %add3A_706 : vector<16xf32> to vector<1x16xf32>
          tpu.vector_store %arg8[%swap3A_707, %swap3A_708], %swap3A_711 {strides = array<i32>} : memref<128x128xf32, #tpu.memory_space<vmem>>, vector<1x16xf32>,
          %get3A_712 = arith.index_cast %add3A_682 : i32 to index
          %get3A_713 = arith.constant 48 : index
          %get3A_714 = tpu.vector_load %arg8[%get3A_712, %get3A_713] {strides = array<i32>} : memref<128x128xf32, #tpu.memory_space<vmem>>, vector<1x16xf32>,
          %get3A_715 = vector.shape_cast %get3A_714 : vector<1x16xf32> to vector<16xf32>
          %add3A_716 = arith.addf %get3A_715, %get3A_645 : vector<16xf32>
          %swap3A_717 = arith.index_cast %add3A_682 : i32 to index
          %swap3A_718 = arith.constant 48 : index
          %swap3A_719 = tpu.vector_load %arg8[%swap3A_717, %swap3A_718] {strides = array<i32>} : memref<128x128xf32, #tpu.memory_space<vmem>>, vector<1x16xf32>,
          %swap3A_720 = vector.shape_cast %swap3A_719 : vector<1x16xf32> to vector<16xf32>
          %swap3A_721 = vector.shape_cast %add3A_716 : vector<16xf32> to vector<1x16xf32>
          tpu.vector_store %arg8[%swap3A_717, %swap3A_718], %swap3A_721 {strides = array<i32>} : memref<128x128xf32, #tpu.memory_space<vmem>>, vector<1x16xf32>,
          %get3A_722 = arith.index_cast %add3A_682 : i32 to index
          %get3A_723 = arith.constant 64 : index
          %get3A_724 = tpu.vector_load %arg8[%get3A_722, %get3A_723] {strides = array<i32>} : memref<128x128xf32, #tpu.memory_space<vmem>>, vector<1x16xf32>,
          %get3A_725 = vector.shape_cast %get3A_724 : vector<1x16xf32> to vector<16xf32>
          %add3A_726 = arith.addf %get3A_725, %get3A_652 : vector<16xf32>
          %swap3A_727 = arith.index_cast %add3A_682 : i32 to index
          %swap3A_728 = arith.constant 64 : index
          %swap3A_729 = tpu.vector_load %arg8[%swap3A_727, %swap3A_728] {strides = array<i32>} : memref<128x128xf32, #tpu.memory_space<vmem>>, vector<1x16xf32>,
          %swap3A_730 = vector.shape_cast %swap3A_729 : vector<1x16xf32> to vector<16xf32>
          %swap3A_731 = vector.shape_cast %add3A_726 : vector<16xf32> to vector<1x16xf32>
          tpu.vector_store %arg8[%swap3A_727, %swap3A_728], %swap3A_731 {strides = array<i32>} : memref<128x128xf32, #tpu.memory_space<vmem>>, vector<1x16xf32>,
          %get3A_732 = arith.index_cast %add3A_682 : i32 to index
          %get3A_733 = arith.constant 80 : index
          %get3A_734 = tpu.vector_load %arg8[%get3A_732, %get3A_733] {strides = array<i32>} : memref<128x128xf32, #tpu.memory_space<vmem>>, vector<1x16xf32>,
          %get3A_735 = vector.shape_cast %get3A_734 : vector<1x16xf32> to vector<16xf32>
          %add3A_736 = arith.addf %get3A_735, %get3A_659 : vector<16xf32>
          %swap3A_737 = arith.index_cast %add3A_682 : i32 to index
          %swap3A_738 = arith.constant 80 : index
          %swap3A_739 = tpu.vector_load %arg8[%swap3A_737, %swap3A_738] {strides = array<i32>} : memref<128x128xf32, #tpu.memory_space<vmem>>, vector<1x16xf32>,
          %swap3A_740 = vector.shape_cast %swap3A_739 : vector<1x16xf32> to vector<16xf32>
          %swap3A_741 = vector.shape_cast %add3A_736 : vector<16xf32> to vector<1x16xf32>
          tpu.vector_store %arg8[%swap3A_737, %swap3A_738], %swap3A_741 {strides = array<i32>} : memref<128x128xf32, #tpu.memory_space<vmem>>, vector<1x16xf32>,
          %get3A_742 = arith.index_cast %add3A_682 : i32 to index
          %get3A_743 = arith.constant 96 : index
          %get3A_744 = tpu.vector_load %arg8[%get3A_742, %get3A_743] {strides = array<i32>} : memref<128x128xf32, #tpu.memory_space<vmem>>, vector<1x16xf32>,
          %get3A_745 = vector.shape_cast %get3A_744 : vector<1x16xf32> to vector<16xf32>
          %add3A_746 = arith.addf %get3A_745, %get3A_666 : vector<16xf32>
          %swap3A_747 = arith.index_cast %add3A_682 : i32 to index
          %swap3A_748 = arith.constant 96 : index
          %swap3A_749 = tpu.vector_load %arg8[%swap3A_747, %swap3A_748] {strides = array<i32>} : memref<128x128xf32, #tpu.memory_space<vmem>>, vector<1x16xf32>,
          %swap3A_750 = vector.shape_cast %swap3A_749 : vector<1x16xf32> to vector<16xf32>
          %swap3A_751 = vector.shape_cast %add3A_746 : vector<16xf32> to vector<1x16xf32>
          tpu.vector_store %arg8[%swap3A_747, %swap3A_748], %swap3A_751 {strides = array<i32>} : memref<128x128xf32, #tpu.memory_space<vmem>>, vector<1x16xf32>,
          %get3A_752 = arith.index_cast %add3A_682 : i32 to index
          %get3A_753 = arith.constant 112 : index
          %get3A_754 = tpu.vector_load %arg8[%get3A_752, %get3A_753] {strides = array<i32>} : memref<128x128xf32, #tpu.memory_space<vmem>>, vector<1x16xf32>,
          %get3A_755 = vector.shape_cast %get3A_754 : vector<1x16xf32> to vector<16xf32>
          %add3A_756 = arith.addf %get3A_755, %get3A_673 : vector<16xf32>
          %swap3A_757 = arith.index_cast %add3A_682 : i32 to index
          %swap3A_758 = arith.constant 112 : index
          %swap3A_759 = tpu.vector_load %arg8[%swap3A_757, %swap3A_758] {strides = array<i32>} : memref<128x128xf32, #tpu.memory_space<vmem>>, vector<1x16xf32>,
          %swap3A_760 = vector.shape_cast %swap3A_759 : vector<1x16xf32> to vector<16xf32>
          %swap3A_761 = vector.shape_cast %add3A_756 : vector<16xf32> to vector<1x16xf32>
          tpu.vector_store %arg8[%swap3A_757, %swap3A_758], %swap3A_761 {strides = array<i32>} : memref<128x128xf32, #tpu.memory_space<vmem>>, vector<1x16xf32>,
          %scan3A_762 = arith.constant 1 : i32
          %scan3A_763 = arith.addi %scan3A_679, %scan3A_762 : i32
          %mul3A_764 = arith.constant 16 : i32
          %mul3A_765 = arith.muli %scan3A_618, %mul3A_764 : i32
          %add3A_766 = arith.addi %mul3A_765, %scan3A_763 : i32
          %get3A_767 = arith.index_cast %add3A_766 : i32 to index
          %get3A_768 = arith.constant 0 : index
          %get3A_769 = tpu.vector_load %arg8[%get3A_767, %get3A_768] {strides = array<i32>} : memref<128x128xf32, #tpu.memory_space<vmem>>, vector<1x16xf32>,
          %get3A_770 = vector.shape_cast %get3A_769 : vector<1x16xf32> to vector<16xf32>
          %add3A_771 = arith.addf %get3A_770, %get3A_624 : vector<16xf32>
          %swap3A_772 = arith.index_cast %add3A_766 : i32 to index
          %swap3A_773 = arith.constant 0 : index
          %swap3A_774 = tpu.vector_load %arg8[%swap3A_772, %swap3A_773] {strides = array<i32>} : memref<128x128xf32, #tpu.memory_space<vmem>>, vector<1x16xf32>,
          %swap3A_775 = vector.shape_cast %swap3A_774 : vector<1x16xf32> to vector<16xf32>
          %swap3A_776 = vector.shape_cast %add3A_771 : vector<16xf32> to vector<1x16xf32>
          tpu.vector_store %arg8[%swap3A_772, %swap3A_773], %swap3A_776 {strides = array<i32>} : memref<128x128xf32, #tpu.memory_space<vmem>>, vector<1x16xf32>,
          %get3A_777 = arith.index_cast %add3A_766 : i32 to index
          %get3A_778 = arith.constant 16 : index
          %get3A_779 = tpu.vector_load %arg8[%get3A_777, %get3A_778] {strides = array<i32>} : memref<128x128xf32, #tpu.memory_space<vmem>>, vector<1x16xf32>,
          %get3A_780 = vector.shape_cast %get3A_779 : vector<1x16xf32> to vector<16xf32>
          %add3A_781 = arith.addf %get3A_780, %get3A_631 : vector<16xf32>
          %swap3A_782 = arith.index_cast %add3A_766 : i32 to index
          %swap3A_783 = arith.constant 16 : index
          %swap3A_784 = tpu.vector_load %arg8[%swap3A_782, %swap3A_783] {strides = array<i32>} : memref<128x128xf32, #tpu.memory_space<vmem>>, vector<1x16xf32>,
          %swap3A_785 = vector.shape_cast %swap3A_784 : vector<1x16xf32> to vector<16xf32>
          %swap3A_786 = vector.shape_cast %add3A_781 : vector<16xf32> to vector<1x16xf32>
          tpu.vector_store %arg8[%swap3A_782, %swap3A_783], %swap3A_786 {strides = array<i32>} : memref<128x128xf32, #tpu.memory_space<vmem>>, vector<1x16xf32>,
          %get3A_787 = arith.index_cast %add3A_766 : i32 to index
          %get3A_788 = arith.constant 32 : index
          %get3A_789 = tpu.vector_load %arg8[%get3A_787, %get3A_788] {strides = array<i32>} : memref<128x128xf32, #tpu.memory_space<vmem>>, vector<1x16xf32>,
          %get3A_790 = vector.shape_cast %get3A_789 : vector<1x16xf32> to vector<16xf32>
          %add3A_791 = arith.addf %get3A_790, %get3A_638 : vector<16xf32>
          %swap3A_792 = arith.index_cast %add3A_766 : i32 to index
          %swap3A_793 = arith.constant 32 : index
          %swap3A_794 = tpu.vector_load %arg8[%swap3A_792, %swap3A_793] {strides = array<i32>} : memref<128x128xf32, #tpu.memory_space<vmem>>, vector<1x16xf32>,
          %swap3A_795 = vector.shape_cast %swap3A_794 : vector<1x16xf32> to vector<16xf32>
          %swap3A_796 = vector.shape_cast %add3A_791 : vector<16xf32> to vector<1x16xf32>
          tpu.vector_store %arg8[%swap3A_792, %swap3A_793], %swap3A_796 {strides = array<i32>} : memref<128x128xf32, #tpu.memory_space<vmem>>, vector<1x16xf32>,
          %get3A_797 = arith.index_cast %add3A_766 : i32 to index
          %get3A_798 = arith.constant 48 : index
          %get3A_799 = tpu.vector_load %arg8[%get3A_797, %get3A_798] {strides = array<i32>} : memref<128x128xf32, #tpu.memory_space<vmem>>, vector<1x16xf32>,
          %get3A_800 = vector.shape_cast %get3A_799 : vector<1x16xf32> to vector<16xf32>
          %add3A_801 = arith.addf %get3A_800, %get3A_645 : vector<16xf32>
          %swap3A_802 = arith.index_cast %add3A_766 : i32 to index
          %swap3A_803 = arith.constant 48 : index
          %swap3A_804 = tpu.vector_load %arg8[%swap3A_802, %swap3A_803] {strides = array<i32>} : memref<128x128xf32, #tpu.memory_space<vmem>>, vector<1x16xf32>,
          %swap3A_805 = vector.shape_cast %swap3A_804 : vector<1x16xf32> to vector<16xf32>
          %swap3A_806 = vector.shape_cast %add3A_801 : vector<16xf32> to vector<1x16xf32>
          tpu.vector_store %arg8[%swap3A_802, %swap3A_803], %swap3A_806 {strides = array<i32>} : memref<128x128xf32, #tpu.memory_space<vmem>>, vector<1x16xf32>,
          %get3A_807 = arith.index_cast %add3A_766 : i32 to index
          %get3A_808 = arith.constant 64 : index
          %get3A_809 = tpu.vector_load %arg8[%get3A_807, %get3A_808] {strides = array<i32>} : memref<128x128xf32, #tpu.memory_space<vmem>>, vector<1x16xf32>,
          %get3A_810 = vector.shape_cast %get3A_809 : vector<1x16xf32> to vector<16xf32>
          %add3A_811 = arith.addf %get3A_810, %get3A_652 : vector<16xf32>
          %swap3A_812 = arith.index_cast %add3A_766 : i32 to index
          %swap3A_813 = arith.constant 64 : index
          %swap3A_814 = tpu.vector_load %arg8[%swap3A_812, %swap3A_813] {strides = array<i32>} : memref<128x128xf32, #tpu.memory_space<vmem>>, vector<1x16xf32>,
          %swap3A_815 = vector.shape_cast %swap3A_814 : vector<1x16xf32> to vector<16xf32>
          %swap3A_816 = vector.shape_cast %add3A_811 : vector<16xf32> to vector<1x16xf32>
          tpu.vector_store %arg8[%swap3A_812, %swap3A_813], %swap3A_816 {strides = array<i32>} : memref<128x128xf32, #tpu.memory_space<vmem>>, vector<1x16xf32>,
          %get3A_817 = arith.index_cast %add3A_766 : i32 to index
          %get3A_818 = arith.constant 80 : index
          %get3A_819 = tpu.vector_load %arg8[%get3A_817, %get3A_818] {strides = array<i32>} : memref<128x128xf32, #tpu.memory_space<vmem>>, vector<1x16xf32>,
          %get3A_820 = vector.shape_cast %get3A_819 : vector<1x16xf32> to vector<16xf32>
          %add3A_821 = arith.addf %get3A_820, %get3A_659 : vector<16xf32>
          %swap3A_822 = arith.index_cast %add3A_766 : i32 to index
          %swap3A_823 = arith.constant 80 : index
          %swap3A_824 = tpu.vector_load %arg8[%swap3A_822, %swap3A_823] {strides = array<i32>} : memref<128x128xf32, #tpu.memory_space<vmem>>, vector<1x16xf32>,
          %swap3A_825 = vector.shape_cast %swap3A_824 : vector<1x16xf32> to vector<16xf32>
          %swap3A_826 = vector.shape_cast %add3A_821 : vector<16xf32> to vector<1x16xf32>
          tpu.vector_store %arg8[%swap3A_822, %swap3A_823], %swap3A_826 {strides = array<i32>} : memref<128x128xf32, #tpu.memory_space<vmem>>, vector<1x16xf32>,
          %get3A_827 = arith.index_cast %add3A_766 : i32 to index
          %get3A_828 = arith.constant 96 : index
          %get3A_829 = tpu.vector_load %arg8[%get3A_827, %get3A_828] {strides = array<i32>} : memref<128x128xf32, #tpu.memory_space<vmem>>, vector<1x16xf32>,
          %get3A_830 = vector.shape_cast %get3A_829 : vector<1x16xf32> to vector<16xf32>
          %add3A_831 = arith.addf %get3A_830, %get3A_666 : vector<16xf32>
          %swap3A_832 = arith.index_cast %add3A_766 : i32 to index
          %swap3A_833 = arith.constant 96 : index
          %swap3A_834 = tpu.vector_load %arg8[%swap3A_832, %swap3A_833] {strides = array<i32>} : memref<128x128xf32, #tpu.memory_space<vmem>>, vector<1x16xf32>,
          %swap3A_835 = vector.shape_cast %swap3A_834 : vector<1x16xf32> to vector<16xf32>
          %swap3A_836 = vector.shape_cast %add3A_831 : vector<16xf32> to vector<1x16xf32>
          tpu.vector_store %arg8[%swap3A_832, %swap3A_833], %swap3A_836 {strides = array<i32>} : memref<128x128xf32, #tpu.memory_space<vmem>>, vector<1x16xf32>,
          %get3A_837 = arith.index_cast %add3A_766 : i32 to index
          %get3A_838 = arith.constant 112 : index
          %get3A_839 = tpu.vector_load %arg8[%get3A_837, %get3A_838] {strides = array<i32>} : memref<128x128xf32, #tpu.memory_space<vmem>>, vector<1x16xf32>,
          %get3A_840 = vector.shape_cast %get3A_839 : vector<1x16xf32> to vector<16xf32>
          %add3A_841 = arith.addf %get3A_840, %get3A_673 : vector<16xf32>
          %swap3A_842 = arith.index_cast %add3A_766 : i32 to index
          %swap3A_843 = arith.constant 112 : index
          %swap3A_844 = tpu.vector_load %arg8[%swap3A_842, %swap3A_843] {strides = array<i32>} : memref<128x128xf32, #tpu.memory_space<vmem>>, vector<1x16xf32>,
          %swap3A_845 = vector.shape_cast %swap3A_844 : vector<1x16xf32> to vector<16xf32>
          %swap3A_846 = vector.shape_cast %add3A_841 : vector<16xf32> to vector<1x16xf32>
          tpu.vector_store %arg8[%swap3A_842, %swap3A_843], %swap3A_846 {strides = array<i32>} : memref<128x128xf32, #tpu.memory_space<vmem>>, vector<1x16xf32>,
          %scan3A_847 = arith.constant 2 : i32
          %scan3A_848 = arith.addi %scan3A_679, %scan3A_847 : i32
          %mul3A_849 = arith.constant 16 : i32
          %mul3A_850 = arith.muli %scan3A_618, %mul3A_849 : i32
          %add3A_851 = arith.addi %mul3A_850, %scan3A_848 : i32
          %get3A_852 = arith.index_cast %add3A_851 : i32 to index
          %get3A_853 = arith.constant 0 : index
          %get3A_854 = tpu.vector_load %arg8[%get3A_852, %get3A_853] {strides = array<i32>} : memref<128x128xf32, #tpu.memory_space<vmem>>, vector<1x16xf32>,
          %get3A_855 = vector.shape_cast %get3A_854 : vector<1x16xf32> to vector<16xf32>
          %add3A_856 = arith.addf %get3A_855, %get3A_624 : vector<16xf32>
          %swap3A_857 = arith.index_cast %add3A_851 : i32 to index
          %swap3A_858 = arith.constant 0 : index
          %swap3A_859 = tpu.vector_load %arg8[%swap3A_857, %swap3A_858] {strides = array<i32>} : memref<128x128xf32, #tpu.memory_space<vmem>>, vector<1x16xf32>,
          %swap3A_860 = vector.shape_cast %swap3A_859 : vector<1x16xf32> to vector<16xf32>
          %swap3A_861 = vector.shape_cast %add3A_856 : vector<16xf32> to vector<1x16xf32>
          tpu.vector_store %arg8[%swap3A_857, %swap3A_858], %swap3A_861 {strides = array<i32>} : memref<128x128xf32, #tpu.memory_space<vmem>>, vector<1x16xf32>,
          %get3A_862 = arith.index_cast %add3A_851 : i32 to index
          %get3A_863 = arith.constant 16 : index
          %get3A_864 = tpu.vector_load %arg8[%get3A_862, %get3A_863] {strides = array<i32>} : memref<128x128xf32, #tpu.memory_space<vmem>>, vector<1x16xf32>,
          %get3A_865 = vector.shape_cast %get3A_864 : vector<1x16xf32> to vector<16xf32>
          %add3A_866 = arith.addf %get3A_865, %get3A_631 : vector<16xf32>
          %swap3A_867 = arith.index_cast %add3A_851 : i32 to index
          %swap3A_868 = arith.constant 16 : index
          %swap3A_869 = tpu.vector_load %arg8[%swap3A_867, %swap3A_868] {strides = array<i32>} : memref<128x128xf32, #tpu.memory_space<vmem>>, vector<1x16xf32>,
          %swap3A_870 = vector.shape_cast %swap3A_869 : vector<1x16xf32> to vector<16xf32>
          %swap3A_871 = vector.shape_cast %add3A_866 : vector<16xf32> to vector<1x16xf32>
          tpu.vector_store %arg8[%swap3A_867, %swap3A_868], %swap3A_871 {strides = array<i32>} : memref<128x128xf32, #tpu.memory_space<vmem>>, vector<1x16xf32>,
          %get3A_872 = arith.index_cast %add3A_851 : i32 to index
          %get3A_873 = arith.constant 32 : index
          %get3A_874 = tpu.vector_load %arg8[%get3A_872, %get3A_873] {strides = array<i32>} : memref<128x128xf32, #tpu.memory_space<vmem>>, vector<1x16xf32>,
          %get3A_875 = vector.shape_cast %get3A_874 : vector<1x16xf32> to vector<16xf32>
          %add3A_876 = arith.addf %get3A_875, %get3A_638 : vector<16xf32>
          %swap3A_877 = arith.index_cast %add3A_851 : i32 to index
          %swap3A_878 = arith.constant 32 : index
          %swap3A_879 = tpu.vector_load %arg8[%swap3A_877, %swap3A_878] {strides = array<i32>} : memref<128x128xf32, #tpu.memory_space<vmem>>, vector<1x16xf32>,
          %swap3A_880 = vector.shape_cast %swap3A_879 : vector<1x16xf32> to vector<16xf32>
          %swap3A_881 = vector.shape_cast %add3A_876 : vector<16xf32> to vector<1x16xf32>
          tpu.vector_store %arg8[%swap3A_877, %swap3A_878], %swap3A_881 {strides = array<i32>} : memref<128x128xf32, #tpu.memory_space<vmem>>, vector<1x16xf32>,
          %get3A_882 = arith.index_cast %add3A_851 : i32 to index
          %get3A_883 = arith.constant 48 : index
          %get3A_884 = tpu.vector_load %arg8[%get3A_882, %get3A_883] {strides = array<i32>} : memref<128x128xf32, #tpu.memory_space<vmem>>, vector<1x16xf32>,
          %get3A_885 = vector.shape_cast %get3A_884 : vector<1x16xf32> to vector<16xf32>
          %add3A_886 = arith.addf %get3A_885, %get3A_645 : vector<16xf32>
          %swap3A_887 = arith.index_cast %add3A_851 : i32 to index
          %swap3A_888 = arith.constant 48 : index
          %swap3A_889 = tpu.vector_load %arg8[%swap3A_887, %swap3A_888] {strides = array<i32>} : memref<128x128xf32, #tpu.memory_space<vmem>>, vector<1x16xf32>,
          %swap3A_890 = vector.shape_cast %swap3A_889 : vector<1x16xf32> to vector<16xf32>
          %swap3A_891 = vector.shape_cast %add3A_886 : vector<16xf32> to vector<1x16xf32>
          tpu.vector_store %arg8[%swap3A_887, %swap3A_888], %swap3A_891 {strides = array<i32>} : memref<128x128xf32, #tpu.memory_space<vmem>>, vector<1x16xf32>,
          %get3A_892 = arith.index_cast %add3A_851 : i32 to index
          %get3A_893 = arith.constant 64 : index
          %get3A_894 = tpu.vector_load %arg8[%get3A_892, %get3A_893] {strides = array<i32>} : memref<128x128xf32, #tpu.memory_space<vmem>>, vector<1x16xf32>,
          %get3A_895 = vector.shape_cast %get3A_894 : vector<1x16xf32> to vector<16xf32>
          %add3A_896 = arith.addf %get3A_895, %get3A_652 : vector<16xf32>
          %swap3A_897 = arith.index_cast %add3A_851 : i32 to index
          %swap3A_898 = arith.constant 64 : index
          %swap3A_899 = tpu.vector_load %arg8[%swap3A_897, %swap3A_898] {strides = array<i32>} : memref<128x128xf32, #tpu.memory_space<vmem>>, vector<1x16xf32>,
          %swap3A_900 = vector.shape_cast %swap3A_899 : vector<1x16xf32> to vector<16xf32>
          %swap3A_901 = vector.shape_cast %add3A_896 : vector<16xf32> to vector<1x16xf32>
          tpu.vector_store %arg8[%swap3A_897, %swap3A_898], %swap3A_901 {strides = array<i32>} : memref<128x128xf32, #tpu.memory_space<vmem>>, vector<1x16xf32>,
          %get3A_902 = arith.index_cast %add3A_851 : i32 to index
          %get3A_903 = arith.constant 80 : index
          %get3A_904 = tpu.vector_load %arg8[%get3A_902, %get3A_903] {strides = array<i32>} : memref<128x128xf32, #tpu.memory_space<vmem>>, vector<1x16xf32>,
          %get3A_905 = vector.shape_cast %get3A_904 : vector<1x16xf32> to vector<16xf32>
          %add3A_906 = arith.addf %get3A_905, %get3A_659 : vector<16xf32>
          %swap3A_907 = arith.index_cast %add3A_851 : i32 to index
          %swap3A_908 = arith.constant 80 : index
          %swap3A_909 = tpu.vector_load %arg8[%swap3A_907, %swap3A_908] {strides = array<i32>} : memref<128x128xf32, #tpu.memory_space<vmem>>, vector<1x16xf32>,
          %swap3A_910 = vector.shape_cast %swap3A_909 : vector<1x16xf32> to vector<16xf32>
          %swap3A_911 = vector.shape_cast %add3A_906 : vector<16xf32> to vector<1x16xf32>
          tpu.vector_store %arg8[%swap3A_907, %swap3A_908], %swap3A_911 {strides = array<i32>} : memref<128x128xf32, #tpu.memory_space<vmem>>, vector<1x16xf32>,
          %get3A_912 = arith.index_cast %add3A_851 : i32 to index
          %get3A_913 = arith.constant 96 : index
          %get3A_914 = tpu.vector_load %arg8[%get3A_912, %get3A_913] {strides = array<i32>} : memref<128x128xf32, #tpu.memory_space<vmem>>, vector<1x16xf32>,
          %get3A_915 = vector.shape_cast %get3A_914 : vector<1x16xf32> to vector<16xf32>
          %add3A_916 = arith.addf %get3A_915, %get3A_666 : vector<16xf32>
          %swap3A_917 = arith.index_cast %add3A_851 : i32 to index
          %swap3A_918 = arith.constant 96 : index
          %swap3A_919 = tpu.vector_load %arg8[%swap3A_917, %swap3A_918] {strides = array<i32>} : memref<128x128xf32, #tpu.memory_space<vmem>>, vector<1x16xf32>,
          %swap3A_920 = vector.shape_cast %swap3A_919 : vector<1x16xf32> to vector<16xf32>
          %swap3A_921 = vector.shape_cast %add3A_916 : vector<16xf32> to vector<1x16xf32>
          tpu.vector_store %arg8[%swap3A_917, %swap3A_918], %swap3A_921 {strides = array<i32>} : memref<128x128xf32, #tpu.memory_space<vmem>>, vector<1x16xf32>,
          %get3A_922 = arith.index_cast %add3A_851 : i32 to index
          %get3A_923 = arith.constant 112 : index
          %get3A_924 = tpu.vector_load %arg8[%get3A_922, %get3A_923] {strides = array<i32>} : memref<128x128xf32, #tpu.memory_space<vmem>>, vector<1x16xf32>,
          %get3A_925 = vector.shape_cast %get3A_924 : vector<1x16xf32> to vector<16xf32>
          %add3A_926 = arith.addf %get3A_925, %get3A_673 : vector<16xf32>
          %swap3A_927 = arith.index_cast %add3A_851 : i32 to index
          %swap3A_928 = arith.constant 112 : index
          %swap3A_929 = tpu.vector_load %arg8[%swap3A_927, %swap3A_928] {strides = array<i32>} : memref<128x128xf32, #tpu.memory_space<vmem>>, vector<1x16xf32>,
          %swap3A_930 = vector.shape_cast %swap3A_929 : vector<1x16xf32> to vector<16xf32>
          %swap3A_931 = vector.shape_cast %add3A_926 : vector<16xf32> to vector<1x16xf32>
          tpu.vector_store %arg8[%swap3A_927, %swap3A_928], %swap3A_931 {strides = array<i32>} : memref<128x128xf32, #tpu.memory_space<vmem>>, vector<1x16xf32>,
          %scan3A_932 = arith.constant 3 : i32
          %scan3A_933 = arith.addi %scan3A_679, %scan3A_932 : i32
          %mul3A_934 = arith.constant 16 : i32
          %mul3A_935 = arith.muli %scan3A_618, %mul3A_934 : i32
          %add3A_936 = arith.addi %mul3A_935, %scan3A_933 : i32
          %get3A_937 = arith.index_cast %add3A_936 : i32 to index
          %get3A_938 = arith.constant 0 : index
          %get3A_939 = tpu.vector_load %arg8[%get3A_937, %get3A_938] {strides = array<i32>} : memref<128x128xf32, #tpu.memory_space<vmem>>, vector<1x16xf32>,
          %get3A_940 = vector.shape_cast %get3A_939 : vector<1x16xf32> to vector<16xf32>
          %add3A_941 = arith.addf %get3A_940, %get3A_624 : vector<16xf32>
          %swap3A_942 = arith.index_cast %add3A_936 : i32 to index
          %swap3A_943 = arith.constant 0 : index
          %swap3A_944 = tpu.vector_load %arg8[%swap3A_942, %swap3A_943] {strides = array<i32>} : memref<128x128xf32, #tpu.memory_space<vmem>>, vector<1x16xf32>,
          %swap3A_945 = vector.shape_cast %swap3A_944 : vector<1x16xf32> to vector<16xf32>
          %swap3A_946 = vector.shape_cast %add3A_941 : vector<16xf32> to vector<1x16xf32>
          tpu.vector_store %arg8[%swap3A_942, %swap3A_943], %swap3A_946 {strides = array<i32>} : memref<128x128xf32, #tpu.memory_space<vmem>>, vector<1x16xf32>,
          %get3A_947 = arith.index_cast %add3A_936 : i32 to index
          %get3A_948 = arith.constant 16 : index
          %get3A_949 = tpu.vector_load %arg8[%get3A_947, %get3A_948] {strides = array<i32>} : memref<128x128xf32, #tpu.memory_space<vmem>>, vector<1x16xf32>,
          %get3A_950 = vector.shape_cast %get3A_949 : vector<1x16xf32> to vector<16xf32>
          %add3A_951 = arith.addf %get3A_950, %get3A_631 : vector<16xf32>
          %swap3A_952 = arith.index_cast %add3A_936 : i32 to index
          %swap3A_953 = arith.constant 16 : index
          %swap3A_954 = tpu.vector_load %arg8[%swap3A_952, %swap3A_953] {strides = array<i32>} : memref<128x128xf32, #tpu.memory_space<vmem>>, vector<1x16xf32>,
          %swap3A_955 = vector.shape_cast %swap3A_954 : vector<1x16xf32> to vector<16xf32>
          %swap3A_956 = vector.shape_cast %add3A_951 : vector<16xf32> to vector<1x16xf32>
          tpu.vector_store %arg8[%swap3A_952, %swap3A_953], %swap3A_956 {strides = array<i32>} : memref<128x128xf32, #tpu.memory_space<vmem>>, vector<1x16xf32>,
          %get3A_957 = arith.index_cast %add3A_936 : i32 to index
          %get3A_958 = arith.constant 32 : index
          %get3A_959 = tpu.vector_load %arg8[%get3A_957, %get3A_958] {strides = array<i32>} : memref<128x128xf32, #tpu.memory_space<vmem>>, vector<1x16xf32>,
          %get3A_960 = vector.shape_cast %get3A_959 : vector<1x16xf32> to vector<16xf32>
          %add3A_961 = arith.addf %get3A_960, %get3A_638 : vector<16xf32>
          %swap3A_962 = arith.index_cast %add3A_936 : i32 to index
          %swap3A_963 = arith.constant 32 : index
          %swap3A_964 = tpu.vector_load %arg8[%swap3A_962, %swap3A_963] {strides = array<i32>} : memref<128x128xf32, #tpu.memory_space<vmem>>, vector<1x16xf32>,
          %swap3A_965 = vector.shape_cast %swap3A_964 : vector<1x16xf32> to vector<16xf32>
          %swap3A_966 = vector.shape_cast %add3A_961 : vector<16xf32> to vector<1x16xf32>
          tpu.vector_store %arg8[%swap3A_962, %swap3A_963], %swap3A_966 {strides = array<i32>} : memref<128x128xf32, #tpu.memory_space<vmem>>, vector<1x16xf32>,
          %get3A_967 = arith.index_cast %add3A_936 : i32 to index
          %get3A_968 = arith.constant 48 : index
          %get3A_969 = tpu.vector_load %arg8[%get3A_967, %get3A_968] {strides = array<i32>} : memref<128x128xf32, #tpu.memory_space<vmem>>, vector<1x16xf32>,
          %get3A_970 = vector.shape_cast %get3A_969 : vector<1x16xf32> to vector<16xf32>
          %add3A_971 = arith.addf %get3A_970, %get3A_645 : vector<16xf32>
          %swap3A_972 = arith.index_cast %add3A_936 : i32 to index
          %swap3A_973 = arith.constant 48 : index
          %swap3A_974 = tpu.vector_load %arg8[%swap3A_972, %swap3A_973] {strides = array<i32>} : memref<128x128xf32, #tpu.memory_space<vmem>>, vector<1x16xf32>,
          %swap3A_975 = vector.shape_cast %swap3A_974 : vector<1x16xf32> to vector<16xf32>
          %swap3A_976 = vector.shape_cast %add3A_971 : vector<16xf32> to vector<1x16xf32>
          tpu.vector_store %arg8[%swap3A_972, %swap3A_973], %swap3A_976 {strides = array<i32>} : memref<128x128xf32, #tpu.memory_space<vmem>>, vector<1x16xf32>,
          %get3A_977 = arith.index_cast %add3A_936 : i32 to index
          %get3A_978 = arith.constant 64 : index
          %get3A_979 = tpu.vector_load %arg8[%get3A_977, %get3A_978] {strides = array<i32>} : memref<128x128xf32, #tpu.memory_space<vmem>>, vector<1x16xf32>,
          %get3A_980 = vector.shape_cast %get3A_979 : vector<1x16xf32> to vector<16xf32>
          %add3A_981 = arith.addf %get3A_980, %get3A_652 : vector<16xf32>
          %swap3A_982 = arith.index_cast %add3A_936 : i32 to index
          %swap3A_983 = arith.constant 64 : index
          %swap3A_984 = tpu.vector_load %arg8[%swap3A_982, %swap3A_983] {strides = array<i32>} : memref<128x128xf32, #tpu.memory_space<vmem>>, vector<1x16xf32>,
          %swap3A_985 = vector.shape_cast %swap3A_984 : vector<1x16xf32> to vector<16xf32>
          %swap3A_986 = vector.shape_cast %add3A_981 : vector<16xf32> to vector<1x16xf32>
          tpu.vector_store %arg8[%swap3A_982, %swap3A_983], %swap3A_986 {strides = array<i32>} : memref<128x128xf32, #tpu.memory_space<vmem>>, vector<1x16xf32>,
          %get3A_987 = arith.index_cast %add3A_936 : i32 to index
          %get3A_988 = arith.constant 80 : index
          %get3A_989 = tpu.vector_load %arg8[%get3A_987, %get3A_988] {strides = array<i32>} : memref<128x128xf32, #tpu.memory_space<vmem>>, vector<1x16xf32>,
          %get3A_990 = vector.shape_cast %get3A_989 : vector<1x16xf32> to vector<16xf32>
          %add3A_991 = arith.addf %get3A_990, %get3A_659 : vector<16xf32>
          %swap3A_992 = arith.index_cast %add3A_936 : i32 to index
          %swap3A_993 = arith.constant 80 : index
          %swap3A_994 = tpu.vector_load %arg8[%swap3A_992, %swap3A_993] {strides = array<i32>} : memref<128x128xf32, #tpu.memory_space<vmem>>, vector<1x16xf32>,
          %swap3A_995 = vector.shape_cast %swap3A_994 : vector<1x16xf32> to vector<16xf32>
          %swap3A_996 = vector.shape_cast %add3A_991 : vector<16xf32> to vector<1x16xf32>
          tpu.vector_store %arg8[%swap3A_992, %swap3A_993], %swap3A_996 {strides = array<i32>} : memref<128x128xf32, #tpu.memory_space<vmem>>, vector<1x16xf32>,
          %get3A_997 = arith.index_cast %add3A_936 : i32 to index
          %get3A_998 = arith.constant 96 : index
          %get3A_999 = tpu.vector_load %arg8[%get3A_997, %get3A_998] {strides = array<i32>} : memref<128x128xf32, #tpu.memory_space<vmem>>, vector<1x16xf32>,
          %get3A_1000 = vector.shape_cast %get3A_999 : vector<1x16xf32> to vector<16xf32>
          %add3A_1001 = arith.addf %get3A_1000, %get3A_666 : vector<16xf32>
          %swap3A_1002 = arith.index_cast %add3A_936 : i32 to index
          %swap3A_1003 = arith.constant 96 : index
          %swap3A_1004 = tpu.vector_load %arg8[%swap3A_1002, %swap3A_1003] {strides = array<i32>} : memref<128x128xf32, #tpu.memory_space<vmem>>, vector<1x16xf32>,
          %swap3A_1005 = vector.shape_cast %swap3A_1004 : vector<1x16xf32> to vector<16xf32>
          %swap3A_1006 = vector.shape_cast %add3A_1001 : vector<16xf32> to vector<1x16xf32>
          tpu.vector_store %arg8[%swap3A_1002, %swap3A_1003], %swap3A_1006 {strides = array<i32>} : memref<128x128xf32, #tpu.memory_space<vmem>>, vector<1x16xf32>,
          %get3A_1007 = arith.index_cast %add3A_936 : i32 to index
          %get3A_1008 = arith.constant 112 : index
          %get3A_1009 = tpu.vector_load %arg8[%get3A_1007, %get3A_1008] {strides = array<i32>} : memref<128x128xf32, #tpu.memory_space<vmem>>, vector<1x16xf32>,
          %get3A_1010 = vector.shape_cast %get3A_1009 : vector<1x16xf32> to vector<16xf32>
          %add3A_1011 = arith.addf %get3A_1010, %get3A_673 : vector<16xf32>
          %swap3A_1012 = arith.index_cast %add3A_936 : i32 to index
          %swap3A_1013 = arith.constant 112 : index
          %swap3A_1014 = tpu.vector_load %arg8[%swap3A_1012, %swap3A_1013] {strides = array<i32>} : memref<128x128xf32, #tpu.memory_space<vmem>>, vector<1x16xf32>,
          %swap3A_1015 = vector.shape_cast %swap3A_1014 : vector<1x16xf32> to vector<16xf32>
          %swap3A_1016 = vector.shape_cast %add3A_1011 : vector<16xf32> to vector<1x16xf32>
          tpu.vector_store %arg8[%swap3A_1012, %swap3A_1013], %swap3A_1016 {strides = array<i32>} : memref<128x128xf32, #tpu.memory_space<vmem>>, vector<1x16xf32>,
        }
        %scan3A_678 = arith.constant 16 : i32
      }
      %scan3A_153 = arith.constant 8 : i32
      %jit3A_154 = arith.constant 4 : i32
      %div3A_155 = arith.divsi %add3A_82, %jit3A_154 : i32
      %sign3A_156 = arith.constant 0 : i32
      %sign3A_157 = arith.cmpi sgt, %add3A_82, %sign3A_156 : i32
      %sign3A_158 = arith.extui %sign3A_157 : i1 to i32
      %sign3A_159 = arith.constant 0 : i32
      %sign3A_160 = arith.cmpi slt, %add3A_82, %sign3A_159 : i32
      %sign3A_161 = arith.extui %sign3A_160 : i1 to i32
      %sign3A_162 = arith.subi %sign3A_158, %sign3A_161 : i32
      %sign3A_163 = arith.constant 0 : i32
      %sign3A_164 = arith.cmpi sgt, %jit3A_154, %sign3A_163 : i32
      %sign3A_165 = arith.extui %sign3A_164 : i1 to i32
      %sign3A_166 = arith.constant 0 : i32
      %sign3A_167 = arith.cmpi slt, %jit3A_154, %sign3A_166 : i32
      %sign3A_168 = arith.extui %sign3A_167 : i1 to i32
      %sign3A_169 = arith.subi %sign3A_165, %sign3A_168 : i32
      %ne3A_170 = arith.cmpi ne, %sign3A_162, %sign3A_169 : i32
      %rem3A_171 = arith.remsi %add3A_82, %jit3A_154 : i32
      %ne3A_172 = arith.constant 0 : i32
      %ne3A_173 = arith.cmpi ne, %rem3A_171, %ne3A_172 : i32
      %and3A_174 = arith.andi %ne3A_170, %ne3A_173 : i1
      %sub3A_175 = arith.constant 1 : i32
      %sub3A_176 = arith.subi %div3A_155, %sub3A_175 : i32
      %select_n3A_177 = arith.select %and3A_174, %sub3A_176, %div3A_155 : i32
      %mul3A_178 = arith.constant 16384 : i32
      %mul3A_179 = arith.muli %select_n3A_177, %mul3A_178 : i32
      %add3A_180 = arith.addi %mul3A_179, %mul3A_4 : i32
      %jit3A_181 = arith.constant 4 : i32
      %eq3A_182 = arith.constant 0 : i32
      %eq3A_183 = arith.cmpi eq, %jit3A_181, %eq3A_182 : i32
      %jit3A_184 = arith.constant 1 : i32
      %select_n3A_185 = arith.select %eq3A_183, %jit3A_184, %jit3A_181 : i32
      %rem3A_186 = arith.remsi %add3A_82, %select_n3A_185 : i32
      %ne3A_187 = arith.constant 0 : i32
      %ne3A_188 = arith.cmpi ne, %rem3A_186, %ne3A_187 : i32
      %lt3A_189 = arith.constant 0 : i32
      %lt3A_190 = arith.cmpi slt, %rem3A_186, %lt3A_189 : i32
      %lt3A_191 = arith.constant 0 : i32
      %lt3A_192 = arith.cmpi slt, %select_n3A_185, %lt3A_191 : i32
      %ne3A_193 = arith.xori %lt3A_190, %lt3A_192 : i1
      %and3A_194 = arith.andi %ne3A_193, %ne3A_188 : i1
      %add3A_195 = arith.addi %rem3A_186, %select_n3A_185 : i32
      %select_n3A_196 = arith.select %and3A_194, %add3A_195, %rem3A_186 : i32
      %mul3A_197 = arith.constant 128 : i32
      %mul3A_198 = arith.muli %select_n3A_196, %mul3A_197 : i32
      %add3A_199 = arith.addi %add3A_180, %mul3A_198 : i32
      %dma_start3A_200 = arith.constant 0 : i32
      %dma_start3A_201 = tpu.memref_slice %arg5[%add3A_199, %dma_start3A_200] : memref<65536x128xf32, #tpu.memory_space<hbm>> -> memref<128x128xf32, #tpu.memory_space<hbm>>
      %dma_start3A_202 = arith.constant 0 : i32
      %dma_start3A_203 = tpu.memref_slice %arg5[%add3A_199, %dma_start3A_202] : memref<65536x128xf32, #tpu.memory_space<hbm>> -> memref<128x128xf32, #tpu.memory_space<hbm>>
      tpu.enqueue_dma source(%arg8 : memref<128x128xf32, #tpu.memory_space<vmem>>) target(%dma_start3A_203 : memref<128x128xf32, #tpu.memory_space<hbm>>) target_semaphore(%arg17 : memref<!tpu.dma_semaphore, #tpu.memory_space<semaphore_mem>>)
      %mul3A_204 = arith.constant 4 : i32
      %mul3A_205 = arith.muli %scan3A_78, %mul3A_204 : i32
      %add3A_206 = arith.constant 1 : i32
      %add3A_207 = arith.addi %mul3A_205, %add3A_206 : i32
      %ge3A_208 = arith.constant 1 : i32
      %ge3A_209 = arith.cmpi sge, %add3A_207, %ge3A_208 : i32
      %add3A_210 = arith.constant 4 : i32
      %add3A_211 = arith.addi %add3A_207, %add3A_210 : i32
      %sub3A_212 = arith.constant 1 : i32
      %sub3A_213 = arith.subi %add3A_211, %sub3A_212 : i32
      %lt3A_214 = arith.constant 16 : i32
      %lt3A_215 = arith.cmpi slt, %sub3A_213, %lt3A_214 : i32
      %and3A_216 = arith.andi %ge3A_209, %lt3A_215 : i1
      %convert_element_type3A_217 = arith.extui %and3A_216 : i1 to i32
      %cond3A_218 = arith.constant 0 : i32
      %cond3A_219 = arith.cmpi ne, %convert_element_type3A_217, %cond3A_218 : i32
      scf.if %cond3A_219 {
        %sub3A_618 = arith.constant 1 : i32
        %sub3A_619 = arith.subi %add3A_207, %sub3A_618 : i32
        %jit3A_620 = arith.constant 4 : i32
        %div3A_621 = arith.divsi %sub3A_619, %jit3A_620 : i32
        %sign3A_622 = arith.constant 0 : i32
        %sign3A_623 = arith.cmpi sgt, %sub3A_619, %sign3A_622 : i32
        %sign3A_624 = arith.extui %sign3A_623 : i1 to i32
        %sign3A_625 = arith.constant 0 : i32
        %sign3A_626 = arith.cmpi slt, %sub3A_619, %sign3A_625 : i32
        %sign3A_627 = arith.extui %sign3A_626 : i1 to i32
        %sign3A_628 = arith.subi %sign3A_624, %sign3A_627 : i32
        %sign3A_629 = arith.constant 0 : i32
        %sign3A_630 = arith.cmpi sgt, %jit3A_620, %sign3A_629 : i32
        %sign3A_631 = arith.extui %sign3A_630 : i1 to i32
        %sign3A_632 = arith.constant 0 : i32
        %sign3A_633 = arith.cmpi slt, %jit3A_620, %sign3A_632 : i32
        %sign3A_634 = arith.extui %sign3A_633 : i1 to i32
        %sign3A_635 = arith.subi %sign3A_631, %sign3A_634 : i32
        %ne3A_636 = arith.cmpi ne, %sign3A_628, %sign3A_635 : i32
        %rem3A_637 = arith.remsi %sub3A_619, %jit3A_620 : i32
        %ne3A_638 = arith.constant 0 : i32
        %ne3A_639 = arith.cmpi ne, %rem3A_637, %ne3A_638 : i32
        %and3A_640 = arith.andi %ne3A_636, %ne3A_639 : i1
        %sub3A_641 = arith.constant 1 : i32
        %sub3A_642 = arith.subi %div3A_621, %sub3A_641 : i32
        %select_n3A_643 = arith.select %and3A_640, %sub3A_642, %div3A_621 : i32
        %mul3A_644 = arith.constant 16384 : i32
        %mul3A_645 = arith.muli %select_n3A_643, %mul3A_644 : i32
        %add3A_646 = arith.addi %mul3A_645, %mul3A_4 : i32
        %jit3A_647 = arith.constant 4 : i32
        %eq3A_648 = arith.constant 0 : i32
        %eq3A_649 = arith.cmpi eq, %jit3A_647, %eq3A_648 : i32
        %jit3A_650 = arith.constant 1 : i32
        %select_n3A_651 = arith.select %eq3A_649, %jit3A_650, %jit3A_647 : i32
        %rem3A_652 = arith.remsi %sub3A_619, %select_n3A_651 : i32
        %ne3A_653 = arith.constant 0 : i32
        %ne3A_654 = arith.cmpi ne, %rem3A_652, %ne3A_653 : i32
        %lt3A_655 = arith.constant 0 : i32
        %lt3A_656 = arith.cmpi slt, %rem3A_652, %lt3A_655 : i32
        %lt3A_657 = arith.constant 0 : i32
        %lt3A_658 = arith.cmpi slt, %select_n3A_651, %lt3A_657 : i32
        %ne3A_659 = arith.xori %lt3A_656, %lt3A_658 : i1
        %and3A_660 = arith.andi %ne3A_659, %ne3A_654 : i1
        %add3A_661 = arith.addi %rem3A_652, %select_n3A_651 : i32
        %select_n3A_662 = arith.select %and3A_660, %add3A_661, %rem3A_652 : i32
        %mul3A_663 = arith.constant 128 : i32
        %mul3A_664 = arith.muli %select_n3A_662, %mul3A_663 : i32
        %add3A_665 = arith.addi %add3A_646, %mul3A_664 : i32
        %dma_wait3A_666 = arith.constant 0 : i32
        %dma_wait3A_667 = tpu.memref_slice %arg5[%add3A_665, %dma_wait3A_666] : memref<65536x128xf32, #tpu.memory_space<hbm>> -> memref<128x128xf32, #tpu.memory_space<hbm>>
        %dma_wait3A_668 = arith.constant 0 : i32
        %dma_wait3A_669 = tpu.memref_slice %arg5[%add3A_665, %dma_wait3A_668] : memref<65536x128xf32, #tpu.memory_space<hbm>> -> memref<128x128xf32, #tpu.memory_space<hbm>>
        tpu.wait_dma2 semaphore(%arg17 : memref<!tpu.dma_semaphore, #tpu.memory_space<semaphore_mem>>) src(%arg8 : memref<128x128xf32, #tpu.memory_space<vmem>>) dst(%dma_wait3A_669 : memref<128x128xf32, #tpu.memory_space<hbm>>)
        %sub3A_670 = arith.constant 1 : i32
        %sub3A_671 = arith.subi %add3A_207, %sub3A_670 : i32
        %add3A_672 = arith.constant 4 : i32
        %add3A_673 = arith.addi %sub3A_671, %add3A_672 : i32
        %jit3A_674 = arith.constant 4 : i32
        %div3A_675 = arith.divsi %add3A_673, %jit3A_674 : i32
        %sign3A_676 = arith.constant 0 : i32
        %sign3A_677 = arith.cmpi sgt, %add3A_673, %sign3A_676 : i32
        %sign3A_678 = arith.extui %sign3A_677 : i1 to i32
        %sign3A_679 = arith.constant 0 : i32
        %sign3A_680 = arith.cmpi slt, %add3A_673, %sign3A_679 : i32
        %sign3A_681 = arith.extui %sign3A_680 : i1 to i32
        %sign3A_682 = arith.subi %sign3A_678, %sign3A_681 : i32
        %sign3A_683 = arith.constant 0 : i32
        %sign3A_684 = arith.cmpi sgt, %jit3A_674, %sign3A_683 : i32
        %sign3A_685 = arith.extui %sign3A_684 : i1 to i32
        %sign3A_686 = arith.constant 0 : i32
        %sign3A_687 = arith.cmpi slt, %jit3A_674, %sign3A_686 : i32
        %sign3A_688 = arith.extui %sign3A_687 : i1 to i32
        %sign3A_689 = arith.subi %sign3A_685, %sign3A_688 : i32
        %ne3A_690 = arith.cmpi ne, %sign3A_682, %sign3A_689 : i32
        %rem3A_691 = arith.remsi %add3A_673, %jit3A_674 : i32
        %ne3A_692 = arith.constant 0 : i32
        %ne3A_693 = arith.cmpi ne, %rem3A_691, %ne3A_692 : i32
        %and3A_694 = arith.andi %ne3A_690, %ne3A_693 : i1
        %sub3A_695 = arith.constant 1 : i32
        %sub3A_696 = arith.subi %div3A_675, %sub3A_695 : i32
        %select_n3A_697 = arith.select %and3A_694, %sub3A_696, %div3A_675 : i32
        %mul3A_698 = arith.constant 16384 : i32
        %mul3A_699 = arith.muli %select_n3A_697, %mul3A_698 : i32
        %add3A_700 = arith.addi %mul3A_699, %mul3A_4 : i32
        %jit3A_701 = arith.constant 4 : i32
        %eq3A_702 = arith.constant 0 : i32
        %eq3A_703 = arith.cmpi eq, %jit3A_701, %eq3A_702 : i32
        %jit3A_704 = arith.constant 1 : i32
        %select_n3A_705 = arith.select %eq3A_703, %jit3A_704, %jit3A_701 : i32
        %rem3A_706 = arith.remsi %add3A_673, %select_n3A_705 : i32
        %ne3A_707 = arith.constant 0 : i32
        %ne3A_708 = arith.cmpi ne, %rem3A_706, %ne3A_707 : i32
        %lt3A_709 = arith.constant 0 : i32
        %lt3A_710 = arith.cmpi slt, %rem3A_706, %lt3A_709 : i32
        %lt3A_711 = arith.constant 0 : i32
        %lt3A_712 = arith.cmpi slt, %select_n3A_705, %lt3A_711 : i32
        %ne3A_713 = arith.xori %lt3A_710, %lt3A_712 : i1
        %and3A_714 = arith.andi %ne3A_713, %ne3A_708 : i1
        %add3A_715 = arith.addi %rem3A_706, %select_n3A_705 : i32
        %select_n3A_716 = arith.select %and3A_714, %add3A_715, %rem3A_706 : i32
        %mul3A_717 = arith.constant 128 : i32
        %mul3A_718 = arith.muli %select_n3A_716, %mul3A_717 : i32
        %add3A_719 = arith.addi %add3A_700, %mul3A_718 : i32
        %dma_start3A_720 = arith.constant 0 : i32
        %dma_start3A_721 = tpu.memref_slice %arg2[%add3A_719, %dma_start3A_720] : memref<65536x128xf32, #tpu.memory_space<hbm>> -> memref<128x128xf32, #tpu.memory_space<hbm>>
        %dma_start3A_722 = arith.constant 0 : i32
        %dma_start3A_723 = tpu.memref_slice %arg2[%add3A_719, %dma_start3A_722] : memref<65536x128xf32, #tpu.memory_space<hbm>> -> memref<128x128xf32, #tpu.memory_space<hbm>>
        tpu.enqueue_dma source(%dma_start3A_723 : memref<128x128xf32, #tpu.memory_space<hbm>>) target(%arg8 : memref<128x128xf32, #tpu.memory_space<vmem>>) target_semaphore(%arg13 : memref<!tpu.dma_semaphore, #tpu.memory_space<semaphore_mem>>)
      } else {
      }
      %jit3A_220 = arith.constant 4 : i32
      %div3A_221 = arith.divsi %add3A_207, %jit3A_220 : i32
      %sign3A_222 = arith.constant 0 : i32
      %sign3A_223 = arith.cmpi sgt, %add3A_207, %sign3A_222 : i32
      %sign3A_224 = arith.extui %sign3A_223 : i1 to i32
      %sign3A_225 = arith.constant 0 : i32
      %sign3A_226 = arith.cmpi slt, %add3A_207, %sign3A_225 : i32
      %sign3A_227 = arith.extui %sign3A_226 : i1 to i32
      %sign3A_228 = arith.subi %sign3A_224, %sign3A_227 : i32
      %sign3A_229 = arith.constant 0 : i32
      %sign3A_230 = arith.cmpi sgt, %jit3A_220, %sign3A_229 : i32
      %sign3A_231 = arith.extui %sign3A_230 : i1 to i32
      %sign3A_232 = arith.constant 0 : i32
      %sign3A_233 = arith.cmpi slt, %jit3A_220, %sign3A_232 : i32
      %sign3A_234 = arith.extui %sign3A_233 : i1 to i32
      %sign3A_235 = arith.subi %sign3A_231, %sign3A_234 : i32
      %ne3A_236 = arith.cmpi ne, %sign3A_228, %sign3A_235 : i32
      %rem3A_237 = arith.remsi %add3A_207, %jit3A_220 : i32
      %ne3A_238 = arith.constant 0 : i32
      %ne3A_239 = arith.cmpi ne, %rem3A_237, %ne3A_238 : i32
      %and3A_240 = arith.andi %ne3A_236, %ne3A_239 : i1
      %sub3A_241 = arith.constant 1 : i32
      %sub3A_242 = arith.subi %div3A_221, %sub3A_241 : i32
      %select_n3A_243 = arith.select %and3A_240, %sub3A_242, %div3A_221 : i32
      %mul3A_244 = arith.constant 16384 : i32
      %mul3A_245 = arith.muli %select_n3A_243, %mul3A_244 : i32
      %add3A_246 = arith.addi %mul3A_245, %mul3A_4 : i32
      %jit3A_247 = arith.constant 4 : i32
      %eq3A_248 = arith.constant 0 : i32
      %eq3A_249 = arith.cmpi eq, %jit3A_247, %eq3A_248 : i32
      %jit3A_250 = arith.constant 1 : i32
      %select_n3A_251 = arith.select %eq3A_249, %jit3A_250, %jit3A_247 : i32
      %rem3A_252 = arith.remsi %add3A_207, %select_n3A_251 : i32
      %ne3A_253 = arith.constant 0 : i32
      %ne3A_254 = arith.cmpi ne, %rem3A_252, %ne3A_253 : i32
      %lt3A_255 = arith.constant 0 : i32
      %lt3A_256 = arith.cmpi slt, %rem3A_252, %lt3A_255 : i32
      %lt3A_257 = arith.constant 0 : i32
      %lt3A_258 = arith.cmpi slt, %select_n3A_251, %lt3A_257 : i32
      %ne3A_259 = arith.xori %lt3A_256, %lt3A_258 : i1
      %and3A_260 = arith.andi %ne3A_259, %ne3A_254 : i1
      %add3A_261 = arith.addi %rem3A_252, %select_n3A_251 : i32
      %select_n3A_262 = arith.select %and3A_260, %add3A_261, %rem3A_252 : i32
      %mul3A_263 = arith.constant 128 : i32
      %mul3A_264 = arith.muli %select_n3A_262, %mul3A_263 : i32
      %add3A_265 = arith.addi %add3A_246, %mul3A_264 : i32
      %dma_wait3A_266 = arith.constant 0 : i32
      %dma_wait3A_267 = tpu.memref_slice %arg2[%add3A_265, %dma_wait3A_266] : memref<65536x128xf32, #tpu.memory_space<hbm>> -> memref<128x128xf32, #tpu.memory_space<hbm>>
      %dma_wait3A_268 = arith.constant 0 : i32
      %dma_wait3A_269 = tpu.memref_slice %arg2[%add3A_265, %dma_wait3A_268] : memref<65536x128xf32, #tpu.memory_space<hbm>> -> memref<128x128xf32, #tpu.memory_space<hbm>>
      tpu.wait_dma2 semaphore(%arg14 : memref<!tpu.dma_semaphore, #tpu.memory_space<semaphore_mem>>) src(%dma_wait3A_269 : memref<128x128xf32, #tpu.memory_space<hbm>>) dst(%arg9 : memref<128x128xf32, #tpu.memory_space<vmem>>)
      %jit3A_270 = arith.constant 4 : i32
      %eq3A_271 = arith.constant 0 : i32
      %eq3A_272 = arith.cmpi eq, %jit3A_270, %eq3A_271 : i32
      %jit3A_273 = arith.constant 1 : i32
      %select_n3A_274 = arith.select %eq3A_272, %jit3A_273, %jit3A_270 : i32
      %rem3A_275 = arith.remsi %add3A_207, %select_n3A_274 : i32
      %ne3A_276 = arith.constant 0 : i32
      %ne3A_277 = arith.cmpi ne, %rem3A_275, %ne3A_276 : i32
      %lt3A_278 = arith.constant 0 : i32
      %lt3A_279 = arith.cmpi slt, %rem3A_275, %lt3A_278 : i32
      %lt3A_280 = arith.constant 0 : i32
      %lt3A_281 = arith.cmpi slt, %select_n3A_274, %lt3A_280 : i32
      %ne3A_282 = arith.xori %lt3A_279, %lt3A_281 : i1
      %and3A_283 = arith.andi %ne3A_282, %ne3A_277 : i1
      %add3A_284 = arith.addi %rem3A_275, %select_n3A_274 : i32
      %select_n3A_285 = arith.select %and3A_283, %add3A_284, %rem3A_275 : i32
      %scan3A_286 = arith.constant 0 : i32
      %scan3A_287 = arith.constant 0 : i32
      %scan3A_288 = arith.constant 8 : i32
      %scan3A_289 = arith.addi %scan3A_287, %scan3A_288 : i32
      %scan3A_290 = arith.constant 1 : i32
      scf.for %scan3A_618 = %scan3A_287 to %scan3A_289 step %scan3A_290  : i32 {
        %mul3A_619 = arith.constant 8 : i32
        %mul3A_620 = arith.muli %select_n3A_285, %mul3A_619 : i32
        %add3A_621 = arith.addi %mul3A_620, %scan3A_618 : i32
        %get3A = arith.index_cast %add3A_621 : i32 to index
        %get3A_622 = arith.constant 0 : index
        %get3A_623 = tpu.vector_load %arg7[%get3A, %get3A_622] {strides = array<i32>} : memref<32x128xf32, #tpu.memory_space<vmem>>, vector<1x16xf32>,
        %get3A_624 = vector.shape_cast %get3A_623 : vector<1x16xf32> to vector<16xf32>
        %mul3A_625 = arith.constant 8 : i32
        %mul3A_626 = arith.muli %select_n3A_285, %mul3A_625 : i32
        %add3A_627 = arith.addi %mul3A_626, %scan3A_618 : i32
        %get3A_628 = arith.index_cast %add3A_627 : i32 to index
        %get3A_629 = arith.constant 16 : index
        %get3A_630 = tpu.vector_load %arg7[%get3A_628, %get3A_629] {strides = array<i32>} : memref<32x128xf32, #tpu.memory_space<vmem>>, vector<1x16xf32>,
        %get3A_631 = vector.shape_cast %get3A_630 : vector<1x16xf32> to vector<16xf32>
        %mul3A_632 = arith.constant 8 : i32
        %mul3A_633 = arith.muli %select_n3A_285, %mul3A_632 : i32
        %add3A_634 = arith.addi %mul3A_633, %scan3A_618 : i32
        %get3A_635 = arith.index_cast %add3A_634 : i32 to index
        %get3A_636 = arith.constant 32 : index
        %get3A_637 = tpu.vector_load %arg7[%get3A_635, %get3A_636] {strides = array<i32>} : memref<32x128xf32, #tpu.memory_space<vmem>>, vector<1x16xf32>,
        %get3A_638 = vector.shape_cast %get3A_637 : vector<1x16xf32> to vector<16xf32>
        %mul3A_639 = arith.constant 8 : i32
        %mul3A_640 = arith.muli %select_n3A_285, %mul3A_639 : i32
        %add3A_641 = arith.addi %mul3A_640, %scan3A_618 : i32
        %get3A_642 = arith.index_cast %add3A_641 : i32 to index
        %get3A_643 = arith.constant 48 : index
        %get3A_644 = tpu.vector_load %arg7[%get3A_642, %get3A_643] {strides = array<i32>} : memref<32x128xf32, #tpu.memory_space<vmem>>, vector<1x16xf32>,
        %get3A_645 = vector.shape_cast %get3A_644 : vector<1x16xf32> to vector<16xf32>
        %mul3A_646 = arith.constant 8 : i32
        %mul3A_647 = arith.muli %select_n3A_285, %mul3A_646 : i32
        %add3A_648 = arith.addi %mul3A_647, %scan3A_618 : i32
        %get3A_649 = arith.index_cast %add3A_648 : i32 to index
        %get3A_650 = arith.constant 64 : index
        %get3A_651 = tpu.vector_load %arg7[%get3A_649, %get3A_650] {strides = array<i32>} : memref<32x128xf32, #tpu.memory_space<vmem>>, vector<1x16xf32>,
        %get3A_652 = vector.shape_cast %get3A_651 : vector<1x16xf32> to vector<16xf32>
        %mul3A_653 = arith.constant 8 : i32
        %mul3A_654 = arith.muli %select_n3A_285, %mul3A_653 : i32
        %add3A_655 = arith.addi %mul3A_654, %scan3A_618 : i32
        %get3A_656 = arith.index_cast %add3A_655 : i32 to index
        %get3A_657 = arith.constant 80 : index
        %get3A_658 = tpu.vector_load %arg7[%get3A_656, %get3A_657] {strides = array<i32>} : memref<32x128xf32, #tpu.memory_space<vmem>>, vector<1x16xf32>,
        %get3A_659 = vector.shape_cast %get3A_658 : vector<1x16xf32> to vector<16xf32>
        %mul3A_660 = arith.constant 8 : i32
        %mul3A_661 = arith.muli %select_n3A_285, %mul3A_660 : i32
        %add3A_662 = arith.addi %mul3A_661, %scan3A_618 : i32
        %get3A_663 = arith.index_cast %add3A_662 : i32 to index
        %get3A_664 = arith.constant 96 : index
        %get3A_665 = tpu.vector_load %arg7[%get3A_663, %get3A_664] {strides = array<i32>} : memref<32x128xf32, #tpu.memory_space<vmem>>, vector<1x16xf32>,
        %get3A_666 = vector.shape_cast %get3A_665 : vector<1x16xf32> to vector<16xf32>
        %mul3A_667 = arith.constant 8 : i32
        %mul3A_668 = arith.muli %select_n3A_285, %mul3A_667 : i32
        %add3A_669 = arith.addi %mul3A_668, %scan3A_618 : i32
        %get3A_670 = arith.index_cast %add3A_669 : i32 to index
        %get3A_671 = arith.constant 112 : index
        %get3A_672 = tpu.vector_load %arg7[%get3A_670, %get3A_671] {strides = array<i32>} : memref<32x128xf32, #tpu.memory_space<vmem>>, vector<1x16xf32>,
        %get3A_673 = vector.shape_cast %get3A_672 : vector<1x16xf32> to vector<16xf32>
        %scan3A_674 = arith.constant 0 : i32
        %scan3A_675 = arith.constant 16 : i32
        %scan3A_676 = arith.addi %scan3A_674, %scan3A_675 : i32
        %scan3A_677 = arith.constant 4 : i32
        scf.for %scan3A_679 = %scan3A_674 to %scan3A_676 step %scan3A_677  : i32 {
          %mul3A_680 = arith.constant 16 : i32
          %mul3A_681 = arith.muli %scan3A_618, %mul3A_680 : i32
          %add3A_682 = arith.addi %mul3A_681, %scan3A_679 : i32
          %get3A_683 = arith.index_cast %add3A_682 : i32 to index
          %get3A_684 = arith.constant 0 : index
          %get3A_685 = tpu.vector_load %arg9[%get3A_683, %get3A_684] {strides = array<i32>} : memref<128x128xf32, #tpu.memory_space<vmem>>, vector<1x16xf32>,
          %get3A_686 = vector.shape_cast %get3A_685 : vector<1x16xf32> to vector<16xf32>
          %add3A_687 = arith.addf %get3A_686, %get3A_624 : vector<16xf32>
          %swap3A = arith.index_cast %add3A_682 : i32 to index
          %swap3A_688 = arith.constant 0 : index
          %swap3A_689 = tpu.vector_load %arg9[%swap3A, %swap3A_688] {strides = array<i32>} : memref<128x128xf32, #tpu.memory_space<vmem>>, vector<1x16xf32>,
          %swap3A_690 = vector.shape_cast %swap3A_689 : vector<1x16xf32> to vector<16xf32>
          %swap3A_691 = vector.shape_cast %add3A_687 : vector<16xf32> to vector<1x16xf32>
          tpu.vector_store %arg9[%swap3A, %swap3A_688], %swap3A_691 {strides = array<i32>} : memref<128x128xf32, #tpu.memory_space<vmem>>, vector<1x16xf32>,
          %get3A_692 = arith.index_cast %add3A_682 : i32 to index
          %get3A_693 = arith.constant 16 : index
          %get3A_694 = tpu.vector_load %arg9[%get3A_692, %get3A_693] {strides = array<i32>} : memref<128x128xf32, #tpu.memory_space<vmem>>, vector<1x16xf32>,
          %get3A_695 = vector.shape_cast %get3A_694 : vector<1x16xf32> to vector<16xf32>
          %add3A_696 = arith.addf %get3A_695, %get3A_631 : vector<16xf32>
          %swap3A_697 = arith.index_cast %add3A_682 : i32 to index
          %swap3A_698 = arith.constant 16 : index
          %swap3A_699 = tpu.vector_load %arg9[%swap3A_697, %swap3A_698] {strides = array<i32>} : memref<128x128xf32, #tpu.memory_space<vmem>>, vector<1x16xf32>,
          %swap3A_700 = vector.shape_cast %swap3A_699 : vector<1x16xf32> to vector<16xf32>
          %swap3A_701 = vector.shape_cast %add3A_696 : vector<16xf32> to vector<1x16xf32>
          tpu.vector_store %arg9[%swap3A_697, %swap3A_698], %swap3A_701 {strides = array<i32>} : memref<128x128xf32, #tpu.memory_space<vmem>>, vector<1x16xf32>,
          %get3A_702 = arith.index_cast %add3A_682 : i32 to index
          %get3A_703 = arith.constant 32 : index
          %get3A_704 = tpu.vector_load %arg9[%get3A_702, %get3A_703] {strides = array<i32>} : memref<128x128xf32, #tpu.memory_space<vmem>>, vector<1x16xf32>,
          %get3A_705 = vector.shape_cast %get3A_704 : vector<1x16xf32> to vector<16xf32>
          %add3A_706 = arith.addf %get3A_705, %get3A_638 : vector<16xf32>
          %swap3A_707 = arith.index_cast %add3A_682 : i32 to index
          %swap3A_708 = arith.constant 32 : index
          %swap3A_709 = tpu.vector_load %arg9[%swap3A_707, %swap3A_708] {strides = array<i32>} : memref<128x128xf32, #tpu.memory_space<vmem>>, vector<1x16xf32>,
          %swap3A_710 = vector.shape_cast %swap3A_709 : vector<1x16xf32> to vector<16xf32>
          %swap3A_711 = vector.shape_cast %add3A_706 : vector<16xf32> to vector<1x16xf32>
          tpu.vector_store %arg9[%swap3A_707, %swap3A_708], %swap3A_711 {strides = array<i32>} : memref<128x128xf32, #tpu.memory_space<vmem>>, vector<1x16xf32>,
          %get3A_712 = arith.index_cast %add3A_682 : i32 to index
          %get3A_713 = arith.constant 48 : index
          %get3A_714 = tpu.vector_load %arg9[%get3A_712, %get3A_713] {strides = array<i32>} : memref<128x128xf32, #tpu.memory_space<vmem>>, vector<1x16xf32>,
          %get3A_715 = vector.shape_cast %get3A_714 : vector<1x16xf32> to vector<16xf32>
          %add3A_716 = arith.addf %get3A_715, %get3A_645 : vector<16xf32>
          %swap3A_717 = arith.index_cast %add3A_682 : i32 to index
          %swap3A_718 = arith.constant 48 : index
          %swap3A_719 = tpu.vector_load %arg9[%swap3A_717, %swap3A_718] {strides = array<i32>} : memref<128x128xf32, #tpu.memory_space<vmem>>, vector<1x16xf32>,
          %swap3A_720 = vector.shape_cast %swap3A_719 : vector<1x16xf32> to vector<16xf32>
          %swap3A_721 = vector.shape_cast %add3A_716 : vector<16xf32> to vector<1x16xf32>
          tpu.vector_store %arg9[%swap3A_717, %swap3A_718], %swap3A_721 {strides = array<i32>} : memref<128x128xf32, #tpu.memory_space<vmem>>, vector<1x16xf32>,
          %get3A_722 = arith.index_cast %add3A_682 : i32 to index
          %get3A_723 = arith.constant 64 : index
          %get3A_724 = tpu.vector_load %arg9[%get3A_722, %get3A_723] {strides = array<i32>} : memref<128x128xf32, #tpu.memory_space<vmem>>, vector<1x16xf32>,
          %get3A_725 = vector.shape_cast %get3A_724 : vector<1x16xf32> to vector<16xf32>
          %add3A_726 = arith.addf %get3A_725, %get3A_652 : vector<16xf32>
          %swap3A_727 = arith.index_cast %add3A_682 : i32 to index
          %swap3A_728 = arith.constant 64 : index
          %swap3A_729 = tpu.vector_load %arg9[%swap3A_727, %swap3A_728] {strides = array<i32>} : memref<128x128xf32, #tpu.memory_space<vmem>>, vector<1x16xf32>,
          %swap3A_730 = vector.shape_cast %swap3A_729 : vector<1x16xf32> to vector<16xf32>
          %swap3A_731 = vector.shape_cast %add3A_726 : vector<16xf32> to vector<1x16xf32>
          tpu.vector_store %arg9[%swap3A_727, %swap3A_728], %swap3A_731 {strides = array<i32>} : memref<128x128xf32, #tpu.memory_space<vmem>>, vector<1x16xf32>,
          %get3A_732 = arith.index_cast %add3A_682 : i32 to index
          %get3A_733 = arith.constant 80 : index
          %get3A_734 = tpu.vector_load %arg9[%get3A_732, %get3A_733] {strides = array<i32>} : memref<128x128xf32, #tpu.memory_space<vmem>>, vector<1x16xf32>,
          %get3A_735 = vector.shape_cast %get3A_734 : vector<1x16xf32> to vector<16xf32>
          %add3A_736 = arith.addf %get3A_735, %get3A_659 : vector<16xf32>
          %swap3A_737 = arith.index_cast %add3A_682 : i32 to index
          %swap3A_738 = arith.constant 80 : index
          %swap3A_739 = tpu.vector_load %arg9[%swap3A_737, %swap3A_738] {strides = array<i32>} : memref<128x128xf32, #tpu.memory_space<vmem>>, vector<1x16xf32>,
          %swap3A_740 = vector.shape_cast %swap3A_739 : vector<1x16xf32> to vector<16xf32>
          %swap3A_741 = vector.shape_cast %add3A_736 : vector<16xf32> to vector<1x16xf32>
          tpu.vector_store %arg9[%swap3A_737, %swap3A_738], %swap3A_741 {strides = array<i32>} : memref<128x128xf32, #tpu.memory_space<vmem>>, vector<1x16xf32>,
          %get3A_742 = arith.index_cast %add3A_682 : i32 to index
          %get3A_743 = arith.constant 96 : index
          %get3A_744 = tpu.vector_load %arg9[%get3A_742, %get3A_743] {strides = array<i32>} : memref<128x128xf32, #tpu.memory_space<vmem>>, vector<1x16xf32>,
          %get3A_745 = vector.shape_cast %get3A_744 : vector<1x16xf32> to vector<16xf32>
          %add3A_746 = arith.addf %get3A_745, %get3A_666 : vector<16xf32>
          %swap3A_747 = arith.index_cast %add3A_682 : i32 to index
          %swap3A_748 = arith.constant 96 : index
          %swap3A_749 = tpu.vector_load %arg9[%swap3A_747, %swap3A_748] {strides = array<i32>} : memref<128x128xf32, #tpu.memory_space<vmem>>, vector<1x16xf32>,
          %swap3A_750 = vector.shape_cast %swap3A_749 : vector<1x16xf32> to vector<16xf32>
          %swap3A_751 = vector.shape_cast %add3A_746 : vector<16xf32> to vector<1x16xf32>
          tpu.vector_store %arg9[%swap3A_747, %swap3A_748], %swap3A_751 {strides = array<i32>} : memref<128x128xf32, #tpu.memory_space<vmem>>, vector<1x16xf32>,
          %get3A_752 = arith.index_cast %add3A_682 : i32 to index
          %get3A_753 = arith.constant 112 : index
          %get3A_754 = tpu.vector_load %arg9[%get3A_752, %get3A_753] {strides = array<i32>} : memref<128x128xf32, #tpu.memory_space<vmem>>, vector<1x16xf32>,
          %get3A_755 = vector.shape_cast %get3A_754 : vector<1x16xf32> to vector<16xf32>
          %add3A_756 = arith.addf %get3A_755, %get3A_673 : vector<16xf32>
          %swap3A_757 = arith.index_cast %add3A_682 : i32 to index
          %swap3A_758 = arith.constant 112 : index
          %swap3A_759 = tpu.vector_load %arg9[%swap3A_757, %swap3A_758] {strides = array<i32>} : memref<128x128xf32, #tpu.memory_space<vmem>>, vector<1x16xf32>,
          %swap3A_760 = vector.shape_cast %swap3A_759 : vector<1x16xf32> to vector<16xf32>
          %swap3A_761 = vector.shape_cast %add3A_756 : vector<16xf32> to vector<1x16xf32>
          tpu.vector_store %arg9[%swap3A_757, %swap3A_758], %swap3A_761 {strides = array<i32>} : memref<128x128xf32, #tpu.memory_space<vmem>>, vector<1x16xf32>,
          %scan3A_762 = arith.constant 1 : i32
          %scan3A_763 = arith.addi %scan3A_679, %scan3A_762 : i32
          %mul3A_764 = arith.constant 16 : i32
          %mul3A_765 = arith.muli %scan3A_618, %mul3A_764 : i32
          %add3A_766 = arith.addi %mul3A_765, %scan3A_763 : i32
          %get3A_767 = arith.index_cast %add3A_766 : i32 to index
          %get3A_768 = arith.constant 0 : index
          %get3A_769 = tpu.vector_load %arg9[%get3A_767, %get3A_768] {strides = array<i32>} : memref<128x128xf32, #tpu.memory_space<vmem>>, vector<1x16xf32>,
          %get3A_770 = vector.shape_cast %get3A_769 : vector<1x16xf32> to vector<16xf32>
          %add3A_771 = arith.addf %get3A_770, %get3A_624 : vector<16xf32>
          %swap3A_772 = arith.index_cast %add3A_766 : i32 to index
          %swap3A_773 = arith.constant 0 : index
          %swap3A_774 = tpu.vector_load %arg9[%swap3A_772, %swap3A_773] {strides = array<i32>} : memref<128x128xf32, #tpu.memory_space<vmem>>, vector<1x16xf32>,
          %swap3A_775 = vector.shape_cast %swap3A_774 : vector<1x16xf32> to vector<16xf32>
          %swap3A_776 = vector.shape_cast %add3A_771 : vector<16xf32> to vector<1x16xf32>
          tpu.vector_store %arg9[%swap3A_772, %swap3A_773], %swap3A_776 {strides = array<i32>} : memref<128x128xf32, #tpu.memory_space<vmem>>, vector<1x16xf32>,
          %get3A_777 = arith.index_cast %add3A_766 : i32 to index
          %get3A_778 = arith.constant 16 : index
          %get3A_779 = tpu.vector_load %arg9[%get3A_777, %get3A_778] {strides = array<i32>} : memref<128x128xf32, #tpu.memory_space<vmem>>, vector<1x16xf32>,
          %get3A_780 = vector.shape_cast %get3A_779 : vector<1x16xf32> to vector<16xf32>
          %add3A_781 = arith.addf %get3A_780, %get3A_631 : vector<16xf32>
          %swap3A_782 = arith.index_cast %add3A_766 : i32 to index
          %swap3A_783 = arith.constant 16 : index
          %swap3A_784 = tpu.vector_load %arg9[%swap3A_782, %swap3A_783] {strides = array<i32>} : memref<128x128xf32, #tpu.memory_space<vmem>>, vector<1x16xf32>,
          %swap3A_785 = vector.shape_cast %swap3A_784 : vector<1x16xf32> to vector<16xf32>
          %swap3A_786 = vector.shape_cast %add3A_781 : vector<16xf32> to vector<1x16xf32>
          tpu.vector_store %arg9[%swap3A_782, %swap3A_783], %swap3A_786 {strides = array<i32>} : memref<128x128xf32, #tpu.memory_space<vmem>>, vector<1x16xf32>,
          %get3A_787 = arith.index_cast %add3A_766 : i32 to index
          %get3A_788 = arith.constant 32 : index
          %get3A_789 = tpu.vector_load %arg9[%get3A_787, %get3A_788] {strides = array<i32>} : memref<128x128xf32, #tpu.memory_space<vmem>>, vector<1x16xf32>,
          %get3A_790 = vector.shape_cast %get3A_789 : vector<1x16xf32> to vector<16xf32>
          %add3A_791 = arith.addf %get3A_790, %get3A_638 : vector<16xf32>
          %swap3A_792 = arith.index_cast %add3A_766 : i32 to index
          %swap3A_793 = arith.constant 32 : index
          %swap3A_794 = tpu.vector_load %arg9[%swap3A_792, %swap3A_793] {strides = array<i32>} : memref<128x128xf32, #tpu.memory_space<vmem>>, vector<1x16xf32>,
          %swap3A_795 = vector.shape_cast %swap3A_794 : vector<1x16xf32> to vector<16xf32>
          %swap3A_796 = vector.shape_cast %add3A_791 : vector<16xf32> to vector<1x16xf32>
          tpu.vector_store %arg9[%swap3A_792, %swap3A_793], %swap3A_796 {strides = array<i32>} : memref<128x128xf32, #tpu.memory_space<vmem>>, vector<1x16xf32>,
          %get3A_797 = arith.index_cast %add3A_766 : i32 to index
          %get3A_798 = arith.constant 48 : index
          %get3A_799 = tpu.vector_load %arg9[%get3A_797, %get3A_798] {strides = array<i32>} : memref<128x128xf32, #tpu.memory_space<vmem>>, vector<1x16xf32>,
          %get3A_800 = vector.shape_cast %get3A_799 : vector<1x16xf32> to vector<16xf32>
          %add3A_801 = arith.addf %get3A_800, %get3A_645 : vector<16xf32>
          %swap3A_802 = arith.index_cast %add3A_766 : i32 to index
          %swap3A_803 = arith.constant 48 : index
          %swap3A_804 = tpu.vector_load %arg9[%swap3A_802, %swap3A_803] {strides = array<i32>} : memref<128x128xf32, #tpu.memory_space<vmem>>, vector<1x16xf32>,
          %swap3A_805 = vector.shape_cast %swap3A_804 : vector<1x16xf32> to vector<16xf32>
          %swap3A_806 = vector.shape_cast %add3A_801 : vector<16xf32> to vector<1x16xf32>
          tpu.vector_store %arg9[%swap3A_802, %swap3A_803], %swap3A_806 {strides = array<i32>} : memref<128x128xf32, #tpu.memory_space<vmem>>, vector<1x16xf32>,
          %get3A_807 = arith.index_cast %add3A_766 : i32 to index
          %get3A_808 = arith.constant 64 : index
          %get3A_809 = tpu.vector_load %arg9[%get3A_807, %get3A_808] {strides = array<i32>} : memref<128x128xf32, #tpu.memory_space<vmem>>, vector<1x16xf32>,
          %get3A_810 = vector.shape_cast %get3A_809 : vector<1x16xf32> to vector<16xf32>
          %add3A_811 = arith.addf %get3A_810, %get3A_652 : vector<16xf32>
          %swap3A_812 = arith.index_cast %add3A_766 : i32 to index
          %swap3A_813 = arith.constant 64 : index
          %swap3A_814 = tpu.vector_load %arg9[%swap3A_812, %swap3A_813] {strides = array<i32>} : memref<128x128xf32, #tpu.memory_space<vmem>>, vector<1x16xf32>,
          %swap3A_815 = vector.shape_cast %swap3A_814 : vector<1x16xf32> to vector<16xf32>
          %swap3A_816 = vector.shape_cast %add3A_811 : vector<16xf32> to vector<1x16xf32>
          tpu.vector_store %arg9[%swap3A_812, %swap3A_813], %swap3A_816 {strides = array<i32>} : memref<128x128xf32, #tpu.memory_space<vmem>>, vector<1x16xf32>,
          %get3A_817 = arith.index_cast %add3A_766 : i32 to index
          %get3A_818 = arith.constant 80 : index
          %get3A_819 = tpu.vector_load %arg9[%get3A_817, %get3A_818] {strides = array<i32>} : memref<128x128xf32, #tpu.memory_space<vmem>>, vector<1x16xf32>,
          %get3A_820 = vector.shape_cast %get3A_819 : vector<1x16xf32> to vector<16xf32>
          %add3A_821 = arith.addf %get3A_820, %get3A_659 : vector<16xf32>
          %swap3A_822 = arith.index_cast %add3A_766 : i32 to index
          %swap3A_823 = arith.constant 80 : index
          %swap3A_824 = tpu.vector_load %arg9[%swap3A_822, %swap3A_823] {strides = array<i32>} : memref<128x128xf32, #tpu.memory_space<vmem>>, vector<1x16xf32>,
          %swap3A_825 = vector.shape_cast %swap3A_824 : vector<1x16xf32> to vector<16xf32>
          %swap3A_826 = vector.shape_cast %add3A_821 : vector<16xf32> to vector<1x16xf32>
          tpu.vector_store %arg9[%swap3A_822, %swap3A_823], %swap3A_826 {strides = array<i32>} : memref<128x128xf32, #tpu.memory_space<vmem>>, vector<1x16xf32>,
          %get3A_827 = arith.index_cast %add3A_766 : i32 to index
          %get3A_828 = arith.constant 96 : index
          %get3A_829 = tpu.vector_load %arg9[%get3A_827, %get3A_828] {strides = array<i32>} : memref<128x128xf32, #tpu.memory_space<vmem>>, vector<1x16xf32>,
          %get3A_830 = vector.shape_cast %get3A_829 : vector<1x16xf32> to vector<16xf32>
          %add3A_831 = arith.addf %get3A_830, %get3A_666 : vector<16xf32>
          %swap3A_832 = arith.index_cast %add3A_766 : i32 to index
          %swap3A_833 = arith.constant 96 : index
          %swap3A_834 = tpu.vector_load %arg9[%swap3A_832, %swap3A_833] {strides = array<i32>} : memref<128x128xf32, #tpu.memory_space<vmem>>, vector<1x16xf32>,
          %swap3A_835 = vector.shape_cast %swap3A_834 : vector<1x16xf32> to vector<16xf32>
          %swap3A_836 = vector.shape_cast %add3A_831 : vector<16xf32> to vector<1x16xf32>
          tpu.vector_store %arg9[%swap3A_832, %swap3A_833], %swap3A_836 {strides = array<i32>} : memref<128x128xf32, #tpu.memory_space<vmem>>, vector<1x16xf32>,
          %get3A_837 = arith.index_cast %add3A_766 : i32 to index
          %get3A_838 = arith.constant 112 : index
          %get3A_839 = tpu.vector_load %arg9[%get3A_837, %get3A_838] {strides = array<i32>} : memref<128x128xf32, #tpu.memory_space<vmem>>, vector<1x16xf32>,
          %get3A_840 = vector.shape_cast %get3A_839 : vector<1x16xf32> to vector<16xf32>
          %add3A_841 = arith.addf %get3A_840, %get3A_673 : vector<16xf32>
          %swap3A_842 = arith.index_cast %add3A_766 : i32 to index
          %swap3A_843 = arith.constant 112 : index
          %swap3A_844 = tpu.vector_load %arg9[%swap3A_842, %swap3A_843] {strides = array<i32>} : memref<128x128xf32, #tpu.memory_space<vmem>>, vector<1x16xf32>,
          %swap3A_845 = vector.shape_cast %swap3A_844 : vector<1x16xf32> to vector<16xf32>
          %swap3A_846 = vector.shape_cast %add3A_841 : vector<16xf32> to vector<1x16xf32>
          tpu.vector_store %arg9[%swap3A_842, %swap3A_843], %swap3A_846 {strides = array<i32>} : memref<128x128xf32, #tpu.memory_space<vmem>>, vector<1x16xf32>,
          %scan3A_847 = arith.constant 2 : i32
          %scan3A_848 = arith.addi %scan3A_679, %scan3A_847 : i32
          %mul3A_849 = arith.constant 16 : i32
          %mul3A_850 = arith.muli %scan3A_618, %mul3A_849 : i32
          %add3A_851 = arith.addi %mul3A_850, %scan3A_848 : i32
          %get3A_852 = arith.index_cast %add3A_851 : i32 to index
          %get3A_853 = arith.constant 0 : index
          %get3A_854 = tpu.vector_load %arg9[%get3A_852, %get3A_853] {strides = array<i32>} : memref<128x128xf32, #tpu.memory_space<vmem>>, vector<1x16xf32>,
          %get3A_855 = vector.shape_cast %get3A_854 : vector<1x16xf32> to vector<16xf32>
          %add3A_856 = arith.addf %get3A_855, %get3A_624 : vector<16xf32>
          %swap3A_857 = arith.index_cast %add3A_851 : i32 to index
          %swap3A_858 = arith.constant 0 : index
          %swap3A_859 = tpu.vector_load %arg9[%swap3A_857, %swap3A_858] {strides = array<i32>} : memref<128x128xf32, #tpu.memory_space<vmem>>, vector<1x16xf32>,
          %swap3A_860 = vector.shape_cast %swap3A_859 : vector<1x16xf32> to vector<16xf32>
          %swap3A_861 = vector.shape_cast %add3A_856 : vector<16xf32> to vector<1x16xf32>
          tpu.vector_store %arg9[%swap3A_857, %swap3A_858], %swap3A_861 {strides = array<i32>} : memref<128x128xf32, #tpu.memory_space<vmem>>, vector<1x16xf32>,
          %get3A_862 = arith.index_cast %add3A_851 : i32 to index
          %get3A_863 = arith.constant 16 : index
          %get3A_864 = tpu.vector_load %arg9[%get3A_862, %get3A_863] {strides = array<i32>} : memref<128x128xf32, #tpu.memory_space<vmem>>, vector<1x16xf32>,
          %get3A_865 = vector.shape_cast %get3A_864 : vector<1x16xf32> to vector<16xf32>
          %add3A_866 = arith.addf %get3A_865, %get3A_631 : vector<16xf32>
          %swap3A_867 = arith.index_cast %add3A_851 : i32 to index
          %swap3A_868 = arith.constant 16 : index
          %swap3A_869 = tpu.vector_load %arg9[%swap3A_867, %swap3A_868] {strides = array<i32>} : memref<128x128xf32, #tpu.memory_space<vmem>>, vector<1x16xf32>,
          %swap3A_870 = vector.shape_cast %swap3A_869 : vector<1x16xf32> to vector<16xf32>
          %swap3A_871 = vector.shape_cast %add3A_866 : vector<16xf32> to vector<1x16xf32>
          tpu.vector_store %arg9[%swap3A_867, %swap3A_868], %swap3A_871 {strides = array<i32>} : memref<128x128xf32, #tpu.memory_space<vmem>>, vector<1x16xf32>,
          %get3A_872 = arith.index_cast %add3A_851 : i32 to index
          %get3A_873 = arith.constant 32 : index
          %get3A_874 = tpu.vector_load %arg9[%get3A_872, %get3A_873] {strides = array<i32>} : memref<128x128xf32, #tpu.memory_space<vmem>>, vector<1x16xf32>,
          %get3A_875 = vector.shape_cast %get3A_874 : vector<1x16xf32> to vector<16xf32>
          %add3A_876 = arith.addf %get3A_875, %get3A_638 : vector<16xf32>
          %swap3A_877 = arith.index_cast %add3A_851 : i32 to index
          %swap3A_878 = arith.constant 32 : index
          %swap3A_879 = tpu.vector_load %arg9[%swap3A_877, %swap3A_878] {strides = array<i32>} : memref<128x128xf32, #tpu.memory_space<vmem>>, vector<1x16xf32>,
          %swap3A_880 = vector.shape_cast %swap3A_879 : vector<1x16xf32> to vector<16xf32>
          %swap3A_881 = vector.shape_cast %add3A_876 : vector<16xf32> to vector<1x16xf32>
          tpu.vector_store %arg9[%swap3A_877, %swap3A_878], %swap3A_881 {strides = array<i32>} : memref<128x128xf32, #tpu.memory_space<vmem>>, vector<1x16xf32>,
          %get3A_882 = arith.index_cast %add3A_851 : i32 to index
          %get3A_883 = arith.constant 48 : index
          %get3A_884 = tpu.vector_load %arg9[%get3A_882, %get3A_883] {strides = array<i32>} : memref<128x128xf32, #tpu.memory_space<vmem>>, vector<1x16xf32>,
          %get3A_885 = vector.shape_cast %get3A_884 : vector<1x16xf32> to vector<16xf32>
          %add3A_886 = arith.addf %get3A_885, %get3A_645 : vector<16xf32>
          %swap3A_887 = arith.index_cast %add3A_851 : i32 to index
          %swap3A_888 = arith.constant 48 : index
          %swap3A_889 = tpu.vector_load %arg9[%swap3A_887, %swap3A_888] {strides = array<i32>} : memref<128x128xf32, #tpu.memory_space<vmem>>, vector<1x16xf32>,
          %swap3A_890 = vector.shape_cast %swap3A_889 : vector<1x16xf32> to vector<16xf32>
          %swap3A_891 = vector.shape_cast %add3A_886 : vector<16xf32> to vector<1x16xf32>
          tpu.vector_store %arg9[%swap3A_887, %swap3A_888], %swap3A_891 {strides = array<i32>} : memref<128x128xf32, #tpu.memory_space<vmem>>, vector<1x16xf32>,
          %get3A_892 = arith.index_cast %add3A_851 : i32 to index
          %get3A_893 = arith.constant 64 : index
          %get3A_894 = tpu.vector_load %arg9[%get3A_892, %get3A_893] {strides = array<i32>} : memref<128x128xf32, #tpu.memory_space<vmem>>, vector<1x16xf32>,
          %get3A_895 = vector.shape_cast %get3A_894 : vector<1x16xf32> to vector<16xf32>
          %add3A_896 = arith.addf %get3A_895, %get3A_652 : vector<16xf32>
          %swap3A_897 = arith.index_cast %add3A_851 : i32 to index
          %swap3A_898 = arith.constant 64 : index
          %swap3A_899 = tpu.vector_load %arg9[%swap3A_897, %swap3A_898] {strides = array<i32>} : memref<128x128xf32, #tpu.memory_space<vmem>>, vector<1x16xf32>,
          %swap3A_900 = vector.shape_cast %swap3A_899 : vector<1x16xf32> to vector<16xf32>
          %swap3A_901 = vector.shape_cast %add3A_896 : vector<16xf32> to vector<1x16xf32>
          tpu.vector_store %arg9[%swap3A_897, %swap3A_898], %swap3A_901 {strides = array<i32>} : memref<128x128xf32, #tpu.memory_space<vmem>>, vector<1x16xf32>,
          %get3A_902 = arith.index_cast %add3A_851 : i32 to index
          %get3A_903 = arith.constant 80 : index
          %get3A_904 = tpu.vector_load %arg9[%get3A_902, %get3A_903] {strides = array<i32>} : memref<128x128xf32, #tpu.memory_space<vmem>>, vector<1x16xf32>,
          %get3A_905 = vector.shape_cast %get3A_904 : vector<1x16xf32> to vector<16xf32>
          %add3A_906 = arith.addf %get3A_905, %get3A_659 : vector<16xf32>
          %swap3A_907 = arith.index_cast %add3A_851 : i32 to index
          %swap3A_908 = arith.constant 80 : index
          %swap3A_909 = tpu.vector_load %arg9[%swap3A_907, %swap3A_908] {strides = array<i32>} : memref<128x128xf32, #tpu.memory_space<vmem>>, vector<1x16xf32>,
          %swap3A_910 = vector.shape_cast %swap3A_909 : vector<1x16xf32> to vector<16xf32>
          %swap3A_911 = vector.shape_cast %add3A_906 : vector<16xf32> to vector<1x16xf32>
          tpu.vector_store %arg9[%swap3A_907, %swap3A_908], %swap3A_911 {strides = array<i32>} : memref<128x128xf32, #tpu.memory_space<vmem>>, vector<1x16xf32>,
          %get3A_912 = arith.index_cast %add3A_851 : i32 to index
          %get3A_913 = arith.constant 96 : index
          %get3A_914 = tpu.vector_load %arg9[%get3A_912, %get3A_913] {strides = array<i32>} : memref<128x128xf32, #tpu.memory_space<vmem>>, vector<1x16xf32>,
          %get3A_915 = vector.shape_cast %get3A_914 : vector<1x16xf32> to vector<16xf32>
          %add3A_916 = arith.addf %get3A_915, %get3A_666 : vector<16xf32>
          %swap3A_917 = arith.index_cast %add3A_851 : i32 to index
          %swap3A_918 = arith.constant 96 : index
          %swap3A_919 = tpu.vector_load %arg9[%swap3A_917, %swap3A_918] {strides = array<i32>} : memref<128x128xf32, #tpu.memory_space<vmem>>, vector<1x16xf32>,
          %swap3A_920 = vector.shape_cast %swap3A_919 : vector<1x16xf32> to vector<16xf32>
          %swap3A_921 = vector.shape_cast %add3A_916 : vector<16xf32> to vector<1x16xf32>
          tpu.vector_store %arg9[%swap3A_917, %swap3A_918], %swap3A_921 {strides = array<i32>} : memref<128x128xf32, #tpu.memory_space<vmem>>, vector<1x16xf32>,
          %get3A_922 = arith.index_cast %add3A_851 : i32 to index
          %get3A_923 = arith.constant 112 : index
          %get3A_924 = tpu.vector_load %arg9[%get3A_922, %get3A_923] {strides = array<i32>} : memref<128x128xf32, #tpu.memory_space<vmem>>, vector<1x16xf32>,
          %get3A_925 = vector.shape_cast %get3A_924 : vector<1x16xf32> to vector<16xf32>
          %add3A_926 = arith.addf %get3A_925, %get3A_673 : vector<16xf32>
          %swap3A_927 = arith.index_cast %add3A_851 : i32 to index
          %swap3A_928 = arith.constant 112 : index
          %swap3A_929 = tpu.vector_load %arg9[%swap3A_927, %swap3A_928] {strides = array<i32>} : memref<128x128xf32, #tpu.memory_space<vmem>>, vector<1x16xf32>,
          %swap3A_930 = vector.shape_cast %swap3A_929 : vector<1x16xf32> to vector<16xf32>
          %swap3A_931 = vector.shape_cast %add3A_926 : vector<16xf32> to vector<1x16xf32>
          tpu.vector_store %arg9[%swap3A_927, %swap3A_928], %swap3A_931 {strides = array<i32>} : memref<128x128xf32, #tpu.memory_space<vmem>>, vector<1x16xf32>,
          %scan3A_932 = arith.constant 3 : i32
          %scan3A_933 = arith.addi %scan3A_679, %scan3A_932 : i32
          %mul3A_934 = arith.constant 16 : i32
          %mul3A_935 = arith.muli %scan3A_618, %mul3A_934 : i32
          %add3A_936 = arith.addi %mul3A_935, %scan3A_933 : i32
          %get3A_937 = arith.index_cast %add3A_936 : i32 to index
          %get3A_938 = arith.constant 0 : index
          %get3A_939 = tpu.vector_load %arg9[%get3A_937, %get3A_938] {strides = array<i32>} : memref<128x128xf32, #tpu.memory_space<vmem>>, vector<1x16xf32>,
          %get3A_940 = vector.shape_cast %get3A_939 : vector<1x16xf32> to vector<16xf32>
          %add3A_941 = arith.addf %get3A_940, %get3A_624 : vector<16xf32>
          %swap3A_942 = arith.index_cast %add3A_936 : i32 to index
          %swap3A_943 = arith.constant 0 : index
          %swap3A_944 = tpu.vector_load %arg9[%swap3A_942, %swap3A_943] {strides = array<i32>} : memref<128x128xf32, #tpu.memory_space<vmem>>, vector<1x16xf32>,
          %swap3A_945 = vector.shape_cast %swap3A_944 : vector<1x16xf32> to vector<16xf32>
          %swap3A_946 = vector.shape_cast %add3A_941 : vector<16xf32> to vector<1x16xf32>
          tpu.vector_store %arg9[%swap3A_942, %swap3A_943], %swap3A_946 {strides = array<i32>} : memref<128x128xf32, #tpu.memory_space<vmem>>, vector<1x16xf32>,
          %get3A_947 = arith.index_cast %add3A_936 : i32 to index
          %get3A_948 = arith.constant 16 : index
          %get3A_949 = tpu.vector_load %arg9[%get3A_947, %get3A_948] {strides = array<i32>} : memref<128x128xf32, #tpu.memory_space<vmem>>, vector<1x16xf32>,
          %get3A_950 = vector.shape_cast %get3A_949 : vector<1x16xf32> to vector<16xf32>
          %add3A_951 = arith.addf %get3A_950, %get3A_631 : vector<16xf32>
          %swap3A_952 = arith.index_cast %add3A_936 : i32 to index
          %swap3A_953 = arith.constant 16 : index
          %swap3A_954 = tpu.vector_load %arg9[%swap3A_952, %swap3A_953] {strides = array<i32>} : memref<128x128xf32, #tpu.memory_space<vmem>>, vector<1x16xf32>,
          %swap3A_955 = vector.shape_cast %swap3A_954 : vector<1x16xf32> to vector<16xf32>
          %swap3A_956 = vector.shape_cast %add3A_951 : vector<16xf32> to vector<1x16xf32>
          tpu.vector_store %arg9[%swap3A_952, %swap3A_953], %swap3A_956 {strides = array<i32>} : memref<128x128xf32, #tpu.memory_space<vmem>>, vector<1x16xf32>,
          %get3A_957 = arith.index_cast %add3A_936 : i32 to index
          %get3A_958 = arith.constant 32 : index
          %get3A_959 = tpu.vector_load %arg9[%get3A_957, %get3A_958] {strides = array<i32>} : memref<128x128xf32, #tpu.memory_space<vmem>>, vector<1x16xf32>,
          %get3A_960 = vector.shape_cast %get3A_959 : vector<1x16xf32> to vector<16xf32>
          %add3A_961 = arith.addf %get3A_960, %get3A_638 : vector<16xf32>
          %swap3A_962 = arith.index_cast %add3A_936 : i32 to index
          %swap3A_963 = arith.constant 32 : index
          %swap3A_964 = tpu.vector_load %arg9[%swap3A_962, %swap3A_963] {strides = array<i32>} : memref<128x128xf32, #tpu.memory_space<vmem>>, vector<1x16xf32>,
          %swap3A_965 = vector.shape_cast %swap3A_964 : vector<1x16xf32> to vector<16xf32>
          %swap3A_966 = vector.shape_cast %add3A_961 : vector<16xf32> to vector<1x16xf32>
          tpu.vector_store %arg9[%swap3A_962, %swap3A_963], %swap3A_966 {strides = array<i32>} : memref<128x128xf32, #tpu.memory_space<vmem>>, vector<1x16xf32>,
          %get3A_967 = arith.index_cast %add3A_936 : i32 to index
          %get3A_968 = arith.constant 48 : index
          %get3A_969 = tpu.vector_load %arg9[%get3A_967, %get3A_968] {strides = array<i32>} : memref<128x128xf32, #tpu.memory_space<vmem>>, vector<1x16xf32>,
          %get3A_970 = vector.shape_cast %get3A_969 : vector<1x16xf32> to vector<16xf32>
          %add3A_971 = arith.addf %get3A_970, %get3A_645 : vector<16xf32>
          %swap3A_972 = arith.index_cast %add3A_936 : i32 to index
          %swap3A_973 = arith.constant 48 : index
          %swap3A_974 = tpu.vector_load %arg9[%swap3A_972, %swap3A_973] {strides = array<i32>} : memref<128x128xf32, #tpu.memory_space<vmem>>, vector<1x16xf32>,
          %swap3A_975 = vector.shape_cast %swap3A_974 : vector<1x16xf32> to vector<16xf32>
          %swap3A_976 = vector.shape_cast %add3A_971 : vector<16xf32> to vector<1x16xf32>
          tpu.vector_store %arg9[%swap3A_972, %swap3A_973], %swap3A_976 {strides = array<i32>} : memref<128x128xf32, #tpu.memory_space<vmem>>, vector<1x16xf32>,
          %get3A_977 = arith.index_cast %add3A_936 : i32 to index
          %get3A_978 = arith.constant 64 : index
          %get3A_979 = tpu.vector_load %arg9[%get3A_977, %get3A_978] {strides = array<i32>} : memref<128x128xf32, #tpu.memory_space<vmem>>, vector<1x16xf32>,
          %get3A_980 = vector.shape_cast %get3A_979 : vector<1x16xf32> to vector<16xf32>
          %add3A_981 = arith.addf %get3A_980, %get3A_652 : vector<16xf32>
          %swap3A_982 = arith.index_cast %add3A_936 : i32 to index
          %swap3A_983 = arith.constant 64 : index
          %swap3A_984 = tpu.vector_load %arg9[%swap3A_982, %swap3A_983] {strides = array<i32>} : memref<128x128xf32, #tpu.memory_space<vmem>>, vector<1x16xf32>,
          %swap3A_985 = vector.shape_cast %swap3A_984 : vector<1x16xf32> to vector<16xf32>
          %swap3A_986 = vector.shape_cast %add3A_981 : vector<16xf32> to vector<1x16xf32>
          tpu.vector_store %arg9[%swap3A_982, %swap3A_983], %swap3A_986 {strides = array<i32>} : memref<128x128xf32, #tpu.memory_space<vmem>>, vector<1x16xf32>,
          %get3A_987 = arith.index_cast %add3A_936 : i32 to index
          %get3A_988 = arith.constant 80 : index
          %get3A_989 = tpu.vector_load %arg9[%get3A_987, %get3A_988] {strides = array<i32>} : memref<128x128xf32, #tpu.memory_space<vmem>>, vector<1x16xf32>,
          %get3A_990 = vector.shape_cast %get3A_989 : vector<1x16xf32> to vector<16xf32>
          %add3A_991 = arith.addf %get3A_990, %get3A_659 : vector<16xf32>
          %swap3A_992 = arith.index_cast %add3A_936 : i32 to index
          %swap3A_993 = arith.constant 80 : index
          %swap3A_994 = tpu.vector_load %arg9[%swap3A_992, %swap3A_993] {strides = array<i32>} : memref<128x128xf32, #tpu.memory_space<vmem>>, vector<1x16xf32>,
          %swap3A_995 = vector.shape_cast %swap3A_994 : vector<1x16xf32> to vector<16xf32>
          %swap3A_996 = vector.shape_cast %add3A_991 : vector<16xf32> to vector<1x16xf32>
          tpu.vector_store %arg9[%swap3A_992, %swap3A_993], %swap3A_996 {strides = array<i32>} : memref<128x128xf32, #tpu.memory_space<vmem>>, vector<1x16xf32>,
          %get3A_997 = arith.index_cast %add3A_936 : i32 to index
          %get3A_998 = arith.constant 96 : index
          %get3A_999 = tpu.vector_load %arg9[%get3A_997, %get3A_998] {strides = array<i32>} : memref<128x128xf32, #tpu.memory_space<vmem>>, vector<1x16xf32>,
          %get3A_1000 = vector.shape_cast %get3A_999 : vector<1x16xf32> to vector<16xf32>
          %add3A_1001 = arith.addf %get3A_1000, %get3A_666 : vector<16xf32>
          %swap3A_1002 = arith.index_cast %add3A_936 : i32 to index
          %swap3A_1003 = arith.constant 96 : index
          %swap3A_1004 = tpu.vector_load %arg9[%swap3A_1002, %swap3A_1003] {strides = array<i32>} : memref<128x128xf32, #tpu.memory_space<vmem>>, vector<1x16xf32>,
          %swap3A_1005 = vector.shape_cast %swap3A_1004 : vector<1x16xf32> to vector<16xf32>
          %swap3A_1006 = vector.shape_cast %add3A_1001 : vector<16xf32> to vector<1x16xf32>
          tpu.vector_store %arg9[%swap3A_1002, %swap3A_1003], %swap3A_1006 {strides = array<i32>} : memref<128x128xf32, #tpu.memory_space<vmem>>, vector<1x16xf32>,
          %get3A_1007 = arith.index_cast %add3A_936 : i32 to index
          %get3A_1008 = arith.constant 112 : index
          %get3A_1009 = tpu.vector_load %arg9[%get3A_1007, %get3A_1008] {strides = array<i32>} : memref<128x128xf32, #tpu.memory_space<vmem>>, vector<1x16xf32>,
          %get3A_1010 = vector.shape_cast %get3A_1009 : vector<1x16xf32> to vector<16xf32>
          %add3A_1011 = arith.addf %get3A_1010, %get3A_673 : vector<16xf32>
          %swap3A_1012 = arith.index_cast %add3A_936 : i32 to index
          %swap3A_1013 = arith.constant 112 : index
          %swap3A_1014 = tpu.vector_load %arg9[%swap3A_1012, %swap3A_1013] {strides = array<i32>} : memref<128x128xf32, #tpu.memory_space<vmem>>, vector<1x16xf32>,
          %swap3A_1015 = vector.shape_cast %swap3A_1014 : vector<1x16xf32> to vector<16xf32>
          %swap3A_1016 = vector.shape_cast %add3A_1011 : vector<16xf32> to vector<1x16xf32>
          tpu.vector_store %arg9[%swap3A_1012, %swap3A_1013], %swap3A_1016 {strides = array<i32>} : memref<128x128xf32, #tpu.memory_space<vmem>>, vector<1x16xf32>,
        }
        %scan3A_678 = arith.constant 16 : i32
      }
      %scan3A_291 = arith.constant 8 : i32
      %jit3A_292 = arith.constant 4 : i32
      %div3A_293 = arith.divsi %add3A_207, %jit3A_292 : i32
      %sign3A_294 = arith.constant 0 : i32
      %sign3A_295 = arith.cmpi sgt, %add3A_207, %sign3A_294 : i32
      %sign3A_296 = arith.extui %sign3A_295 : i1 to i32
      %sign3A_297 = arith.constant 0 : i32
      %sign3A_298 = arith.cmpi slt, %add3A_207, %sign3A_297 : i32
      %sign3A_299 = arith.extui %sign3A_298 : i1 to i32
      %sign3A_300 = arith.subi %sign3A_296, %sign3A_299 : i32
      %sign3A_301 = arith.constant 0 : i32
      %sign3A_302 = arith.cmpi sgt, %jit3A_292, %sign3A_301 : i32
      %sign3A_303 = arith.extui %sign3A_302 : i1 to i32
      %sign3A_304 = arith.constant 0 : i32
      %sign3A_305 = arith.cmpi slt, %jit3A_292, %sign3A_304 : i32
      %sign3A_306 = arith.extui %sign3A_305 : i1 to i32
      %sign3A_307 = arith.subi %sign3A_303, %sign3A_306 : i32
      %ne3A_308 = arith.cmpi ne, %sign3A_300, %sign3A_307 : i32
      %rem3A_309 = arith.remsi %add3A_207, %jit3A_292 : i32
      %ne3A_310 = arith.constant 0 : i32
      %ne3A_311 = arith.cmpi ne, %rem3A_309, %ne3A_310 : i32
      %and3A_312 = arith.andi %ne3A_308, %ne3A_311 : i1
      %sub3A_313 = arith.constant 1 : i32
      %sub3A_314 = arith.subi %div3A_293, %sub3A_313 : i32
      %select_n3A_315 = arith.select %and3A_312, %sub3A_314, %div3A_293 : i32
      %mul3A_316 = arith.constant 16384 : i32
      %mul3A_317 = arith.muli %select_n3A_315, %mul3A_316 : i32
      %add3A_318 = arith.addi %mul3A_317, %mul3A_4 : i32
      %jit3A_319 = arith.constant 4 : i32
      %eq3A_320 = arith.constant 0 : i32
      %eq3A_321 = arith.cmpi eq, %jit3A_319, %eq3A_320 : i32
      %jit3A_322 = arith.constant 1 : i32
      %select_n3A_323 = arith.select %eq3A_321, %jit3A_322, %jit3A_319 : i32
      %rem3A_324 = arith.remsi %add3A_207, %select_n3A_323 : i32
      %ne3A_325 = arith.constant 0 : i32
      %ne3A_326 = arith.cmpi ne, %rem3A_324, %ne3A_325 : i32
      %lt3A_327 = arith.constant 0 : i32
      %lt3A_328 = arith.cmpi slt, %rem3A_324, %lt3A_327 : i32
      %lt3A_329 = arith.constant 0 : i32
      %lt3A_330 = arith.cmpi slt, %select_n3A_323, %lt3A_329 : i32
      %ne3A_331 = arith.xori %lt3A_328, %lt3A_330 : i1
      %and3A_332 = arith.andi %ne3A_331, %ne3A_326 : i1
      %add3A_333 = arith.addi %rem3A_324, %select_n3A_323 : i32
      %select_n3A_334 = arith.select %and3A_332, %add3A_333, %rem3A_324 : i32
      %mul3A_335 = arith.constant 128 : i32
      %mul3A_336 = arith.muli %select_n3A_334, %mul3A_335 : i32
      %add3A_337 = arith.addi %add3A_318, %mul3A_336 : i32
      %dma_start3A_338 = arith.constant 0 : i32
      %dma_start3A_339 = tpu.memref_slice %arg5[%add3A_337, %dma_start3A_338] : memref<65536x128xf32, #tpu.memory_space<hbm>> -> memref<128x128xf32, #tpu.memory_space<hbm>>
      %dma_start3A_340 = arith.constant 0 : i32
      %dma_start3A_341 = tpu.memref_slice %arg5[%add3A_337, %dma_start3A_340] : memref<65536x128xf32, #tpu.memory_space<hbm>> -> memref<128x128xf32, #tpu.memory_space<hbm>>
      tpu.enqueue_dma source(%arg9 : memref<128x128xf32, #tpu.memory_space<vmem>>) target(%dma_start3A_341 : memref<128x128xf32, #tpu.memory_space<hbm>>) target_semaphore(%arg18 : memref<!tpu.dma_semaphore, #tpu.memory_space<semaphore_mem>>)
      %mul3A_342 = arith.constant 4 : i32
      %mul3A_343 = arith.muli %scan3A_78, %mul3A_342 : i32
      %add3A_344 = arith.constant 2 : i32
      %add3A_345 = arith.addi %mul3A_343, %add3A_344 : i32
      %ge3A_346 = arith.constant 1 : i32
      %ge3A_347 = arith.cmpi sge, %add3A_345, %ge3A_346 : i32
      %add3A_348 = arith.constant 4 : i32
      %add3A_349 = arith.addi %add3A_345, %add3A_348 : i32
      %sub3A_350 = arith.constant 1 : i32
      %sub3A_351 = arith.subi %add3A_349, %sub3A_350 : i32
      %lt3A_352 = arith.constant 16 : i32
      %lt3A_353 = arith.cmpi slt, %sub3A_351, %lt3A_352 : i32
      %and3A_354 = arith.andi %ge3A_347, %lt3A_353 : i1
      %convert_element_type3A_355 = arith.extui %and3A_354 : i1 to i32
      %cond3A_356 = arith.constant 0 : i32
      %cond3A_357 = arith.cmpi ne, %convert_element_type3A_355, %cond3A_356 : i32
      scf.if %cond3A_357 {
        %sub3A_618 = arith.constant 1 : i32
        %sub3A_619 = arith.subi %add3A_345, %sub3A_618 : i32
        %jit3A_620 = arith.constant 4 : i32
        %div3A_621 = arith.divsi %sub3A_619, %jit3A_620 : i32
        %sign3A_622 = arith.constant 0 : i32
        %sign3A_623 = arith.cmpi sgt, %sub3A_619, %sign3A_622 : i32
        %sign3A_624 = arith.extui %sign3A_623 : i1 to i32
        %sign3A_625 = arith.constant 0 : i32
        %sign3A_626 = arith.cmpi slt, %sub3A_619, %sign3A_625 : i32
        %sign3A_627 = arith.extui %sign3A_626 : i1 to i32
        %sign3A_628 = arith.subi %sign3A_624, %sign3A_627 : i32
        %sign3A_629 = arith.constant 0 : i32
        %sign3A_630 = arith.cmpi sgt, %jit3A_620, %sign3A_629 : i32
        %sign3A_631 = arith.extui %sign3A_630 : i1 to i32
        %sign3A_632 = arith.constant 0 : i32
        %sign3A_633 = arith.cmpi slt, %jit3A_620, %sign3A_632 : i32
        %sign3A_634 = arith.extui %sign3A_633 : i1 to i32
        %sign3A_635 = arith.subi %sign3A_631, %sign3A_634 : i32
        %ne3A_636 = arith.cmpi ne, %sign3A_628, %sign3A_635 : i32
        %rem3A_637 = arith.remsi %sub3A_619, %jit3A_620 : i32
        %ne3A_638 = arith.constant 0 : i32
        %ne3A_639 = arith.cmpi ne, %rem3A_637, %ne3A_638 : i32
        %and3A_640 = arith.andi %ne3A_636, %ne3A_639 : i1
        %sub3A_641 = arith.constant 1 : i32
        %sub3A_642 = arith.subi %div3A_621, %sub3A_641 : i32
        %select_n3A_643 = arith.select %and3A_640, %sub3A_642, %div3A_621 : i32
        %mul3A_644 = arith.constant 16384 : i32
        %mul3A_645 = arith.muli %select_n3A_643, %mul3A_644 : i32
        %add3A_646 = arith.addi %mul3A_645, %mul3A_4 : i32
        %jit3A_647 = arith.constant 4 : i32
        %eq3A_648 = arith.constant 0 : i32
        %eq3A_649 = arith.cmpi eq, %jit3A_647, %eq3A_648 : i32
        %jit3A_650 = arith.constant 1 : i32
        %select_n3A_651 = arith.select %eq3A_649, %jit3A_650, %jit3A_647 : i32
        %rem3A_652 = arith.remsi %sub3A_619, %select_n3A_651 : i32
        %ne3A_653 = arith.constant 0 : i32
        %ne3A_654 = arith.cmpi ne, %rem3A_652, %ne3A_653 : i32
        %lt3A_655 = arith.constant 0 : i32
        %lt3A_656 = arith.cmpi slt, %rem3A_652, %lt3A_655 : i32
        %lt3A_657 = arith.constant 0 : i32
        %lt3A_658 = arith.cmpi slt, %select_n3A_651, %lt3A_657 : i32
        %ne3A_659 = arith.xori %lt3A_656, %lt3A_658 : i1
        %and3A_660 = arith.andi %ne3A_659, %ne3A_654 : i1
        %add3A_661 = arith.addi %rem3A_652, %select_n3A_651 : i32
        %select_n3A_662 = arith.select %and3A_660, %add3A_661, %rem3A_652 : i32
        %mul3A_663 = arith.constant 128 : i32
        %mul3A_664 = arith.muli %select_n3A_662, %mul3A_663 : i32
        %add3A_665 = arith.addi %add3A_646, %mul3A_664 : i32
        %dma_wait3A_666 = arith.constant 0 : i32
        %dma_wait3A_667 = tpu.memref_slice %arg5[%add3A_665, %dma_wait3A_666] : memref<65536x128xf32, #tpu.memory_space<hbm>> -> memref<128x128xf32, #tpu.memory_space<hbm>>
        %dma_wait3A_668 = arith.constant 0 : i32
        %dma_wait3A_669 = tpu.memref_slice %arg5[%add3A_665, %dma_wait3A_668] : memref<65536x128xf32, #tpu.memory_space<hbm>> -> memref<128x128xf32, #tpu.memory_space<hbm>>
        tpu.wait_dma2 semaphore(%arg18 : memref<!tpu.dma_semaphore, #tpu.memory_space<semaphore_mem>>) src(%arg9 : memref<128x128xf32, #tpu.memory_space<vmem>>) dst(%dma_wait3A_669 : memref<128x128xf32, #tpu.memory_space<hbm>>)
        %sub3A_670 = arith.constant 1 : i32
        %sub3A_671 = arith.subi %add3A_345, %sub3A_670 : i32
        %add3A_672 = arith.constant 4 : i32
        %add3A_673 = arith.addi %sub3A_671, %add3A_672 : i32
        %jit3A_674 = arith.constant 4 : i32
        %div3A_675 = arith.divsi %add3A_673, %jit3A_674 : i32
        %sign3A_676 = arith.constant 0 : i32
        %sign3A_677 = arith.cmpi sgt, %add3A_673, %sign3A_676 : i32
        %sign3A_678 = arith.extui %sign3A_677 : i1 to i32
        %sign3A_679 = arith.constant 0 : i32
        %sign3A_680 = arith.cmpi slt, %add3A_673, %sign3A_679 : i32
        %sign3A_681 = arith.extui %sign3A_680 : i1 to i32
        %sign3A_682 = arith.subi %sign3A_678, %sign3A_681 : i32
        %sign3A_683 = arith.constant 0 : i32
        %sign3A_684 = arith.cmpi sgt, %jit3A_674, %sign3A_683 : i32
        %sign3A_685 = arith.extui %sign3A_684 : i1 to i32
        %sign3A_686 = arith.constant 0 : i32
        %sign3A_687 = arith.cmpi slt, %jit3A_674, %sign3A_686 : i32
        %sign3A_688 = arith.extui %sign3A_687 : i1 to i32
        %sign3A_689 = arith.subi %sign3A_685, %sign3A_688 : i32
        %ne3A_690 = arith.cmpi ne, %sign3A_682, %sign3A_689 : i32
        %rem3A_691 = arith.remsi %add3A_673, %jit3A_674 : i32
        %ne3A_692 = arith.constant 0 : i32
        %ne3A_693 = arith.cmpi ne, %rem3A_691, %ne3A_692 : i32
        %and3A_694 = arith.andi %ne3A_690, %ne3A_693 : i1
        %sub3A_695 = arith.constant 1 : i32
        %sub3A_696 = arith.subi %div3A_675, %sub3A_695 : i32
        %select_n3A_697 = arith.select %and3A_694, %sub3A_696, %div3A_675 : i32
        %mul3A_698 = arith.constant 16384 : i32
        %mul3A_699 = arith.muli %select_n3A_697, %mul3A_698 : i32
        %add3A_700 = arith.addi %mul3A_699, %mul3A_4 : i32
        %jit3A_701 = arith.constant 4 : i32
        %eq3A_702 = arith.constant 0 : i32
        %eq3A_703 = arith.cmpi eq, %jit3A_701, %eq3A_702 : i32
        %jit3A_704 = arith.constant 1 : i32
        %select_n3A_705 = arith.select %eq3A_703, %jit3A_704, %jit3A_701 : i32
        %rem3A_706 = arith.remsi %add3A_673, %select_n3A_705 : i32
        %ne3A_707 = arith.constant 0 : i32
        %ne3A_708 = arith.cmpi ne, %rem3A_706, %ne3A_707 : i32
        %lt3A_709 = arith.constant 0 : i32
        %lt3A_710 = arith.cmpi slt, %rem3A_706, %lt3A_709 : i32
        %lt3A_711 = arith.constant 0 : i32
        %lt3A_712 = arith.cmpi slt, %select_n3A_705, %lt3A_711 : i32
        %ne3A_713 = arith.xori %lt3A_710, %lt3A_712 : i1
        %and3A_714 = arith.andi %ne3A_713, %ne3A_708 : i1
        %add3A_715 = arith.addi %rem3A_706, %select_n3A_705 : i32
        %select_n3A_716 = arith.select %and3A_714, %add3A_715, %rem3A_706 : i32
        %mul3A_717 = arith.constant 128 : i32
        %mul3A_718 = arith.muli %select_n3A_716, %mul3A_717 : i32
        %add3A_719 = arith.addi %add3A_700, %mul3A_718 : i32
        %dma_start3A_720 = arith.constant 0 : i32
        %dma_start3A_721 = tpu.memref_slice %arg2[%add3A_719, %dma_start3A_720] : memref<65536x128xf32, #tpu.memory_space<hbm>> -> memref<128x128xf32, #tpu.memory_space<hbm>>
        %dma_start3A_722 = arith.constant 0 : i32
        %dma_start3A_723 = tpu.memref_slice %arg2[%add3A_719, %dma_start3A_722] : memref<65536x128xf32, #tpu.memory_space<hbm>> -> memref<128x128xf32, #tpu.memory_space<hbm>>
        tpu.enqueue_dma source(%dma_start3A_723 : memref<128x128xf32, #tpu.memory_space<hbm>>) target(%arg9 : memref<128x128xf32, #tpu.memory_space<vmem>>) target_semaphore(%arg14 : memref<!tpu.dma_semaphore, #tpu.memory_space<semaphore_mem>>)
      } else {
      }
      %jit3A_358 = arith.constant 4 : i32
      %div3A_359 = arith.divsi %add3A_345, %jit3A_358 : i32
      %sign3A_360 = arith.constant 0 : i32
      %sign3A_361 = arith.cmpi sgt, %add3A_345, %sign3A_360 : i32
      %sign3A_362 = arith.extui %sign3A_361 : i1 to i32
      %sign3A_363 = arith.constant 0 : i32
      %sign3A_364 = arith.cmpi slt, %add3A_345, %sign3A_363 : i32
      %sign3A_365 = arith.extui %sign3A_364 : i1 to i32
      %sign3A_366 = arith.subi %sign3A_362, %sign3A_365 : i32
      %sign3A_367 = arith.constant 0 : i32
      %sign3A_368 = arith.cmpi sgt, %jit3A_358, %sign3A_367 : i32
      %sign3A_369 = arith.extui %sign3A_368 : i1 to i32
      %sign3A_370 = arith.constant 0 : i32
      %sign3A_371 = arith.cmpi slt, %jit3A_358, %sign3A_370 : i32
      %sign3A_372 = arith.extui %sign3A_371 : i1 to i32
      %sign3A_373 = arith.subi %sign3A_369, %sign3A_372 : i32
      %ne3A_374 = arith.cmpi ne, %sign3A_366, %sign3A_373 : i32
      %rem3A_375 = arith.remsi %add3A_345, %jit3A_358 : i32
      %ne3A_376 = arith.constant 0 : i32
      %ne3A_377 = arith.cmpi ne, %rem3A_375, %ne3A_376 : i32
      %and3A_378 = arith.andi %ne3A_374, %ne3A_377 : i1
      %sub3A_379 = arith.constant 1 : i32
      %sub3A_380 = arith.subi %div3A_359, %sub3A_379 : i32
      %select_n3A_381 = arith.select %and3A_378, %sub3A_380, %div3A_359 : i32
      %mul3A_382 = arith.constant 16384 : i32
      %mul3A_383 = arith.muli %select_n3A_381, %mul3A_382 : i32
      %add3A_384 = arith.addi %mul3A_383, %mul3A_4 : i32
      %jit3A_385 = arith.constant 4 : i32
      %eq3A_386 = arith.constant 0 : i32
      %eq3A_387 = arith.cmpi eq, %jit3A_385, %eq3A_386 : i32
      %jit3A_388 = arith.constant 1 : i32
      %select_n3A_389 = arith.select %eq3A_387, %jit3A_388, %jit3A_385 : i32
      %rem3A_390 = arith.remsi %add3A_345, %select_n3A_389 : i32
      %ne3A_391 = arith.constant 0 : i32
      %ne3A_392 = arith.cmpi ne, %rem3A_390, %ne3A_391 : i32
      %lt3A_393 = arith.constant 0 : i32
      %lt3A_394 = arith.cmpi slt, %rem3A_390, %lt3A_393 : i32
      %lt3A_395 = arith.constant 0 : i32
      %lt3A_396 = arith.cmpi slt, %select_n3A_389, %lt3A_395 : i32
      %ne3A_397 = arith.xori %lt3A_394, %lt3A_396 : i1
      %and3A_398 = arith.andi %ne3A_397, %ne3A_392 : i1
      %add3A_399 = arith.addi %rem3A_390, %select_n3A_389 : i32
      %select_n3A_400 = arith.select %and3A_398, %add3A_399, %rem3A_390 : i32
      %mul3A_401 = arith.constant 128 : i32
      %mul3A_402 = arith.muli %select_n3A_400, %mul3A_401 : i32
      %add3A_403 = arith.addi %add3A_384, %mul3A_402 : i32
      %dma_wait3A_404 = arith.constant 0 : i32
      %dma_wait3A_405 = tpu.memref_slice %arg2[%add3A_403, %dma_wait3A_404] : memref<65536x128xf32, #tpu.memory_space<hbm>> -> memref<128x128xf32, #tpu.memory_space<hbm>>
      %dma_wait3A_406 = arith.constant 0 : i32
      %dma_wait3A_407 = tpu.memref_slice %arg2[%add3A_403, %dma_wait3A_406] : memref<65536x128xf32, #tpu.memory_space<hbm>> -> memref<128x128xf32, #tpu.memory_space<hbm>>
      tpu.wait_dma2 semaphore(%arg15 : memref<!tpu.dma_semaphore, #tpu.memory_space<semaphore_mem>>) src(%dma_wait3A_407 : memref<128x128xf32, #tpu.memory_space<hbm>>) dst(%arg10 : memref<128x128xf32, #tpu.memory_space<vmem>>)
      %jit3A_408 = arith.constant 4 : i32
      %eq3A_409 = arith.constant 0 : i32
      %eq3A_410 = arith.cmpi eq, %jit3A_408, %eq3A_409 : i32
      %jit3A_411 = arith.constant 1 : i32
      %select_n3A_412 = arith.select %eq3A_410, %jit3A_411, %jit3A_408 : i32
      %rem3A_413 = arith.remsi %add3A_345, %select_n3A_412 : i32
      %ne3A_414 = arith.constant 0 : i32
      %ne3A_415 = arith.cmpi ne, %rem3A_413, %ne3A_414 : i32
      %lt3A_416 = arith.constant 0 : i32
      %lt3A_417 = arith.cmpi slt, %rem3A_413, %lt3A_416 : i32
      %lt3A_418 = arith.constant 0 : i32
      %lt3A_419 = arith.cmpi slt, %select_n3A_412, %lt3A_418 : i32
      %ne3A_420 = arith.xori %lt3A_417, %lt3A_419 : i1
      %and3A_421 = arith.andi %ne3A_420, %ne3A_415 : i1
      %add3A_422 = arith.addi %rem3A_413, %select_n3A_412 : i32
      %select_n3A_423 = arith.select %and3A_421, %add3A_422, %rem3A_413 : i32
      %scan3A_424 = arith.constant 0 : i32
      %scan3A_425 = arith.constant 0 : i32
      %scan3A_426 = arith.constant 8 : i32
      %scan3A_427 = arith.addi %scan3A_425, %scan3A_426 : i32
      %scan3A_428 = arith.constant 1 : i32
      scf.for %scan3A_618 = %scan3A_425 to %scan3A_427 step %scan3A_428  : i32 {
        %mul3A_619 = arith.constant 8 : i32
        %mul3A_620 = arith.muli %select_n3A_423, %mul3A_619 : i32
        %add3A_621 = arith.addi %mul3A_620, %scan3A_618 : i32
        %get3A = arith.index_cast %add3A_621 : i32 to index
        %get3A_622 = arith.constant 0 : index
        %get3A_623 = tpu.vector_load %arg7[%get3A, %get3A_622] {strides = array<i32>} : memref<32x128xf32, #tpu.memory_space<vmem>>, vector<1x16xf32>,
        %get3A_624 = vector.shape_cast %get3A_623 : vector<1x16xf32> to vector<16xf32>
        %mul3A_625 = arith.constant 8 : i32
        %mul3A_626 = arith.muli %select_n3A_423, %mul3A_625 : i32
        %add3A_627 = arith.addi %mul3A_626, %scan3A_618 : i32
        %get3A_628 = arith.index_cast %add3A_627 : i32 to index
        %get3A_629 = arith.constant 16 : index
        %get3A_630 = tpu.vector_load %arg7[%get3A_628, %get3A_629] {strides = array<i32>} : memref<32x128xf32, #tpu.memory_space<vmem>>, vector<1x16xf32>,
        %get3A_631 = vector.shape_cast %get3A_630 : vector<1x16xf32> to vector<16xf32>
        %mul3A_632 = arith.constant 8 : i32
        %mul3A_633 = arith.muli %select_n3A_423, %mul3A_632 : i32
        %add3A_634 = arith.addi %mul3A_633, %scan3A_618 : i32
        %get3A_635 = arith.index_cast %add3A_634 : i32 to index
        %get3A_636 = arith.constant 32 : index
        %get3A_637 = tpu.vector_load %arg7[%get3A_635, %get3A_636] {strides = array<i32>} : memref<32x128xf32, #tpu.memory_space<vmem>>, vector<1x16xf32>,
        %get3A_638 = vector.shape_cast %get3A_637 : vector<1x16xf32> to vector<16xf32>
        %mul3A_639 = arith.constant 8 : i32
        %mul3A_640 = arith.muli %select_n3A_423, %mul3A_639 : i32
        %add3A_641 = arith.addi %mul3A_640, %scan3A_618 : i32
        %get3A_642 = arith.index_cast %add3A_641 : i32 to index
        %get3A_643 = arith.constant 48 : index
        %get3A_644 = tpu.vector_load %arg7[%get3A_642, %get3A_643] {strides = array<i32>} : memref<32x128xf32, #tpu.memory_space<vmem>>, vector<1x16xf32>,
        %get3A_645 = vector.shape_cast %get3A_644 : vector<1x16xf32> to vector<16xf32>
        %mul3A_646 = arith.constant 8 : i32
        %mul3A_647 = arith.muli %select_n3A_423, %mul3A_646 : i32
        %add3A_648 = arith.addi %mul3A_647, %scan3A_618 : i32
        %get3A_649 = arith.index_cast %add3A_648 : i32 to index
        %get3A_650 = arith.constant 64 : index
        %get3A_651 = tpu.vector_load %arg7[%get3A_649, %get3A_650] {strides = array<i32>} : memref<32x128xf32, #tpu.memory_space<vmem>>, vector<1x16xf32>,
        %get3A_652 = vector.shape_cast %get3A_651 : vector<1x16xf32> to vector<16xf32>
        %mul3A_653 = arith.constant 8 : i32
        %mul3A_654 = arith.muli %select_n3A_423, %mul3A_653 : i32
        %add3A_655 = arith.addi %mul3A_654, %scan3A_618 : i32
        %get3A_656 = arith.index_cast %add3A_655 : i32 to index
        %get3A_657 = arith.constant 80 : index
        %get3A_658 = tpu.vector_load %arg7[%get3A_656, %get3A_657] {strides = array<i32>} : memref<32x128xf32, #tpu.memory_space<vmem>>, vector<1x16xf32>,
        %get3A_659 = vector.shape_cast %get3A_658 : vector<1x16xf32> to vector<16xf32>
        %mul3A_660 = arith.constant 8 : i32
        %mul3A_661 = arith.muli %select_n3A_423, %mul3A_660 : i32
        %add3A_662 = arith.addi %mul3A_661, %scan3A_618 : i32
        %get3A_663 = arith.index_cast %add3A_662 : i32 to index
        %get3A_664 = arith.constant 96 : index
        %get3A_665 = tpu.vector_load %arg7[%get3A_663, %get3A_664] {strides = array<i32>} : memref<32x128xf32, #tpu.memory_space<vmem>>, vector<1x16xf32>,
        %get3A_666 = vector.shape_cast %get3A_665 : vector<1x16xf32> to vector<16xf32>
        %mul3A_667 = arith.constant 8 : i32
        %mul3A_668 = arith.muli %select_n3A_423, %mul3A_667 : i32
        %add3A_669 = arith.addi %mul3A_668, %scan3A_618 : i32
        %get3A_670 = arith.index_cast %add3A_669 : i32 to index
        %get3A_671 = arith.constant 112 : index
        %get3A_672 = tpu.vector_load %arg7[%get3A_670, %get3A_671] {strides = array<i32>} : memref<32x128xf32, #tpu.memory_space<vmem>>, vector<1x16xf32>,
        %get3A_673 = vector.shape_cast %get3A_672 : vector<1x16xf32> to vector<16xf32>
        %scan3A_674 = arith.constant 0 : i32
        %scan3A_675 = arith.constant 16 : i32
        %scan3A_676 = arith.addi %scan3A_674, %scan3A_675 : i32
        %scan3A_677 = arith.constant 4 : i32
        scf.for %scan3A_679 = %scan3A_674 to %scan3A_676 step %scan3A_677  : i32 {
          %mul3A_680 = arith.constant 16 : i32
          %mul3A_681 = arith.muli %scan3A_618, %mul3A_680 : i32
          %add3A_682 = arith.addi %mul3A_681, %scan3A_679 : i32
          %get3A_683 = arith.index_cast %add3A_682 : i32 to index
          %get3A_684 = arith.constant 0 : index
          %get3A_685 = tpu.vector_load %arg10[%get3A_683, %get3A_684] {strides = array<i32>} : memref<128x128xf32, #tpu.memory_space<vmem>>, vector<1x16xf32>,
          %get3A_686 = vector.shape_cast %get3A_685 : vector<1x16xf32> to vector<16xf32>
          %add3A_687 = arith.addf %get3A_686, %get3A_624 : vector<16xf32>
          %swap3A = arith.index_cast %add3A_682 : i32 to index
          %swap3A_688 = arith.constant 0 : index
          %swap3A_689 = tpu.vector_load %arg10[%swap3A, %swap3A_688] {strides = array<i32>} : memref<128x128xf32, #tpu.memory_space<vmem>>, vector<1x16xf32>,
          %swap3A_690 = vector.shape_cast %swap3A_689 : vector<1x16xf32> to vector<16xf32>
          %swap3A_691 = vector.shape_cast %add3A_687 : vector<16xf32> to vector<1x16xf32>
          tpu.vector_store %arg10[%swap3A, %swap3A_688], %swap3A_691 {strides = array<i32>} : memref<128x128xf32, #tpu.memory_space<vmem>>, vector<1x16xf32>,
          %get3A_692 = arith.index_cast %add3A_682 : i32 to index
          %get3A_693 = arith.constant 16 : index
          %get3A_694 = tpu.vector_load %arg10[%get3A_692, %get3A_693] {strides = array<i32>} : memref<128x128xf32, #tpu.memory_space<vmem>>, vector<1x16xf32>,
          %get3A_695 = vector.shape_cast %get3A_694 : vector<1x16xf32> to vector<16xf32>
          %add3A_696 = arith.addf %get3A_695, %get3A_631 : vector<16xf32>
          %swap3A_697 = arith.index_cast %add3A_682 : i32 to index
          %swap3A_698 = arith.constant 16 : index
          %swap3A_699 = tpu.vector_load %arg10[%swap3A_697, %swap3A_698] {strides = array<i32>} : memref<128x128xf32, #tpu.memory_space<vmem>>, vector<1x16xf32>,
          %swap3A_700 = vector.shape_cast %swap3A_699 : vector<1x16xf32> to vector<16xf32>
          %swap3A_701 = vector.shape_cast %add3A_696 : vector<16xf32> to vector<1x16xf32>
          tpu.vector_store %arg10[%swap3A_697, %swap3A_698], %swap3A_701 {strides = array<i32>} : memref<128x128xf32, #tpu.memory_space<vmem>>, vector<1x16xf32>,
          %get3A_702 = arith.index_cast %add3A_682 : i32 to index
          %get3A_703 = arith.constant 32 : index
          %get3A_704 = tpu.vector_load %arg10[%get3A_702, %get3A_703] {strides = array<i32>} : memref<128x128xf32, #tpu.memory_space<vmem>>, vector<1x16xf32>,
          %get3A_705 = vector.shape_cast %get3A_704 : vector<1x16xf32> to vector<16xf32>
          %add3A_706 = arith.addf %get3A_705, %get3A_638 : vector<16xf32>
          %swap3A_707 = arith.index_cast %add3A_682 : i32 to index
          %swap3A_708 = arith.constant 32 : index
          %swap3A_709 = tpu.vector_load %arg10[%swap3A_707, %swap3A_708] {strides = array<i32>} : memref<128x128xf32, #tpu.memory_space<vmem>>, vector<1x16xf32>,
          %swap3A_710 = vector.shape_cast %swap3A_709 : vector<1x16xf32> to vector<16xf32>
          %swap3A_711 = vector.shape_cast %add3A_706 : vector<16xf32> to vector<1x16xf32>
          tpu.vector_store %arg10[%swap3A_707, %swap3A_708], %swap3A_711 {strides = array<i32>} : memref<128x128xf32, #tpu.memory_space<vmem>>, vector<1x16xf32>,
          %get3A_712 = arith.index_cast %add3A_682 : i32 to index
          %get3A_713 = arith.constant 48 : index
          %get3A_714 = tpu.vector_load %arg10[%get3A_712, %get3A_713] {strides = array<i32>} : memref<128x128xf32, #tpu.memory_space<vmem>>, vector<1x16xf32>,
          %get3A_715 = vector.shape_cast %get3A_714 : vector<1x16xf32> to vector<16xf32>
          %add3A_716 = arith.addf %get3A_715, %get3A_645 : vector<16xf32>
          %swap3A_717 = arith.index_cast %add3A_682 : i32 to index
          %swap3A_718 = arith.constant 48 : index
          %swap3A_719 = tpu.vector_load %arg10[%swap3A_717, %swap3A_718] {strides = array<i32>} : memref<128x128xf32, #tpu.memory_space<vmem>>, vector<1x16xf32>,
          %swap3A_720 = vector.shape_cast %swap3A_719 : vector<1x16xf32> to vector<16xf32>
          %swap3A_721 = vector.shape_cast %add3A_716 : vector<16xf32> to vector<1x16xf32>
          tpu.vector_store %arg10[%swap3A_717, %swap3A_718], %swap3A_721 {strides = array<i32>} : memref<128x128xf32, #tpu.memory_space<vmem>>, vector<1x16xf32>,
          %get3A_722 = arith.index_cast %add3A_682 : i32 to index
          %get3A_723 = arith.constant 64 : index
          %get3A_724 = tpu.vector_load %arg10[%get3A_722, %get3A_723] {strides = array<i32>} : memref<128x128xf32, #tpu.memory_space<vmem>>, vector<1x16xf32>,
          %get3A_725 = vector.shape_cast %get3A_724 : vector<1x16xf32> to vector<16xf32>
          %add3A_726 = arith.addf %get3A_725, %get3A_652 : vector<16xf32>
          %swap3A_727 = arith.index_cast %add3A_682 : i32 to index
          %swap3A_728 = arith.constant 64 : index
          %swap3A_729 = tpu.vector_load %arg10[%swap3A_727, %swap3A_728] {strides = array<i32>} : memref<128x128xf32, #tpu.memory_space<vmem>>, vector<1x16xf32>,
          %swap3A_730 = vector.shape_cast %swap3A_729 : vector<1x16xf32> to vector<16xf32>
          %swap3A_731 = vector.shape_cast %add3A_726 : vector<16xf32> to vector<1x16xf32>
          tpu.vector_store %arg10[%swap3A_727, %swap3A_728], %swap3A_731 {strides = array<i32>} : memref<128x128xf32, #tpu.memory_space<vmem>>, vector<1x16xf32>,
          %get3A_732 = arith.index_cast %add3A_682 : i32 to index
          %get3A_733 = arith.constant 80 : index
          %get3A_734 = tpu.vector_load %arg10[%get3A_732, %get3A_733] {strides = array<i32>} : memref<128x128xf32, #tpu.memory_space<vmem>>, vector<1x16xf32>,
          %get3A_735 = vector.shape_cast %get3A_734 : vector<1x16xf32> to vector<16xf32>
          %add3A_736 = arith.addf %get3A_735, %get3A_659 : vector<16xf32>
          %swap3A_737 = arith.index_cast %add3A_682 : i32 to index
          %swap3A_738 = arith.constant 80 : index
          %swap3A_739 = tpu.vector_load %arg10[%swap3A_737, %swap3A_738] {strides = array<i32>} : memref<128x128xf32, #tpu.memory_space<vmem>>, vector<1x16xf32>,
          %swap3A_740 = vector.shape_cast %swap3A_739 : vector<1x16xf32> to vector<16xf32>
          %swap3A_741 = vector.shape_cast %add3A_736 : vector<16xf32> to vector<1x16xf32>
          tpu.vector_store %arg10[%swap3A_737, %swap3A_738], %swap3A_741 {strides = array<i32>} : memref<128x128xf32, #tpu.memory_space<vmem>>, vector<1x16xf32>,
          %get3A_742 = arith.index_cast %add3A_682 : i32 to index
          %get3A_743 = arith.constant 96 : index
          %get3A_744 = tpu.vector_load %arg10[%get3A_742, %get3A_743] {strides = array<i32>} : memref<128x128xf32, #tpu.memory_space<vmem>>, vector<1x16xf32>,
          %get3A_745 = vector.shape_cast %get3A_744 : vector<1x16xf32> to vector<16xf32>
          %add3A_746 = arith.addf %get3A_745, %get3A_666 : vector<16xf32>
          %swap3A_747 = arith.index_cast %add3A_682 : i32 to index
          %swap3A_748 = arith.constant 96 : index
          %swap3A_749 = tpu.vector_load %arg10[%swap3A_747, %swap3A_748] {strides = array<i32>} : memref<128x128xf32, #tpu.memory_space<vmem>>, vector<1x16xf32>,
          %swap3A_750 = vector.shape_cast %swap3A_749 : vector<1x16xf32> to vector<16xf32>
          %swap3A_751 = vector.shape_cast %add3A_746 : vector<16xf32> to vector<1x16xf32>
          tpu.vector_store %arg10[%swap3A_747, %swap3A_748], %swap3A_751 {strides = array<i32>} : memref<128x128xf32, #tpu.memory_space<vmem>>, vector<1x16xf32>,
          %get3A_752 = arith.index_cast %add3A_682 : i32 to index
          %get3A_753 = arith.constant 112 : index
          %get3A_754 = tpu.vector_load %arg10[%get3A_752, %get3A_753] {strides = array<i32>} : memref<128x128xf32, #tpu.memory_space<vmem>>, vector<1x16xf32>,
          %get3A_755 = vector.shape_cast %get3A_754 : vector<1x16xf32> to vector<16xf32>
          %add3A_756 = arith.addf %get3A_755, %get3A_673 : vector<16xf32>
          %swap3A_757 = arith.index_cast %add3A_682 : i32 to index
          %swap3A_758 = arith.constant 112 : index
          %swap3A_759 = tpu.vector_load %arg10[%swap3A_757, %swap3A_758] {strides = array<i32>} : memref<128x128xf32, #tpu.memory_space<vmem>>, vector<1x16xf32>,
          %swap3A_760 = vector.shape_cast %swap3A_759 : vector<1x16xf32> to vector<16xf32>
          %swap3A_761 = vector.shape_cast %add3A_756 : vector<16xf32> to vector<1x16xf32>
          tpu.vector_store %arg10[%swap3A_757, %swap3A_758], %swap3A_761 {strides = array<i32>} : memref<128x128xf32, #tpu.memory_space<vmem>>, vector<1x16xf32>,
          %scan3A_762 = arith.constant 1 : i32
          %scan3A_763 = arith.addi %scan3A_679, %scan3A_762 : i32
          %mul3A_764 = arith.constant 16 : i32
          %mul3A_765 = arith.muli %scan3A_618, %mul3A_764 : i32
          %add3A_766 = arith.addi %mul3A_765, %scan3A_763 : i32
          %get3A_767 = arith.index_cast %add3A_766 : i32 to index
          %get3A_768 = arith.constant 0 : index
          %get3A_769 = tpu.vector_load %arg10[%get3A_767, %get3A_768] {strides = array<i32>} : memref<128x128xf32, #tpu.memory_space<vmem>>, vector<1x16xf32>,
          %get3A_770 = vector.shape_cast %get3A_769 : vector<1x16xf32> to vector<16xf32>
          %add3A_771 = arith.addf %get3A_770, %get3A_624 : vector<16xf32>
          %swap3A_772 = arith.index_cast %add3A_766 : i32 to index
          %swap3A_773 = arith.constant 0 : index
          %swap3A_774 = tpu.vector_load %arg10[%swap3A_772, %swap3A_773] {strides = array<i32>} : memref<128x128xf32, #tpu.memory_space<vmem>>, vector<1x16xf32>,
          %swap3A_775 = vector.shape_cast %swap3A_774 : vector<1x16xf32> to vector<16xf32>
          %swap3A_776 = vector.shape_cast %add3A_771 : vector<16xf32> to vector<1x16xf32>
          tpu.vector_store %arg10[%swap3A_772, %swap3A_773], %swap3A_776 {strides = array<i32>} : memref<128x128xf32, #tpu.memory_space<vmem>>, vector<1x16xf32>,
          %get3A_777 = arith.index_cast %add3A_766 : i32 to index
          %get3A_778 = arith.constant 16 : index
          %get3A_779 = tpu.vector_load %arg10[%get3A_777, %get3A_778] {strides = array<i32>} : memref<128x128xf32, #tpu.memory_space<vmem>>, vector<1x16xf32>,
          %get3A_780 = vector.shape_cast %get3A_779 : vector<1x16xf32> to vector<16xf32>
          %add3A_781 = arith.addf %get3A_780, %get3A_631 : vector<16xf32>
          %swap3A_782 = arith.index_cast %add3A_766 : i32 to index
          %swap3A_783 = arith.constant 16 : index
          %swap3A_784 = tpu.vector_load %arg10[%swap3A_782, %swap3A_783] {strides = array<i32>} : memref<128x128xf32, #tpu.memory_space<vmem>>, vector<1x16xf32>,
          %swap3A_785 = vector.shape_cast %swap3A_784 : vector<1x16xf32> to vector<16xf32>
          %swap3A_786 = vector.shape_cast %add3A_781 : vector<16xf32> to vector<1x16xf32>
          tpu.vector_store %arg10[%swap3A_782, %swap3A_783], %swap3A_786 {strides = array<i32>} : memref<128x128xf32, #tpu.memory_space<vmem>>, vector<1x16xf32>,
          %get3A_787 = arith.index_cast %add3A_766 : i32 to index
          %get3A_788 = arith.constant 32 : index
          %get3A_789 = tpu.vector_load %arg10[%get3A_787, %get3A_788] {strides = array<i32>} : memref<128x128xf32, #tpu.memory_space<vmem>>, vector<1x16xf32>,
          %get3A_790 = vector.shape_cast %get3A_789 : vector<1x16xf32> to vector<16xf32>
          %add3A_791 = arith.addf %get3A_790, %get3A_638 : vector<16xf32>
          %swap3A_792 = arith.index_cast %add3A_766 : i32 to index
          %swap3A_793 = arith.constant 32 : index
          %swap3A_794 = tpu.vector_load %arg10[%swap3A_792, %swap3A_793] {strides = array<i32>} : memref<128x128xf32, #tpu.memory_space<vmem>>, vector<1x16xf32>,
          %swap3A_795 = vector.shape_cast %swap3A_794 : vector<1x16xf32> to vector<16xf32>
          %swap3A_796 = vector.shape_cast %add3A_791 : vector<16xf32> to vector<1x16xf32>
          tpu.vector_store %arg10[%swap3A_792, %swap3A_793], %swap3A_796 {strides = array<i32>} : memref<128x128xf32, #tpu.memory_space<vmem>>, vector<1x16xf32>,
          %get3A_797 = arith.index_cast %add3A_766 : i32 to index
          %get3A_798 = arith.constant 48 : index
          %get3A_799 = tpu.vector_load %arg10[%get3A_797, %get3A_798] {strides = array<i32>} : memref<128x128xf32, #tpu.memory_space<vmem>>, vector<1x16xf32>,
          %get3A_800 = vector.shape_cast %get3A_799 : vector<1x16xf32> to vector<16xf32>
          %add3A_801 = arith.addf %get3A_800, %get3A_645 : vector<16xf32>
          %swap3A_802 = arith.index_cast %add3A_766 : i32 to index
          %swap3A_803 = arith.constant 48 : index
          %swap3A_804 = tpu.vector_load %arg10[%swap3A_802, %swap3A_803] {strides = array<i32>} : memref<128x128xf32, #tpu.memory_space<vmem>>, vector<1x16xf32>,
          %swap3A_805 = vector.shape_cast %swap3A_804 : vector<1x16xf32> to vector<16xf32>
          %swap3A_806 = vector.shape_cast %add3A_801 : vector<16xf32> to vector<1x16xf32>
          tpu.vector_store %arg10[%swap3A_802, %swap3A_803], %swap3A_806 {strides = array<i32>} : memref<128x128xf32, #tpu.memory_space<vmem>>, vector<1x16xf32>,
          %get3A_807 = arith.index_cast %add3A_766 : i32 to index
          %get3A_808 = arith.constant 64 : index
          %get3A_809 = tpu.vector_load %arg10[%get3A_807, %get3A_808] {strides = array<i32>} : memref<128x128xf32, #tpu.memory_space<vmem>>, vector<1x16xf32>,
          %get3A_810 = vector.shape_cast %get3A_809 : vector<1x16xf32> to vector<16xf32>
          %add3A_811 = arith.addf %get3A_810, %get3A_652 : vector<16xf32>
          %swap3A_812 = arith.index_cast %add3A_766 : i32 to index
          %swap3A_813 = arith.constant 64 : index
          %swap3A_814 = tpu.vector_load %arg10[%swap3A_812, %swap3A_813] {strides = array<i32>} : memref<128x128xf32, #tpu.memory_space<vmem>>, vector<1x16xf32>,
          %swap3A_815 = vector.shape_cast %swap3A_814 : vector<1x16xf32> to vector<16xf32>
          %swap3A_816 = vector.shape_cast %add3A_811 : vector<16xf32> to vector<1x16xf32>
          tpu.vector_store %arg10[%swap3A_812, %swap3A_813], %swap3A_816 {strides = array<i32>} : memref<128x128xf32, #tpu.memory_space<vmem>>, vector<1x16xf32>,
          %get3A_817 = arith.index_cast %add3A_766 : i32 to index
          %get3A_818 = arith.constant 80 : index
          %get3A_819 = tpu.vector_load %arg10[%get3A_817, %get3A_818] {strides = array<i32>} : memref<128x128xf32, #tpu.memory_space<vmem>>, vector<1x16xf32>,
          %get3A_820 = vector.shape_cast %get3A_819 : vector<1x16xf32> to vector<16xf32>
          %add3A_821 = arith.addf %get3A_820, %get3A_659 : vector<16xf32>
          %swap3A_822 = arith.index_cast %add3A_766 : i32 to index
          %swap3A_823 = arith.constant 80 : index
          %swap3A_824 = tpu.vector_load %arg10[%swap3A_822, %swap3A_823] {strides = array<i32>} : memref<128x128xf32, #tpu.memory_space<vmem>>, vector<1x16xf32>,
          %swap3A_825 = vector.shape_cast %swap3A_824 : vector<1x16xf32> to vector<16xf32>
          %swap3A_826 = vector.shape_cast %add3A_821 : vector<16xf32> to vector<1x16xf32>
          tpu.vector_store %arg10[%swap3A_822, %swap3A_823], %swap3A_826 {strides = array<i32>} : memref<128x128xf32, #tpu.memory_space<vmem>>, vector<1x16xf32>,
          %get3A_827 = arith.index_cast %add3A_766 : i32 to index
          %get3A_828 = arith.constant 96 : index
          %get3A_829 = tpu.vector_load %arg10[%get3A_827, %get3A_828] {strides = array<i32>} : memref<128x128xf32, #tpu.memory_space<vmem>>, vector<1x16xf32>,
          %get3A_830 = vector.shape_cast %get3A_829 : vector<1x16xf32> to vector<16xf32>
          %add3A_831 = arith.addf %get3A_830, %get3A_666 : vector<16xf32>
          %swap3A_832 = arith.index_cast %add3A_766 : i32 to index
          %swap3A_833 = arith.constant 96 : index
          %swap3A_834 = tpu.vector_load %arg10[%swap3A_832, %swap3A_833] {strides = array<i32>} : memref<128x128xf32, #tpu.memory_space<vmem>>, vector<1x16xf32>,
          %swap3A_835 = vector.shape_cast %swap3A_834 : vector<1x16xf32> to vector<16xf32>
          %swap3A_836 = vector.shape_cast %add3A_831 : vector<16xf32> to vector<1x16xf32>
          tpu.vector_store %arg10[%swap3A_832, %swap3A_833], %swap3A_836 {strides = array<i32>} : memref<128x128xf32, #tpu.memory_space<vmem>>, vector<1x16xf32>,
          %get3A_837 = arith.index_cast %add3A_766 : i32 to index
          %get3A_838 = arith.constant 112 : index
          %get3A_839 = tpu.vector_load %arg10[%get3A_837, %get3A_838] {strides = array<i32>} : memref<128x128xf32, #tpu.memory_space<vmem>>, vector<1x16xf32>,
          %get3A_840 = vector.shape_cast %get3A_839 : vector<1x16xf32> to vector<16xf32>
          %add3A_841 = arith.addf %get3A_840, %get3A_673 : vector<16xf32>
          %swap3A_842 = arith.index_cast %add3A_766 : i32 to index
          %swap3A_843 = arith.constant 112 : index
          %swap3A_844 = tpu.vector_load %arg10[%swap3A_842, %swap3A_843] {strides = array<i32>} : memref<128x128xf32, #tpu.memory_space<vmem>>, vector<1x16xf32>,
          %swap3A_845 = vector.shape_cast %swap3A_844 : vector<1x16xf32> to vector<16xf32>
          %swap3A_846 = vector.shape_cast %add3A_841 : vector<16xf32> to vector<1x16xf32>
          tpu.vector_store %arg10[%swap3A_842, %swap3A_843], %swap3A_846 {strides = array<i32>} : memref<128x128xf32, #tpu.memory_space<vmem>>, vector<1x16xf32>,
          %scan3A_847 = arith.constant 2 : i32
          %scan3A_848 = arith.addi %scan3A_679, %scan3A_847 : i32
          %mul3A_849 = arith.constant 16 : i32
          %mul3A_850 = arith.muli %scan3A_618, %mul3A_849 : i32
          %add3A_851 = arith.addi %mul3A_850, %scan3A_848 : i32
          %get3A_852 = arith.index_cast %add3A_851 : i32 to index
          %get3A_853 = arith.constant 0 : index
          %get3A_854 = tpu.vector_load %arg10[%get3A_852, %get3A_853] {strides = array<i32>} : memref<128x128xf32, #tpu.memory_space<vmem>>, vector<1x16xf32>,
          %get3A_855 = vector.shape_cast %get3A_854 : vector<1x16xf32> to vector<16xf32>
          %add3A_856 = arith.addf %get3A_855, %get3A_624 : vector<16xf32>
          %swap3A_857 = arith.index_cast %add3A_851 : i32 to index
          %swap3A_858 = arith.constant 0 : index
          %swap3A_859 = tpu.vector_load %arg10[%swap3A_857, %swap3A_858] {strides = array<i32>} : memref<128x128xf32, #tpu.memory_space<vmem>>, vector<1x16xf32>,
          %swap3A_860 = vector.shape_cast %swap3A_859 : vector<1x16xf32> to vector<16xf32>
          %swap3A_861 = vector.shape_cast %add3A_856 : vector<16xf32> to vector<1x16xf32>
          tpu.vector_store %arg10[%swap3A_857, %swap3A_858], %swap3A_861 {strides = array<i32>} : memref<128x128xf32, #tpu.memory_space<vmem>>, vector<1x16xf32>,
          %get3A_862 = arith.index_cast %add3A_851 : i32 to index
          %get3A_863 = arith.constant 16 : index
          %get3A_864 = tpu.vector_load %arg10[%get3A_862, %get3A_863] {strides = array<i32>} : memref<128x128xf32, #tpu.memory_space<vmem>>, vector<1x16xf32>,
          %get3A_865 = vector.shape_cast %get3A_864 : vector<1x16xf32> to vector<16xf32>
          %add3A_866 = arith.addf %get3A_865, %get3A_631 : vector<16xf32>
          %swap3A_867 = arith.index_cast %add3A_851 : i32 to index
          %swap3A_868 = arith.constant 16 : index
          %swap3A_869 = tpu.vector_load %arg10[%swap3A_867, %swap3A_868] {strides = array<i32>} : memref<128x128xf32, #tpu.memory_space<vmem>>, vector<1x16xf32>,
          %swap3A_870 = vector.shape_cast %swap3A_869 : vector<1x16xf32> to vector<16xf32>
          %swap3A_871 = vector.shape_cast %add3A_866 : vector<16xf32> to vector<1x16xf32>
          tpu.vector_store %arg10[%swap3A_867, %swap3A_868], %swap3A_871 {strides = array<i32>} : memref<128x128xf32, #tpu.memory_space<vmem>>, vector<1x16xf32>,
          %get3A_872 = arith.index_cast %add3A_851 : i32 to index
          %get3A_873 = arith.constant 32 : index
          %get3A_874 = tpu.vector_load %arg10[%get3A_872, %get3A_873] {strides = array<i32>} : memref<128x128xf32, #tpu.memory_space<vmem>>, vector<1x16xf32>,
          %get3A_875 = vector.shape_cast %get3A_874 : vector<1x16xf32> to vector<16xf32>
          %add3A_876 = arith.addf %get3A_875, %get3A_638 : vector<16xf32>
          %swap3A_877 = arith.index_cast %add3A_851 : i32 to index
          %swap3A_878 = arith.constant 32 : index
          %swap3A_879 = tpu.vector_load %arg10[%swap3A_877, %swap3A_878] {strides = array<i32>} : memref<128x128xf32, #tpu.memory_space<vmem>>, vector<1x16xf32>,
          %swap3A_880 = vector.shape_cast %swap3A_879 : vector<1x16xf32> to vector<16xf32>
          %swap3A_881 = vector.shape_cast %add3A_876 : vector<16xf32> to vector<1x16xf32>
          tpu.vector_store %arg10[%swap3A_877, %swap3A_878], %swap3A_881 {strides = array<i32>} : memref<128x128xf32, #tpu.memory_space<vmem>>, vector<1x16xf32>,
          %get3A_882 = arith.index_cast %add3A_851 : i32 to index
          %get3A_883 = arith.constant 48 : index
          %get3A_884 = tpu.vector_load %arg10[%get3A_882, %get3A_883] {strides = array<i32>} : memref<128x128xf32, #tpu.memory_space<vmem>>, vector<1x16xf32>,
          %get3A_885 = vector.shape_cast %get3A_884 : vector<1x16xf32> to vector<16xf32>
          %add3A_886 = arith.addf %get3A_885, %get3A_645 : vector<16xf32>
          %swap3A_887 = arith.index_cast %add3A_851 : i32 to index
          %swap3A_888 = arith.constant 48 : index
          %swap3A_889 = tpu.vector_load %arg10[%swap3A_887, %swap3A_888] {strides = array<i32>} : memref<128x128xf32, #tpu.memory_space<vmem>>, vector<1x16xf32>,
          %swap3A_890 = vector.shape_cast %swap3A_889 : vector<1x16xf32> to vector<16xf32>
          %swap3A_891 = vector.shape_cast %add3A_886 : vector<16xf32> to vector<1x16xf32>
          tpu.vector_store %arg10[%swap3A_887, %swap3A_888], %swap3A_891 {strides = array<i32>} : memref<128x128xf32, #tpu.memory_space<vmem>>, vector<1x16xf32>,
          %get3A_892 = arith.index_cast %add3A_851 : i32 to index
          %get3A_893 = arith.constant 64 : index
          %get3A_894 = tpu.vector_load %arg10[%get3A_892, %get3A_893] {strides = array<i32>} : memref<128x128xf32, #tpu.memory_space<vmem>>, vector<1x16xf32>,
          %get3A_895 = vector.shape_cast %get3A_894 : vector<1x16xf32> to vector<16xf32>
          %add3A_896 = arith.addf %get3A_895, %get3A_652 : vector<16xf32>
          %swap3A_897 = arith.index_cast %add3A_851 : i32 to index
          %swap3A_898 = arith.constant 64 : index
          %swap3A_899 = tpu.vector_load %arg10[%swap3A_897, %swap3A_898] {strides = array<i32>} : memref<128x128xf32, #tpu.memory_space<vmem>>, vector<1x16xf32>,
          %swap3A_900 = vector.shape_cast %swap3A_899 : vector<1x16xf32> to vector<16xf32>
          %swap3A_901 = vector.shape_cast %add3A_896 : vector<16xf32> to vector<1x16xf32>
          tpu.vector_store %arg10[%swap3A_897, %swap3A_898], %swap3A_901 {strides = array<i32>} : memref<128x128xf32, #tpu.memory_space<vmem>>, vector<1x16xf32>,
          %get3A_902 = arith.index_cast %add3A_851 : i32 to index
          %get3A_903 = arith.constant 80 : index
          %get3A_904 = tpu.vector_load %arg10[%get3A_902, %get3A_903] {strides = array<i32>} : memref<128x128xf32, #tpu.memory_space<vmem>>, vector<1x16xf32>,
          %get3A_905 = vector.shape_cast %get3A_904 : vector<1x16xf32> to vector<16xf32>
          %add3A_906 = arith.addf %get3A_905, %get3A_659 : vector<16xf32>
          %swap3A_907 = arith.index_cast %add3A_851 : i32 to index
          %swap3A_908 = arith.constant 80 : index
          %swap3A_909 = tpu.vector_load %arg10[%swap3A_907, %swap3A_908] {strides = array<i32>} : memref<128x128xf32, #tpu.memory_space<vmem>>, vector<1x16xf32>,
          %swap3A_910 = vector.shape_cast %swap3A_909 : vector<1x16xf32> to vector<16xf32>
          %swap3A_911 = vector.shape_cast %add3A_906 : vector<16xf32> to vector<1x16xf32>
          tpu.vector_store %arg10[%swap3A_907, %swap3A_908], %swap3A_911 {strides = array<i32>} : memref<128x128xf32, #tpu.memory_space<vmem>>, vector<1x16xf32>,
          %get3A_912 = arith.index_cast %add3A_851 : i32 to index
          %get3A_913 = arith.constant 96 : index
          %get3A_914 = tpu.vector_load %arg10[%get3A_912, %get3A_913] {strides = array<i32>} : memref<128x128xf32, #tpu.memory_space<vmem>>, vector<1x16xf32>,
          %get3A_915 = vector.shape_cast %get3A_914 : vector<1x16xf32> to vector<16xf32>
          %add3A_916 = arith.addf %get3A_915, %get3A_666 : vector<16xf32>
          %swap3A_917 = arith.index_cast %add3A_851 : i32 to index
          %swap3A_918 = arith.constant 96 : index
          %swap3A_919 = tpu.vector_load %arg10[%swap3A_917, %swap3A_918] {strides = array<i32>} : memref<128x128xf32, #tpu.memory_space<vmem>>, vector<1x16xf32>,
          %swap3A_920 = vector.shape_cast %swap3A_919 : vector<1x16xf32> to vector<16xf32>
          %swap3A_921 = vector.shape_cast %add3A_916 : vector<16xf32> to vector<1x16xf32>
          tpu.vector_store %arg10[%swap3A_917, %swap3A_918], %swap3A_921 {strides = array<i32>} : memref<128x128xf32, #tpu.memory_space<vmem>>, vector<1x16xf32>,
          %get3A_922 = arith.index_cast %add3A_851 : i32 to index
          %get3A_923 = arith.constant 112 : index
          %get3A_924 = tpu.vector_load %arg10[%get3A_922, %get3A_923] {strides = array<i32>} : memref<128x128xf32, #tpu.memory_space<vmem>>, vector<1x16xf32>,
          %get3A_925 = vector.shape_cast %get3A_924 : vector<1x16xf32> to vector<16xf32>
          %add3A_926 = arith.addf %get3A_925, %get3A_673 : vector<16xf32>
          %swap3A_927 = arith.index_cast %add3A_851 : i32 to index
          %swap3A_928 = arith.constant 112 : index
          %swap3A_929 = tpu.vector_load %arg10[%swap3A_927, %swap3A_928] {strides = array<i32>} : memref<128x128xf32, #tpu.memory_space<vmem>>, vector<1x16xf32>,
          %swap3A_930 = vector.shape_cast %swap3A_929 : vector<1x16xf32> to vector<16xf32>
          %swap3A_931 = vector.shape_cast %add3A_926 : vector<16xf32> to vector<1x16xf32>
          tpu.vector_store %arg10[%swap3A_927, %swap3A_928], %swap3A_931 {strides = array<i32>} : memref<128x128xf32, #tpu.memory_space<vmem>>, vector<1x16xf32>,
          %scan3A_932 = arith.constant 3 : i32
          %scan3A_933 = arith.addi %scan3A_679, %scan3A_932 : i32
          %mul3A_934 = arith.constant 16 : i32
          %mul3A_935 = arith.muli %scan3A_618, %mul3A_934 : i32
          %add3A_936 = arith.addi %mul3A_935, %scan3A_933 : i32
          %get3A_937 = arith.index_cast %add3A_936 : i32 to index
          %get3A_938 = arith.constant 0 : index
          %get3A_939 = tpu.vector_load %arg10[%get3A_937, %get3A_938] {strides = array<i32>} : memref<128x128xf32, #tpu.memory_space<vmem>>, vector<1x16xf32>,
          %get3A_940 = vector.shape_cast %get3A_939 : vector<1x16xf32> to vector<16xf32>
          %add3A_941 = arith.addf %get3A_940, %get3A_624 : vector<16xf32>
          %swap3A_942 = arith.index_cast %add3A_936 : i32 to index
          %swap3A_943 = arith.constant 0 : index
          %swap3A_944 = tpu.vector_load %arg10[%swap3A_942, %swap3A_943] {strides = array<i32>} : memref<128x128xf32, #tpu.memory_space<vmem>>, vector<1x16xf32>,
          %swap3A_945 = vector.shape_cast %swap3A_944 : vector<1x16xf32> to vector<16xf32>
          %swap3A_946 = vector.shape_cast %add3A_941 : vector<16xf32> to vector<1x16xf32>
          tpu.vector_store %arg10[%swap3A_942, %swap3A_943], %swap3A_946 {strides = array<i32>} : memref<128x128xf32, #tpu.memory_space<vmem>>, vector<1x16xf32>,
          %get3A_947 = arith.index_cast %add3A_936 : i32 to index
          %get3A_948 = arith.constant 16 : index
          %get3A_949 = tpu.vector_load %arg10[%get3A_947, %get3A_948] {strides = array<i32>} : memref<128x128xf32, #tpu.memory_space<vmem>>, vector<1x16xf32>,
          %get3A_950 = vector.shape_cast %get3A_949 : vector<1x16xf32> to vector<16xf32>
          %add3A_951 = arith.addf %get3A_950, %get3A_631 : vector<16xf32>
          %swap3A_952 = arith.index_cast %add3A_936 : i32 to index
          %swap3A_953 = arith.constant 16 : index
          %swap3A_954 = tpu.vector_load %arg10[%swap3A_952, %swap3A_953] {strides = array<i32>} : memref<128x128xf32, #tpu.memory_space<vmem>>, vector<1x16xf32>,
          %swap3A_955 = vector.shape_cast %swap3A_954 : vector<1x16xf32> to vector<16xf32>
          %swap3A_956 = vector.shape_cast %add3A_951 : vector<16xf32> to vector<1x16xf32>
          tpu.vector_store %arg10[%swap3A_952, %swap3A_953], %swap3A_956 {strides = array<i32>} : memref<128x128xf32, #tpu.memory_space<vmem>>, vector<1x16xf32>,
          %get3A_957 = arith.index_cast %add3A_936 : i32 to index
          %get3A_958 = arith.constant 32 : index
          %get3A_959 = tpu.vector_load %arg10[%get3A_957, %get3A_958] {strides = array<i32>} : memref<128x128xf32, #tpu.memory_space<vmem>>, vector<1x16xf32>,
          %get3A_960 = vector.shape_cast %get3A_959 : vector<1x16xf32> to vector<16xf32>
          %add3A_961 = arith.addf %get3A_960, %get3A_638 : vector<16xf32>
          %swap3A_962 = arith.index_cast %add3A_936 : i32 to index
          %swap3A_963 = arith.constant 32 : index
          %swap3A_964 = tpu.vector_load %arg10[%swap3A_962, %swap3A_963] {strides = array<i32>} : memref<128x128xf32, #tpu.memory_space<vmem>>, vector<1x16xf32>,
          %swap3A_965 = vector.shape_cast %swap3A_964 : vector<1x16xf32> to vector<16xf32>
          %swap3A_966 = vector.shape_cast %add3A_961 : vector<16xf32> to vector<1x16xf32>
          tpu.vector_store %arg10[%swap3A_962, %swap3A_963], %swap3A_966 {strides = array<i32>} : memref<128x128xf32, #tpu.memory_space<vmem>>, vector<1x16xf32>,
          %get3A_967 = arith.index_cast %add3A_936 : i32 to index
          %get3A_968 = arith.constant 48 : index
          %get3A_969 = tpu.vector_load %arg10[%get3A_967, %get3A_968] {strides = array<i32>} : memref<128x128xf32, #tpu.memory_space<vmem>>, vector<1x16xf32>,
          %get3A_970 = vector.shape_cast %get3A_969 : vector<1x16xf32> to vector<16xf32>
          %add3A_971 = arith.addf %get3A_970, %get3A_645 : vector<16xf32>
          %swap3A_972 = arith.index_cast %add3A_936 : i32 to index
          %swap3A_973 = arith.constant 48 : index
          %swap3A_974 = tpu.vector_load %arg10[%swap3A_972, %swap3A_973] {strides = array<i32>} : memref<128x128xf32, #tpu.memory_space<vmem>>, vector<1x16xf32>,
          %swap3A_975 = vector.shape_cast %swap3A_974 : vector<1x16xf32> to vector<16xf32>
          %swap3A_976 = vector.shape_cast %add3A_971 : vector<16xf32> to vector<1x16xf32>
          tpu.vector_store %arg10[%swap3A_972, %swap3A_973], %swap3A_976 {strides = array<i32>} : memref<128x128xf32, #tpu.memory_space<vmem>>, vector<1x16xf32>,
          %get3A_977 = arith.index_cast %add3A_936 : i32 to index
          %get3A_978 = arith.constant 64 : index
          %get3A_979 = tpu.vector_load %arg10[%get3A_977, %get3A_978] {strides = array<i32>} : memref<128x128xf32, #tpu.memory_space<vmem>>, vector<1x16xf32>,
          %get3A_980 = vector.shape_cast %get3A_979 : vector<1x16xf32> to vector<16xf32>
          %add3A_981 = arith.addf %get3A_980, %get3A_652 : vector<16xf32>
          %swap3A_982 = arith.index_cast %add3A_936 : i32 to index
          %swap3A_983 = arith.constant 64 : index
          %swap3A_984 = tpu.vector_load %arg10[%swap3A_982, %swap3A_983] {strides = array<i32>} : memref<128x128xf32, #tpu.memory_space<vmem>>, vector<1x16xf32>,
          %swap3A_985 = vector.shape_cast %swap3A_984 : vector<1x16xf32> to vector<16xf32>
          %swap3A_986 = vector.shape_cast %add3A_981 : vector<16xf32> to vector<1x16xf32>
          tpu.vector_store %arg10[%swap3A_982, %swap3A_983], %swap3A_986 {strides = array<i32>} : memref<128x128xf32, #tpu.memory_space<vmem>>, vector<1x16xf32>,
          %get3A_987 = arith.index_cast %add3A_936 : i32 to index
          %get3A_988 = arith.constant 80 : index
          %get3A_989 = tpu.vector_load %arg10[%get3A_987, %get3A_988] {strides = array<i32>} : memref<128x128xf32, #tpu.memory_space<vmem>>, vector<1x16xf32>,
          %get3A_990 = vector.shape_cast %get3A_989 : vector<1x16xf32> to vector<16xf32>
          %add3A_991 = arith.addf %get3A_990, %get3A_659 : vector<16xf32>
          %swap3A_992 = arith.index_cast %add3A_936 : i32 to index
          %swap3A_993 = arith.constant 80 : index
          %swap3A_994 = tpu.vector_load %arg10[%swap3A_992, %swap3A_993] {strides = array<i32>} : memref<128x128xf32, #tpu.memory_space<vmem>>, vector<1x16xf32>,
          %swap3A_995 = vector.shape_cast %swap3A_994 : vector<1x16xf32> to vector<16xf32>
          %swap3A_996 = vector.shape_cast %add3A_991 : vector<16xf32> to vector<1x16xf32>
          tpu.vector_store %arg10[%swap3A_992, %swap3A_993], %swap3A_996 {strides = array<i32>} : memref<128x128xf32, #tpu.memory_space<vmem>>, vector<1x16xf32>,
          %get3A_997 = arith.index_cast %add3A_936 : i32 to index
          %get3A_998 = arith.constant 96 : index
          %get3A_999 = tpu.vector_load %arg10[%get3A_997, %get3A_998] {strides = array<i32>} : memref<128x128xf32, #tpu.memory_space<vmem>>, vector<1x16xf32>,
          %get3A_1000 = vector.shape_cast %get3A_999 : vector<1x16xf32> to vector<16xf32>
          %add3A_1001 = arith.addf %get3A_1000, %get3A_666 : vector<16xf32>
          %swap3A_1002 = arith.index_cast %add3A_936 : i32 to index
          %swap3A_1003 = arith.constant 96 : index
          %swap3A_1004 = tpu.vector_load %arg10[%swap3A_1002, %swap3A_1003] {strides = array<i32>} : memref<128x128xf32, #tpu.memory_space<vmem>>, vector<1x16xf32>,
          %swap3A_1005 = vector.shape_cast %swap3A_1004 : vector<1x16xf32> to vector<16xf32>
          %swap3A_1006 = vector.shape_cast %add3A_1001 : vector<16xf32> to vector<1x16xf32>
          tpu.vector_store %arg10[%swap3A_1002, %swap3A_1003], %swap3A_1006 {strides = array<i32>} : memref<128x128xf32, #tpu.memory_space<vmem>>, vector<1x16xf32>,
          %get3A_1007 = arith.index_cast %add3A_936 : i32 to index
          %get3A_1008 = arith.constant 112 : index
          %get3A_1009 = tpu.vector_load %arg10[%get3A_1007, %get3A_1008] {strides = array<i32>} : memref<128x128xf32, #tpu.memory_space<vmem>>, vector<1x16xf32>,
          %get3A_1010 = vector.shape_cast %get3A_1009 : vector<1x16xf32> to vector<16xf32>
          %add3A_1011 = arith.addf %get3A_1010, %get3A_673 : vector<16xf32>
          %swap3A_1012 = arith.index_cast %add3A_936 : i32 to index
          %swap3A_1013 = arith.constant 112 : index
          %swap3A_1014 = tpu.vector_load %arg10[%swap3A_1012, %swap3A_1013] {strides = array<i32>} : memref<128x128xf32, #tpu.memory_space<vmem>>, vector<1x16xf32>,
          %swap3A_1015 = vector.shape_cast %swap3A_1014 : vector<1x16xf32> to vector<16xf32>
          %swap3A_1016 = vector.shape_cast %add3A_1011 : vector<16xf32> to vector<1x16xf32>
          tpu.vector_store %arg10[%swap3A_1012, %swap3A_1013], %swap3A_1016 {strides = array<i32>} : memref<128x128xf32, #tpu.memory_space<vmem>>, vector<1x16xf32>,
        }
        %scan3A_678 = arith.constant 16 : i32
      }
      %scan3A_429 = arith.constant 8 : i32
      %jit3A_430 = arith.constant 4 : i32
      %div3A_431 = arith.divsi %add3A_345, %jit3A_430 : i32
      %sign3A_432 = arith.constant 0 : i32
      %sign3A_433 = arith.cmpi sgt, %add3A_345, %sign3A_432 : i32
      %sign3A_434 = arith.extui %sign3A_433 : i1 to i32
      %sign3A_435 = arith.constant 0 : i32
      %sign3A_436 = arith.cmpi slt, %add3A_345, %sign3A_435 : i32
      %sign3A_437 = arith.extui %sign3A_436 : i1 to i32
      %sign3A_438 = arith.subi %sign3A_434, %sign3A_437 : i32
      %sign3A_439 = arith.constant 0 : i32
      %sign3A_440 = arith.cmpi sgt, %jit3A_430, %sign3A_439 : i32
      %sign3A_441 = arith.extui %sign3A_440 : i1 to i32
      %sign3A_442 = arith.constant 0 : i32
      %sign3A_443 = arith.cmpi slt, %jit3A_430, %sign3A_442 : i32
      %sign3A_444 = arith.extui %sign3A_443 : i1 to i32
      %sign3A_445 = arith.subi %sign3A_441, %sign3A_444 : i32
      %ne3A_446 = arith.cmpi ne, %sign3A_438, %sign3A_445 : i32
      %rem3A_447 = arith.remsi %add3A_345, %jit3A_430 : i32
      %ne3A_448 = arith.constant 0 : i32
      %ne3A_449 = arith.cmpi ne, %rem3A_447, %ne3A_448 : i32
      %and3A_450 = arith.andi %ne3A_446, %ne3A_449 : i1
      %sub3A_451 = arith.constant 1 : i32
      %sub3A_452 = arith.subi %div3A_431, %sub3A_451 : i32
      %select_n3A_453 = arith.select %and3A_450, %sub3A_452, %div3A_431 : i32
      %mul3A_454 = arith.constant 16384 : i32
      %mul3A_455 = arith.muli %select_n3A_453, %mul3A_454 : i32
      %add3A_456 = arith.addi %mul3A_455, %mul3A_4 : i32
      %jit3A_457 = arith.constant 4 : i32
      %eq3A_458 = arith.constant 0 : i32
      %eq3A_459 = arith.cmpi eq, %jit3A_457, %eq3A_458 : i32
      %jit3A_460 = arith.constant 1 : i32
      %select_n3A_461 = arith.select %eq3A_459, %jit3A_460, %jit3A_457 : i32
      %rem3A_462 = arith.remsi %add3A_345, %select_n3A_461 : i32
      %ne3A_463 = arith.constant 0 : i32
      %ne3A_464 = arith.cmpi ne, %rem3A_462, %ne3A_463 : i32
      %lt3A_465 = arith.constant 0 : i32
      %lt3A_466 = arith.cmpi slt, %rem3A_462, %lt3A_465 : i32
      %lt3A_467 = arith.constant 0 : i32
      %lt3A_468 = arith.cmpi slt, %select_n3A_461, %lt3A_467 : i32
      %ne3A_469 = arith.xori %lt3A_466, %lt3A_468 : i1
      %and3A_470 = arith.andi %ne3A_469, %ne3A_464 : i1
      %add3A_471 = arith.addi %rem3A_462, %select_n3A_461 : i32
      %select_n3A_472 = arith.select %and3A_470, %add3A_471, %rem3A_462 : i32
      %mul3A_473 = arith.constant 128 : i32
      %mul3A_474 = arith.muli %select_n3A_472, %mul3A_473 : i32
      %add3A_475 = arith.addi %add3A_456, %mul3A_474 : i32
      %dma_start3A_476 = arith.constant 0 : i32
      %dma_start3A_477 = tpu.memref_slice %arg5[%add3A_475, %dma_start3A_476] : memref<65536x128xf32, #tpu.memory_space<hbm>> -> memref<128x128xf32, #tpu.memory_space<hbm>>
      %dma_start3A_478 = arith.constant 0 : i32
      %dma_start3A_479 = tpu.memref_slice %arg5[%add3A_475, %dma_start3A_478] : memref<65536x128xf32, #tpu.memory_space<hbm>> -> memref<128x128xf32, #tpu.memory_space<hbm>>
      tpu.enqueue_dma source(%arg10 : memref<128x128xf32, #tpu.memory_space<vmem>>) target(%dma_start3A_479 : memref<128x128xf32, #tpu.memory_space<hbm>>) target_semaphore(%arg19 : memref<!tpu.dma_semaphore, #tpu.memory_space<semaphore_mem>>)
      %mul3A_480 = arith.constant 4 : i32
      %mul3A_481 = arith.muli %scan3A_78, %mul3A_480 : i32
      %add3A_482 = arith.constant 3 : i32
      %add3A_483 = arith.addi %mul3A_481, %add3A_482 : i32
      %ge3A_484 = arith.constant 1 : i32
      %ge3A_485 = arith.cmpi sge, %add3A_483, %ge3A_484 : i32
      %add3A_486 = arith.constant 4 : i32
      %add3A_487 = arith.addi %add3A_483, %add3A_486 : i32
      %sub3A_488 = arith.constant 1 : i32
      %sub3A_489 = arith.subi %add3A_487, %sub3A_488 : i32
      %lt3A_490 = arith.constant 16 : i32
      %lt3A_491 = arith.cmpi slt, %sub3A_489, %lt3A_490 : i32
      %and3A_492 = arith.andi %ge3A_485, %lt3A_491 : i1
      %convert_element_type3A_493 = arith.extui %and3A_492 : i1 to i32
      %cond3A_494 = arith.constant 0 : i32
      %cond3A_495 = arith.cmpi ne, %convert_element_type3A_493, %cond3A_494 : i32
      scf.if %cond3A_495 {
        %sub3A_618 = arith.constant 1 : i32
        %sub3A_619 = arith.subi %add3A_483, %sub3A_618 : i32
        %jit3A_620 = arith.constant 4 : i32
        %div3A_621 = arith.divsi %sub3A_619, %jit3A_620 : i32
        %sign3A_622 = arith.constant 0 : i32
        %sign3A_623 = arith.cmpi sgt, %sub3A_619, %sign3A_622 : i32
        %sign3A_624 = arith.extui %sign3A_623 : i1 to i32
        %sign3A_625 = arith.constant 0 : i32
        %sign3A_626 = arith.cmpi slt, %sub3A_619, %sign3A_625 : i32
        %sign3A_627 = arith.extui %sign3A_626 : i1 to i32
        %sign3A_628 = arith.subi %sign3A_624, %sign3A_627 : i32
        %sign3A_629 = arith.constant 0 : i32
        %sign3A_630 = arith.cmpi sgt, %jit3A_620, %sign3A_629 : i32
        %sign3A_631 = arith.extui %sign3A_630 : i1 to i32
        %sign3A_632 = arith.constant 0 : i32
        %sign3A_633 = arith.cmpi slt, %jit3A_620, %sign3A_632 : i32
        %sign3A_634 = arith.extui %sign3A_633 : i1 to i32
        %sign3A_635 = arith.subi %sign3A_631, %sign3A_634 : i32
        %ne3A_636 = arith.cmpi ne, %sign3A_628, %sign3A_635 : i32
        %rem3A_637 = arith.remsi %sub3A_619, %jit3A_620 : i32
        %ne3A_638 = arith.constant 0 : i32
        %ne3A_639 = arith.cmpi ne, %rem3A_637, %ne3A_638 : i32
        %and3A_640 = arith.andi %ne3A_636, %ne3A_639 : i1
        %sub3A_641 = arith.constant 1 : i32
        %sub3A_642 = arith.subi %div3A_621, %sub3A_641 : i32
        %select_n3A_643 = arith.select %and3A_640, %sub3A_642, %div3A_621 : i32
        %mul3A_644 = arith.constant 16384 : i32
        %mul3A_645 = arith.muli %select_n3A_643, %mul3A_644 : i32
        %add3A_646 = arith.addi %mul3A_645, %mul3A_4 : i32
        %jit3A_647 = arith.constant 4 : i32
        %eq3A_648 = arith.constant 0 : i32
        %eq3A_649 = arith.cmpi eq, %jit3A_647, %eq3A_648 : i32
        %jit3A_650 = arith.constant 1 : i32
        %select_n3A_651 = arith.select %eq3A_649, %jit3A_650, %jit3A_647 : i32
        %rem3A_652 = arith.remsi %sub3A_619, %select_n3A_651 : i32
        %ne3A_653 = arith.constant 0 : i32
        %ne3A_654 = arith.cmpi ne, %rem3A_652, %ne3A_653 : i32
        %lt3A_655 = arith.constant 0 : i32
        %lt3A_656 = arith.cmpi slt, %rem3A_652, %lt3A_655 : i32
        %lt3A_657 = arith.constant 0 : i32
        %lt3A_658 = arith.cmpi slt, %select_n3A_651, %lt3A_657 : i32
        %ne3A_659 = arith.xori %lt3A_656, %lt3A_658 : i1
        %and3A_660 = arith.andi %ne3A_659, %ne3A_654 : i1
        %add3A_661 = arith.addi %rem3A_652, %select_n3A_651 : i32
        %select_n3A_662 = arith.select %and3A_660, %add3A_661, %rem3A_652 : i32
        %mul3A_663 = arith.constant 128 : i32
        %mul3A_664 = arith.muli %select_n3A_662, %mul3A_663 : i32
        %add3A_665 = arith.addi %add3A_646, %mul3A_664 : i32
        %dma_wait3A_666 = arith.constant 0 : i32
        %dma_wait3A_667 = tpu.memref_slice %arg5[%add3A_665, %dma_wait3A_666] : memref<65536x128xf32, #tpu.memory_space<hbm>> -> memref<128x128xf32, #tpu.memory_space<hbm>>
        %dma_wait3A_668 = arith.constant 0 : i32
        %dma_wait3A_669 = tpu.memref_slice %arg5[%add3A_665, %dma_wait3A_668] : memref<65536x128xf32, #tpu.memory_space<hbm>> -> memref<128x128xf32, #tpu.memory_space<hbm>>
        tpu.wait_dma2 semaphore(%arg19 : memref<!tpu.dma_semaphore, #tpu.memory_space<semaphore_mem>>) src(%arg10 : memref<128x128xf32, #tpu.memory_space<vmem>>) dst(%dma_wait3A_669 : memref<128x128xf32, #tpu.memory_space<hbm>>)
        %sub3A_670 = arith.constant 1 : i32
        %sub3A_671 = arith.subi %add3A_483, %sub3A_670 : i32
        %add3A_672 = arith.constant 4 : i32
        %add3A_673 = arith.addi %sub3A_671, %add3A_672 : i32
        %jit3A_674 = arith.constant 4 : i32
        %div3A_675 = arith.divsi %add3A_673, %jit3A_674 : i32
        %sign3A_676 = arith.constant 0 : i32
        %sign3A_677 = arith.cmpi sgt, %add3A_673, %sign3A_676 : i32
        %sign3A_678 = arith.extui %sign3A_677 : i1 to i32
        %sign3A_679 = arith.constant 0 : i32
        %sign3A_680 = arith.cmpi slt, %add3A_673, %sign3A_679 : i32
        %sign3A_681 = arith.extui %sign3A_680 : i1 to i32
        %sign3A_682 = arith.subi %sign3A_678, %sign3A_681 : i32
        %sign3A_683 = arith.constant 0 : i32
        %sign3A_684 = arith.cmpi sgt, %jit3A_674, %sign3A_683 : i32
        %sign3A_685 = arith.extui %sign3A_684 : i1 to i32
        %sign3A_686 = arith.constant 0 : i32
        %sign3A_687 = arith.cmpi slt, %jit3A_674, %sign3A_686 : i32
        %sign3A_688 = arith.extui %sign3A_687 : i1 to i32
        %sign3A_689 = arith.subi %sign3A_685, %sign3A_688 : i32
        %ne3A_690 = arith.cmpi ne, %sign3A_682, %sign3A_689 : i32
        %rem3A_691 = arith.remsi %add3A_673, %jit3A_674 : i32
        %ne3A_692 = arith.constant 0 : i32
        %ne3A_693 = arith.cmpi ne, %rem3A_691, %ne3A_692 : i32
        %and3A_694 = arith.andi %ne3A_690, %ne3A_693 : i1
        %sub3A_695 = arith.constant 1 : i32
        %sub3A_696 = arith.subi %div3A_675, %sub3A_695 : i32
        %select_n3A_697 = arith.select %and3A_694, %sub3A_696, %div3A_675 : i32
        %mul3A_698 = arith.constant 16384 : i32
        %mul3A_699 = arith.muli %select_n3A_697, %mul3A_698 : i32
        %add3A_700 = arith.addi %mul3A_699, %mul3A_4 : i32
        %jit3A_701 = arith.constant 4 : i32
        %eq3A_702 = arith.constant 0 : i32
        %eq3A_703 = arith.cmpi eq, %jit3A_701, %eq3A_702 : i32
        %jit3A_704 = arith.constant 1 : i32
        %select_n3A_705 = arith.select %eq3A_703, %jit3A_704, %jit3A_701 : i32
        %rem3A_706 = arith.remsi %add3A_673, %select_n3A_705 : i32
        %ne3A_707 = arith.constant 0 : i32
        %ne3A_708 = arith.cmpi ne, %rem3A_706, %ne3A_707 : i32
        %lt3A_709 = arith.constant 0 : i32
        %lt3A_710 = arith.cmpi slt, %rem3A_706, %lt3A_709 : i32
        %lt3A_711 = arith.constant 0 : i32
        %lt3A_712 = arith.cmpi slt, %select_n3A_705, %lt3A_711 : i32
        %ne3A_713 = arith.xori %lt3A_710, %lt3A_712 : i1
        %and3A_714 = arith.andi %ne3A_713, %ne3A_708 : i1
        %add3A_715 = arith.addi %rem3A_706, %select_n3A_705 : i32
        %select_n3A_716 = arith.select %and3A_714, %add3A_715, %rem3A_706 : i32
        %mul3A_717 = arith.constant 128 : i32
        %mul3A_718 = arith.muli %select_n3A_716, %mul3A_717 : i32
        %add3A_719 = arith.addi %add3A_700, %mul3A_718 : i32
        %dma_start3A_720 = arith.constant 0 : i32
        %dma_start3A_721 = tpu.memref_slice %arg2[%add3A_719, %dma_start3A_720] : memref<65536x128xf32, #tpu.memory_space<hbm>> -> memref<128x128xf32, #tpu.memory_space<hbm>>
        %dma_start3A_722 = arith.constant 0 : i32
        %dma_start3A_723 = tpu.memref_slice %arg2[%add3A_719, %dma_start3A_722] : memref<65536x128xf32, #tpu.memory_space<hbm>> -> memref<128x128xf32, #tpu.memory_space<hbm>>
        tpu.enqueue_dma source(%dma_start3A_723 : memref<128x128xf32, #tpu.memory_space<hbm>>) target(%arg10 : memref<128x128xf32, #tpu.memory_space<vmem>>) target_semaphore(%arg15 : memref<!tpu.dma_semaphore, #tpu.memory_space<semaphore_mem>>)
      } else {
      }
      %jit3A_496 = arith.constant 4 : i32
      %div3A_497 = arith.divsi %add3A_483, %jit3A_496 : i32
      %sign3A_498 = arith.constant 0 : i32
      %sign3A_499 = arith.cmpi sgt, %add3A_483, %sign3A_498 : i32
      %sign3A_500 = arith.extui %sign3A_499 : i1 to i32
      %sign3A_501 = arith.constant 0 : i32
      %sign3A_502 = arith.cmpi slt, %add3A_483, %sign3A_501 : i32
      %sign3A_503 = arith.extui %sign3A_502 : i1 to i32
      %sign3A_504 = arith.subi %sign3A_500, %sign3A_503 : i32
      %sign3A_505 = arith.constant 0 : i32
      %sign3A_506 = arith.cmpi sgt, %jit3A_496, %sign3A_505 : i32
      %sign3A_507 = arith.extui %sign3A_506 : i1 to i32
      %sign3A_508 = arith.constant 0 : i32
      %sign3A_509 = arith.cmpi slt, %jit3A_496, %sign3A_508 : i32
      %sign3A_510 = arith.extui %sign3A_509 : i1 to i32
      %sign3A_511 = arith.subi %sign3A_507, %sign3A_510 : i32
      %ne3A_512 = arith.cmpi ne, %sign3A_504, %sign3A_511 : i32
      %rem3A_513 = arith.remsi %add3A_483, %jit3A_496 : i32
      %ne3A_514 = arith.constant 0 : i32
      %ne3A_515 = arith.cmpi ne, %rem3A_513, %ne3A_514 : i32
      %and3A_516 = arith.andi %ne3A_512, %ne3A_515 : i1
      %sub3A_517 = arith.constant 1 : i32
      %sub3A_518 = arith.subi %div3A_497, %sub3A_517 : i32
      %select_n3A_519 = arith.select %and3A_516, %sub3A_518, %div3A_497 : i32
      %mul3A_520 = arith.constant 16384 : i32
      %mul3A_521 = arith.muli %select_n3A_519, %mul3A_520 : i32
      %add3A_522 = arith.addi %mul3A_521, %mul3A_4 : i32
      %jit3A_523 = arith.constant 4 : i32
      %eq3A_524 = arith.constant 0 : i32
      %eq3A_525 = arith.cmpi eq, %jit3A_523, %eq3A_524 : i32
      %jit3A_526 = arith.constant 1 : i32
      %select_n3A_527 = arith.select %eq3A_525, %jit3A_526, %jit3A_523 : i32
      %rem3A_528 = arith.remsi %add3A_483, %select_n3A_527 : i32
      %ne3A_529 = arith.constant 0 : i32
      %ne3A_530 = arith.cmpi ne, %rem3A_528, %ne3A_529 : i32
      %lt3A_531 = arith.constant 0 : i32
      %lt3A_532 = arith.cmpi slt, %rem3A_528, %lt3A_531 : i32
      %lt3A_533 = arith.constant 0 : i32
      %lt3A_534 = arith.cmpi slt, %select_n3A_527, %lt3A_533 : i32
      %ne3A_535 = arith.xori %lt3A_532, %lt3A_534 : i1
      %and3A_536 = arith.andi %ne3A_535, %ne3A_530 : i1
      %add3A_537 = arith.addi %rem3A_528, %select_n3A_527 : i32
      %select_n3A_538 = arith.select %and3A_536, %add3A_537, %rem3A_528 : i32
      %mul3A_539 = arith.constant 128 : i32
      %mul3A_540 = arith.muli %select_n3A_538, %mul3A_539 : i32
      %add3A_541 = arith.addi %add3A_522, %mul3A_540 : i32
      %dma_wait3A_542 = arith.constant 0 : i32
      %dma_wait3A_543 = tpu.memref_slice %arg2[%add3A_541, %dma_wait3A_542] : memref<65536x128xf32, #tpu.memory_space<hbm>> -> memref<128x128xf32, #tpu.memory_space<hbm>>
      %dma_wait3A_544 = arith.constant 0 : i32
      %dma_wait3A_545 = tpu.memref_slice %arg2[%add3A_541, %dma_wait3A_544] : memref<65536x128xf32, #tpu.memory_space<hbm>> -> memref<128x128xf32, #tpu.memory_space<hbm>>
      tpu.wait_dma2 semaphore(%arg16 : memref<!tpu.dma_semaphore, #tpu.memory_space<semaphore_mem>>) src(%dma_wait3A_545 : memref<128x128xf32, #tpu.memory_space<hbm>>) dst(%arg11 : memref<128x128xf32, #tpu.memory_space<vmem>>)
      %jit3A_546 = arith.constant 4 : i32
      %eq3A_547 = arith.constant 0 : i32
      %eq3A_548 = arith.cmpi eq, %jit3A_546, %eq3A_547 : i32
      %jit3A_549 = arith.constant 1 : i32
      %select_n3A_550 = arith.select %eq3A_548, %jit3A_549, %jit3A_546 : i32
      %rem3A_551 = arith.remsi %add3A_483, %select_n3A_550 : i32
      %ne3A_552 = arith.constant 0 : i32
      %ne3A_553 = arith.cmpi ne, %rem3A_551, %ne3A_552 : i32
      %lt3A_554 = arith.constant 0 : i32
      %lt3A_555 = arith.cmpi slt, %rem3A_551, %lt3A_554 : i32
      %lt3A_556 = arith.constant 0 : i32
      %lt3A_557 = arith.cmpi slt, %select_n3A_550, %lt3A_556 : i32
      %ne3A_558 = arith.xori %lt3A_555, %lt3A_557 : i1
      %and3A_559 = arith.andi %ne3A_558, %ne3A_553 : i1
      %add3A_560 = arith.addi %rem3A_551, %select_n3A_550 : i32
      %select_n3A_561 = arith.select %and3A_559, %add3A_560, %rem3A_551 : i32
      %scan3A_562 = arith.constant 0 : i32
      %scan3A_563 = arith.constant 0 : i32
      %scan3A_564 = arith.constant 8 : i32
      %scan3A_565 = arith.addi %scan3A_563, %scan3A_564 : i32
      %scan3A_566 = arith.constant 1 : i32
      scf.for %scan3A_618 = %scan3A_563 to %scan3A_565 step %scan3A_566  : i32 {
        %mul3A_619 = arith.constant 8 : i32
        %mul3A_620 = arith.muli %select_n3A_561, %mul3A_619 : i32
        %add3A_621 = arith.addi %mul3A_620, %scan3A_618 : i32
        %get3A = arith.index_cast %add3A_621 : i32 to index
        %get3A_622 = arith.constant 0 : index
        %get3A_623 = tpu.vector_load %arg7[%get3A, %get3A_622] {strides = array<i32>} : memref<32x128xf32, #tpu.memory_space<vmem>>, vector<1x16xf32>,
        %get3A_624 = vector.shape_cast %get3A_623 : vector<1x16xf32> to vector<16xf32>
        %mul3A_625 = arith.constant 8 : i32
        %mul3A_626 = arith.muli %select_n3A_561, %mul3A_625 : i32
        %add3A_627 = arith.addi %mul3A_626, %scan3A_618 : i32
        %get3A_628 = arith.index_cast %add3A_627 : i32 to index
        %get3A_629 = arith.constant 16 : index
        %get3A_630 = tpu.vector_load %arg7[%get3A_628, %get3A_629] {strides = array<i32>} : memref<32x128xf32, #tpu.memory_space<vmem>>, vector<1x16xf32>,
        %get3A_631 = vector.shape_cast %get3A_630 : vector<1x16xf32> to vector<16xf32>
        %mul3A_632 = arith.constant 8 : i32
        %mul3A_633 = arith.muli %select_n3A_561, %mul3A_632 : i32
        %add3A_634 = arith.addi %mul3A_633, %scan3A_618 : i32
        %get3A_635 = arith.index_cast %add3A_634 : i32 to index
        %get3A_636 = arith.constant 32 : index
        %get3A_637 = tpu.vector_load %arg7[%get3A_635, %get3A_636] {strides = array<i32>} : memref<32x128xf32, #tpu.memory_space<vmem>>, vector<1x16xf32>,
        %get3A_638 = vector.shape_cast %get3A_637 : vector<1x16xf32> to vector<16xf32>
        %mul3A_639 = arith.constant 8 : i32
        %mul3A_640 = arith.muli %select_n3A_561, %mul3A_639 : i32
        %add3A_641 = arith.addi %mul3A_640, %scan3A_618 : i32
        %get3A_642 = arith.index_cast %add3A_641 : i32 to index
        %get3A_643 = arith.constant 48 : index
        %get3A_644 = tpu.vector_load %arg7[%get3A_642, %get3A_643] {strides = array<i32>} : memref<32x128xf32, #tpu.memory_space<vmem>>, vector<1x16xf32>,
        %get3A_645 = vector.shape_cast %get3A_644 : vector<1x16xf32> to vector<16xf32>
        %mul3A_646 = arith.constant 8 : i32
        %mul3A_647 = arith.muli %select_n3A_561, %mul3A_646 : i32
        %add3A_648 = arith.addi %mul3A_647, %scan3A_618 : i32
        %get3A_649 = arith.index_cast %add3A_648 : i32 to index
        %get3A_650 = arith.constant 64 : index
        %get3A_651 = tpu.vector_load %arg7[%get3A_649, %get3A_650] {strides = array<i32>} : memref<32x128xf32, #tpu.memory_space<vmem>>, vector<1x16xf32>,
        %get3A_652 = vector.shape_cast %get3A_651 : vector<1x16xf32> to vector<16xf32>
        %mul3A_653 = arith.constant 8 : i32
        %mul3A_654 = arith.muli %select_n3A_561, %mul3A_653 : i32
        %add3A_655 = arith.addi %mul3A_654, %scan3A_618 : i32
        %get3A_656 = arith.index_cast %add3A_655 : i32 to index
        %get3A_657 = arith.constant 80 : index
        %get3A_658 = tpu.vector_load %arg7[%get3A_656, %get3A_657] {strides = array<i32>} : memref<32x128xf32, #tpu.memory_space<vmem>>, vector<1x16xf32>,
        %get3A_659 = vector.shape_cast %get3A_658 : vector<1x16xf32> to vector<16xf32>
        %mul3A_660 = arith.constant 8 : i32
        %mul3A_661 = arith.muli %select_n3A_561, %mul3A_660 : i32
        %add3A_662 = arith.addi %mul3A_661, %scan3A_618 : i32
        %get3A_663 = arith.index_cast %add3A_662 : i32 to index
        %get3A_664 = arith.constant 96 : index
        %get3A_665 = tpu.vector_load %arg7[%get3A_663, %get3A_664] {strides = array<i32>} : memref<32x128xf32, #tpu.memory_space<vmem>>, vector<1x16xf32>,
        %get3A_666 = vector.shape_cast %get3A_665 : vector<1x16xf32> to vector<16xf32>
        %mul3A_667 = arith.constant 8 : i32
        %mul3A_668 = arith.muli %select_n3A_561, %mul3A_667 : i32
        %add3A_669 = arith.addi %mul3A_668, %scan3A_618 : i32
        %get3A_670 = arith.index_cast %add3A_669 : i32 to index
        %get3A_671 = arith.constant 112 : index
        %get3A_672 = tpu.vector_load %arg7[%get3A_670, %get3A_671] {strides = array<i32>} : memref<32x128xf32, #tpu.memory_space<vmem>>, vector<1x16xf32>,
        %get3A_673 = vector.shape_cast %get3A_672 : vector<1x16xf32> to vector<16xf32>
        %scan3A_674 = arith.constant 0 : i32
        %scan3A_675 = arith.constant 16 : i32
        %scan3A_676 = arith.addi %scan3A_674, %scan3A_675 : i32
        %scan3A_677 = arith.constant 4 : i32
        scf.for %scan3A_679 = %scan3A_674 to %scan3A_676 step %scan3A_677  : i32 {
          %mul3A_680 = arith.constant 16 : i32
          %mul3A_681 = arith.muli %scan3A_618, %mul3A_680 : i32
          %add3A_682 = arith.addi %mul3A_681, %scan3A_679 : i32
          %get3A_683 = arith.index_cast %add3A_682 : i32 to index
          %get3A_684 = arith.constant 0 : index
          %get3A_685 = tpu.vector_load %arg11[%get3A_683, %get3A_684] {strides = array<i32>} : memref<128x128xf32, #tpu.memory_space<vmem>>, vector<1x16xf32>,
          %get3A_686 = vector.shape_cast %get3A_685 : vector<1x16xf32> to vector<16xf32>
          %add3A_687 = arith.addf %get3A_686, %get3A_624 : vector<16xf32>
          %swap3A = arith.index_cast %add3A_682 : i32 to index
          %swap3A_688 = arith.constant 0 : index
          %swap3A_689 = tpu.vector_load %arg11[%swap3A, %swap3A_688] {strides = array<i32>} : memref<128x128xf32, #tpu.memory_space<vmem>>, vector<1x16xf32>,
          %swap3A_690 = vector.shape_cast %swap3A_689 : vector<1x16xf32> to vector<16xf32>
          %swap3A_691 = vector.shape_cast %add3A_687 : vector<16xf32> to vector<1x16xf32>
          tpu.vector_store %arg11[%swap3A, %swap3A_688], %swap3A_691 {strides = array<i32>} : memref<128x128xf32, #tpu.memory_space<vmem>>, vector<1x16xf32>,
          %get3A_692 = arith.index_cast %add3A_682 : i32 to index
          %get3A_693 = arith.constant 16 : index
          %get3A_694 = tpu.vector_load %arg11[%get3A_692, %get3A_693] {strides = array<i32>} : memref<128x128xf32, #tpu.memory_space<vmem>>, vector<1x16xf32>,
          %get3A_695 = vector.shape_cast %get3A_694 : vector<1x16xf32> to vector<16xf32>
          %add3A_696 = arith.addf %get3A_695, %get3A_631 : vector<16xf32>
          %swap3A_697 = arith.index_cast %add3A_682 : i32 to index
          %swap3A_698 = arith.constant 16 : index
          %swap3A_699 = tpu.vector_load %arg11[%swap3A_697, %swap3A_698] {strides = array<i32>} : memref<128x128xf32, #tpu.memory_space<vmem>>, vector<1x16xf32>,
          %swap3A_700 = vector.shape_cast %swap3A_699 : vector<1x16xf32> to vector<16xf32>
          %swap3A_701 = vector.shape_cast %add3A_696 : vector<16xf32> to vector<1x16xf32>
          tpu.vector_store %arg11[%swap3A_697, %swap3A_698], %swap3A_701 {strides = array<i32>} : memref<128x128xf32, #tpu.memory_space<vmem>>, vector<1x16xf32>,
          %get3A_702 = arith.index_cast %add3A_682 : i32 to index
          %get3A_703 = arith.constant 32 : index
          %get3A_704 = tpu.vector_load %arg11[%get3A_702, %get3A_703] {strides = array<i32>} : memref<128x128xf32, #tpu.memory_space<vmem>>, vector<1x16xf32>,
          %get3A_705 = vector.shape_cast %get3A_704 : vector<1x16xf32> to vector<16xf32>
          %add3A_706 = arith.addf %get3A_705, %get3A_638 : vector<16xf32>
          %swap3A_707 = arith.index_cast %add3A_682 : i32 to index
          %swap3A_708 = arith.constant 32 : index
          %swap3A_709 = tpu.vector_load %arg11[%swap3A_707, %swap3A_708] {strides = array<i32>} : memref<128x128xf32, #tpu.memory_space<vmem>>, vector<1x16xf32>,
          %swap3A_710 = vector.shape_cast %swap3A_709 : vector<1x16xf32> to vector<16xf32>
          %swap3A_711 = vector.shape_cast %add3A_706 : vector<16xf32> to vector<1x16xf32>
          tpu.vector_store %arg11[%swap3A_707, %swap3A_708], %swap3A_711 {strides = array<i32>} : memref<128x128xf32, #tpu.memory_space<vmem>>, vector<1x16xf32>,
          %get3A_712 = arith.index_cast %add3A_682 : i32 to index
          %get3A_713 = arith.constant 48 : index
          %get3A_714 = tpu.vector_load %arg11[%get3A_712, %get3A_713] {strides = array<i32>} : memref<128x128xf32, #tpu.memory_space<vmem>>, vector<1x16xf32>,
          %get3A_715 = vector.shape_cast %get3A_714 : vector<1x16xf32> to vector<16xf32>
          %add3A_716 = arith.addf %get3A_715, %get3A_645 : vector<16xf32>
          %swap3A_717 = arith.index_cast %add3A_682 : i32 to index
          %swap3A_718 = arith.constant 48 : index
          %swap3A_719 = tpu.vector_load %arg11[%swap3A_717, %swap3A_718] {strides = array<i32>} : memref<128x128xf32, #tpu.memory_space<vmem>>, vector<1x16xf32>,
          %swap3A_720 = vector.shape_cast %swap3A_719 : vector<1x16xf32> to vector<16xf32>
          %swap3A_721 = vector.shape_cast %add3A_716 : vector<16xf32> to vector<1x16xf32>
          tpu.vector_store %arg11[%swap3A_717, %swap3A_718], %swap3A_721 {strides = array<i32>} : memref<128x128xf32, #tpu.memory_space<vmem>>, vector<1x16xf32>,
          %get3A_722 = arith.index_cast %add3A_682 : i32 to index
          %get3A_723 = arith.constant 64 : index
          %get3A_724 = tpu.vector_load %arg11[%get3A_722, %get3A_723] {strides = array<i32>} : memref<128x128xf32, #tpu.memory_space<vmem>>, vector<1x16xf32>,
          %get3A_725 = vector.shape_cast %get3A_724 : vector<1x16xf32> to vector<16xf32>
          %add3A_726 = arith.addf %get3A_725, %get3A_652 : vector<16xf32>
          %swap3A_727 = arith.index_cast %add3A_682 : i32 to index
          %swap3A_728 = arith.constant 64 : index
          %swap3A_729 = tpu.vector_load %arg11[%swap3A_727, %swap3A_728] {strides = array<i32>} : memref<128x128xf32, #tpu.memory_space<vmem>>, vector<1x16xf32>,
          %swap3A_730 = vector.shape_cast %swap3A_729 : vector<1x16xf32> to vector<16xf32>
          %swap3A_731 = vector.shape_cast %add3A_726 : vector<16xf32> to vector<1x16xf32>
          tpu.vector_store %arg11[%swap3A_727, %swap3A_728], %swap3A_731 {strides = array<i32>} : memref<128x128xf32, #tpu.memory_space<vmem>>, vector<1x16xf32>,
          %get3A_732 = arith.index_cast %add3A_682 : i32 to index
          %get3A_733 = arith.constant 80 : index
          %get3A_734 = tpu.vector_load %arg11[%get3A_732, %get3A_733] {strides = array<i32>} : memref<128x128xf32, #tpu.memory_space<vmem>>, vector<1x16xf32>,
          %get3A_735 = vector.shape_cast %get3A_734 : vector<1x16xf32> to vector<16xf32>
          %add3A_736 = arith.addf %get3A_735, %get3A_659 : vector<16xf32>
          %swap3A_737 = arith.index_cast %add3A_682 : i32 to index
          %swap3A_738 = arith.constant 80 : index
          %swap3A_739 = tpu.vector_load %arg11[%swap3A_737, %swap3A_738] {strides = array<i32>} : memref<128x128xf32, #tpu.memory_space<vmem>>, vector<1x16xf32>,
          %swap3A_740 = vector.shape_cast %swap3A_739 : vector<1x16xf32> to vector<16xf32>
          %swap3A_741 = vector.shape_cast %add3A_736 : vector<16xf32> to vector<1x16xf32>
          tpu.vector_store %arg11[%swap3A_737, %swap3A_738], %swap3A_741 {strides = array<i32>} : memref<128x128xf32, #tpu.memory_space<vmem>>, vector<1x16xf32>,
          %get3A_742 = arith.index_cast %add3A_682 : i32 to index
          %get3A_743 = arith.constant 96 : index
          %get3A_744 = tpu.vector_load %arg11[%get3A_742, %get3A_743] {strides = array<i32>} : memref<128x128xf32, #tpu.memory_space<vmem>>, vector<1x16xf32>,
          %get3A_745 = vector.shape_cast %get3A_744 : vector<1x16xf32> to vector<16xf32>
          %add3A_746 = arith.addf %get3A_745, %get3A_666 : vector<16xf32>
          %swap3A_747 = arith.index_cast %add3A_682 : i32 to index
          %swap3A_748 = arith.constant 96 : index
          %swap3A_749 = tpu.vector_load %arg11[%swap3A_747, %swap3A_748] {strides = array<i32>} : memref<128x128xf32, #tpu.memory_space<vmem>>, vector<1x16xf32>,
          %swap3A_750 = vector.shape_cast %swap3A_749 : vector<1x16xf32> to vector<16xf32>
          %swap3A_751 = vector.shape_cast %add3A_746 : vector<16xf32> to vector<1x16xf32>
          tpu.vector_store %arg11[%swap3A_747, %swap3A_748], %swap3A_751 {strides = array<i32>} : memref<128x128xf32, #tpu.memory_space<vmem>>, vector<1x16xf32>,
          %get3A_752 = arith.index_cast %add3A_682 : i32 to index
          %get3A_753 = arith.constant 112 : index
          %get3A_754 = tpu.vector_load %arg11[%get3A_752, %get3A_753] {strides = array<i32>} : memref<128x128xf32, #tpu.memory_space<vmem>>, vector<1x16xf32>,
          %get3A_755 = vector.shape_cast %get3A_754 : vector<1x16xf32> to vector<16xf32>
          %add3A_756 = arith.addf %get3A_755, %get3A_673 : vector<16xf32>
          %swap3A_757 = arith.index_cast %add3A_682 : i32 to index
          %swap3A_758 = arith.constant 112 : index
          %swap3A_759 = tpu.vector_load %arg11[%swap3A_757, %swap3A_758] {strides = array<i32>} : memref<128x128xf32, #tpu.memory_space<vmem>>, vector<1x16xf32>,
          %swap3A_760 = vector.shape_cast %swap3A_759 : vector<1x16xf32> to vector<16xf32>
          %swap3A_761 = vector.shape_cast %add3A_756 : vector<16xf32> to vector<1x16xf32>
          tpu.vector_store %arg11[%swap3A_757, %swap3A_758], %swap3A_761 {strides = array<i32>} : memref<128x128xf32, #tpu.memory_space<vmem>>, vector<1x16xf32>,
          %scan3A_762 = arith.constant 1 : i32
          %scan3A_763 = arith.addi %scan3A_679, %scan3A_762 : i32
          %mul3A_764 = arith.constant 16 : i32
          %mul3A_765 = arith.muli %scan3A_618, %mul3A_764 : i32
          %add3A_766 = arith.addi %mul3A_765, %scan3A_763 : i32
          %get3A_767 = arith.index_cast %add3A_766 : i32 to index
          %get3A_768 = arith.constant 0 : index
          %get3A_769 = tpu.vector_load %arg11[%get3A_767, %get3A_768] {strides = array<i32>} : memref<128x128xf32, #tpu.memory_space<vmem>>, vector<1x16xf32>,
          %get3A_770 = vector.shape_cast %get3A_769 : vector<1x16xf32> to vector<16xf32>
          %add3A_771 = arith.addf %get3A_770, %get3A_624 : vector<16xf32>
          %swap3A_772 = arith.index_cast %add3A_766 : i32 to index
          %swap3A_773 = arith.constant 0 : index
          %swap3A_774 = tpu.vector_load %arg11[%swap3A_772, %swap3A_773] {strides = array<i32>} : memref<128x128xf32, #tpu.memory_space<vmem>>, vector<1x16xf32>,
          %swap3A_775 = vector.shape_cast %swap3A_774 : vector<1x16xf32> to vector<16xf32>
          %swap3A_776 = vector.shape_cast %add3A_771 : vector<16xf32> to vector<1x16xf32>
          tpu.vector_store %arg11[%swap3A_772, %swap3A_773], %swap3A_776 {strides = array<i32>} : memref<128x128xf32, #tpu.memory_space<vmem>>, vector<1x16xf32>,
          %get3A_777 = arith.index_cast %add3A_766 : i32 to index
          %get3A_778 = arith.constant 16 : index
          %get3A_779 = tpu.vector_load %arg11[%get3A_777, %get3A_778] {strides = array<i32>} : memref<128x128xf32, #tpu.memory_space<vmem>>, vector<1x16xf32>,
          %get3A_780 = vector.shape_cast %get3A_779 : vector<1x16xf32> to vector<16xf32>
          %add3A_781 = arith.addf %get3A_780, %get3A_631 : vector<16xf32>
          %swap3A_782 = arith.index_cast %add3A_766 : i32 to index
          %swap3A_783 = arith.constant 16 : index
          %swap3A_784 = tpu.vector_load %arg11[%swap3A_782, %swap3A_783] {strides = array<i32>} : memref<128x128xf32, #tpu.memory_space<vmem>>, vector<1x16xf32>,
          %swap3A_785 = vector.shape_cast %swap3A_784 : vector<1x16xf32> to vector<16xf32>
          %swap3A_786 = vector.shape_cast %add3A_781 : vector<16xf32> to vector<1x16xf32>
          tpu.vector_store %arg11[%swap3A_782, %swap3A_783], %swap3A_786 {strides = array<i32>} : memref<128x128xf32, #tpu.memory_space<vmem>>, vector<1x16xf32>,
          %get3A_787 = arith.index_cast %add3A_766 : i32 to index
          %get3A_788 = arith.constant 32 : index
          %get3A_789 = tpu.vector_load %arg11[%get3A_787, %get3A_788] {strides = array<i32>} : memref<128x128xf32, #tpu.memory_space<vmem>>, vector<1x16xf32>,
          %get3A_790 = vector.shape_cast %get3A_789 : vector<1x16xf32> to vector<16xf32>
          %add3A_791 = arith.addf %get3A_790, %get3A_638 : vector<16xf32>
          %swap3A_792 = arith.index_cast %add3A_766 : i32 to index
          %swap3A_793 = arith.constant 32 : index
          %swap3A_794 = tpu.vector_load %arg11[%swap3A_792, %swap3A_793] {strides = array<i32>} : memref<128x128xf32, #tpu.memory_space<vmem>>, vector<1x16xf32>,
          %swap3A_795 = vector.shape_cast %swap3A_794 : vector<1x16xf32> to vector<16xf32>
          %swap3A_796 = vector.shape_cast %add3A_791 : vector<16xf32> to vector<1x16xf32>
          tpu.vector_store %arg11[%swap3A_792, %swap3A_793], %swap3A_796 {strides = array<i32>} : memref<128x128xf32, #tpu.memory_space<vmem>>, vector<1x16xf32>,
          %get3A_797 = arith.index_cast %add3A_766 : i32 to index
          %get3A_798 = arith.constant 48 : index
          %get3A_799 = tpu.vector_load %arg11[%get3A_797, %get3A_798] {strides = array<i32>} : memref<128x128xf32, #tpu.memory_space<vmem>>, vector<1x16xf32>,
          %get3A_800 = vector.shape_cast %get3A_799 : vector<1x16xf32> to vector<16xf32>
          %add3A_801 = arith.addf %get3A_800, %get3A_645 : vector<16xf32>
          %swap3A_802 = arith.index_cast %add3A_766 : i32 to index
          %swap3A_803 = arith.constant 48 : index
          %swap3A_804 = tpu.vector_load %arg11[%swap3A_802, %swap3A_803] {strides = array<i32>} : memref<128x128xf32, #tpu.memory_space<vmem>>, vector<1x16xf32>,
          %swap3A_805 = vector.shape_cast %swap3A_804 : vector<1x16xf32> to vector<16xf32>
          %swap3A_806 = vector.shape_cast %add3A_801 : vector<16xf32> to vector<1x16xf32>
          tpu.vector_store %arg11[%swap3A_802, %swap3A_803], %swap3A_806 {strides = array<i32>} : memref<128x128xf32, #tpu.memory_space<vmem>>, vector<1x16xf32>,
          %get3A_807 = arith.index_cast %add3A_766 : i32 to index
          %get3A_808 = arith.constant 64 : index
          %get3A_809 = tpu.vector_load %arg11[%get3A_807, %get3A_808] {strides = array<i32>} : memref<128x128xf32, #tpu.memory_space<vmem>>, vector<1x16xf32>,
          %get3A_810 = vector.shape_cast %get3A_809 : vector<1x16xf32> to vector<16xf32>
          %add3A_811 = arith.addf %get3A_810, %get3A_652 : vector<16xf32>
          %swap3A_812 = arith.index_cast %add3A_766 : i32 to index
          %swap3A_813 = arith.constant 64 : index
          %swap3A_814 = tpu.vector_load %arg11[%swap3A_812, %swap3A_813] {strides = array<i32>} : memref<128x128xf32, #tpu.memory_space<vmem>>, vector<1x16xf32>,
          %swap3A_815 = vector.shape_cast %swap3A_814 : vector<1x16xf32> to vector<16xf32>
          %swap3A_816 = vector.shape_cast %add3A_811 : vector<16xf32> to vector<1x16xf32>
          tpu.vector_store %arg11[%swap3A_812, %swap3A_813], %swap3A_816 {strides = array<i32>} : memref<128x128xf32, #tpu.memory_space<vmem>>, vector<1x16xf32>,
          %get3A_817 = arith.index_cast %add3A_766 : i32 to index
          %get3A_818 = arith.constant 80 : index
          %get3A_819 = tpu.vector_load %arg11[%get3A_817, %get3A_818] {strides = array<i32>} : memref<128x128xf32, #tpu.memory_space<vmem>>, vector<1x16xf32>,
          %get3A_820 = vector.shape_cast %get3A_819 : vector<1x16xf32> to vector<16xf32>
          %add3A_821 = arith.addf %get3A_820, %get3A_659 : vector<16xf32>
          %swap3A_822 = arith.index_cast %add3A_766 : i32 to index
          %swap3A_823 = arith.constant 80 : index
          %swap3A_824 = tpu.vector_load %arg11[%swap3A_822, %swap3A_823] {strides = array<i32>} : memref<128x128xf32, #tpu.memory_space<vmem>>, vector<1x16xf32>,
          %swap3A_825 = vector.shape_cast %swap3A_824 : vector<1x16xf32> to vector<16xf32>
          %swap3A_826 = vector.shape_cast %add3A_821 : vector<16xf32> to vector<1x16xf32>
          tpu.vector_store %arg11[%swap3A_822, %swap3A_823], %swap3A_826 {strides = array<i32>} : memref<128x128xf32, #tpu.memory_space<vmem>>, vector<1x16xf32>,
          %get3A_827 = arith.index_cast %add3A_766 : i32 to index
          %get3A_828 = arith.constant 96 : index
          %get3A_829 = tpu.vector_load %arg11[%get3A_827, %get3A_828] {strides = array<i32>} : memref<128x128xf32, #tpu.memory_space<vmem>>, vector<1x16xf32>,
          %get3A_830 = vector.shape_cast %get3A_829 : vector<1x16xf32> to vector<16xf32>
          %add3A_831 = arith.addf %get3A_830, %get3A_666 : vector<16xf32>
          %swap3A_832 = arith.index_cast %add3A_766 : i32 to index
          %swap3A_833 = arith.constant 96 : index
          %swap3A_834 = tpu.vector_load %arg11[%swap3A_832, %swap3A_833] {strides = array<i32>} : memref<128x128xf32, #tpu.memory_space<vmem>>, vector<1x16xf32>,
          %swap3A_835 = vector.shape_cast %swap3A_834 : vector<1x16xf32> to vector<16xf32>
          %swap3A_836 = vector.shape_cast %add3A_831 : vector<16xf32> to vector<1x16xf32>
          tpu.vector_store %arg11[%swap3A_832, %swap3A_833], %swap3A_836 {strides = array<i32>} : memref<128x128xf32, #tpu.memory_space<vmem>>, vector<1x16xf32>,
          %get3A_837 = arith.index_cast %add3A_766 : i32 to index
          %get3A_838 = arith.constant 112 : index
          %get3A_839 = tpu.vector_load %arg11[%get3A_837, %get3A_838] {strides = array<i32>} : memref<128x128xf32, #tpu.memory_space<vmem>>, vector<1x16xf32>,
          %get3A_840 = vector.shape_cast %get3A_839 : vector<1x16xf32> to vector<16xf32>
          %add3A_841 = arith.addf %get3A_840, %get3A_673 : vector<16xf32>
          %swap3A_842 = arith.index_cast %add3A_766 : i32 to index
          %swap3A_843 = arith.constant 112 : index
          %swap3A_844 = tpu.vector_load %arg11[%swap3A_842, %swap3A_843] {strides = array<i32>} : memref<128x128xf32, #tpu.memory_space<vmem>>, vector<1x16xf32>,
          %swap3A_845 = vector.shape_cast %swap3A_844 : vector<1x16xf32> to vector<16xf32>
          %swap3A_846 = vector.shape_cast %add3A_841 : vector<16xf32> to vector<1x16xf32>
          tpu.vector_store %arg11[%swap3A_842, %swap3A_843], %swap3A_846 {strides = array<i32>} : memref<128x128xf32, #tpu.memory_space<vmem>>, vector<1x16xf32>,
          %scan3A_847 = arith.constant 2 : i32
          %scan3A_848 = arith.addi %scan3A_679, %scan3A_847 : i32
          %mul3A_849 = arith.constant 16 : i32
          %mul3A_850 = arith.muli %scan3A_618, %mul3A_849 : i32
          %add3A_851 = arith.addi %mul3A_850, %scan3A_848 : i32
          %get3A_852 = arith.index_cast %add3A_851 : i32 to index
          %get3A_853 = arith.constant 0 : index
          %get3A_854 = tpu.vector_load %arg11[%get3A_852, %get3A_853] {strides = array<i32>} : memref<128x128xf32, #tpu.memory_space<vmem>>, vector<1x16xf32>,
          %get3A_855 = vector.shape_cast %get3A_854 : vector<1x16xf32> to vector<16xf32>
          %add3A_856 = arith.addf %get3A_855, %get3A_624 : vector<16xf32>
          %swap3A_857 = arith.index_cast %add3A_851 : i32 to index
          %swap3A_858 = arith.constant 0 : index
          %swap3A_859 = tpu.vector_load %arg11[%swap3A_857, %swap3A_858] {strides = array<i32>} : memref<128x128xf32, #tpu.memory_space<vmem>>, vector<1x16xf32>,
          %swap3A_860 = vector.shape_cast %swap3A_859 : vector<1x16xf32> to vector<16xf32>
          %swap3A_861 = vector.shape_cast %add3A_856 : vector<16xf32> to vector<1x16xf32>
          tpu.vector_store %arg11[%swap3A_857, %swap3A_858], %swap3A_861 {strides = array<i32>} : memref<128x128xf32, #tpu.memory_space<vmem>>, vector<1x16xf32>,
          %get3A_862 = arith.index_cast %add3A_851 : i32 to index
          %get3A_863 = arith.constant 16 : index
          %get3A_864 = tpu.vector_load %arg11[%get3A_862, %get3A_863] {strides = array<i32>} : memref<128x128xf32, #tpu.memory_space<vmem>>, vector<1x16xf32>,
          %get3A_865 = vector.shape_cast %get3A_864 : vector<1x16xf32> to vector<16xf32>
          %add3A_866 = arith.addf %get3A_865, %get3A_631 : vector<16xf32>
          %swap3A_867 = arith.index_cast %add3A_851 : i32 to index
          %swap3A_868 = arith.constant 16 : index
          %swap3A_869 = tpu.vector_load %arg11[%swap3A_867, %swap3A_868] {strides = array<i32>} : memref<128x128xf32, #tpu.memory_space<vmem>>, vector<1x16xf32>,
          %swap3A_870 = vector.shape_cast %swap3A_869 : vector<1x16xf32> to vector<16xf32>
          %swap3A_871 = vector.shape_cast %add3A_866 : vector<16xf32> to vector<1x16xf32>
          tpu.vector_store %arg11[%swap3A_867, %swap3A_868], %swap3A_871 {strides = array<i32>} : memref<128x128xf32, #tpu.memory_space<vmem>>, vector<1x16xf32>,
          %get3A_872 = arith.index_cast %add3A_851 : i32 to index
          %get3A_873 = arith.constant 32 : index
          %get3A_874 = tpu.vector_load %arg11[%get3A_872, %get3A_873] {strides = array<i32>} : memref<128x128xf32, #tpu.memory_space<vmem>>, vector<1x16xf32>,
          %get3A_875 = vector.shape_cast %get3A_874 : vector<1x16xf32> to vector<16xf32>
          %add3A_876 = arith.addf %get3A_875, %get3A_638 : vector<16xf32>
          %swap3A_877 = arith.index_cast %add3A_851 : i32 to index
          %swap3A_878 = arith.constant 32 : index
          %swap3A_879 = tpu.vector_load %arg11[%swap3A_877, %swap3A_878] {strides = array<i32>} : memref<128x128xf32, #tpu.memory_space<vmem>>, vector<1x16xf32>,
          %swap3A_880 = vector.shape_cast %swap3A_879 : vector<1x16xf32> to vector<16xf32>
          %swap3A_881 = vector.shape_cast %add3A_876 : vector<16xf32> to vector<1x16xf32>
          tpu.vector_store %arg11[%swap3A_877, %swap3A_878], %swap3A_881 {strides = array<i32>} : memref<128x128xf32, #tpu.memory_space<vmem>>, vector<1x16xf32>,
          %get3A_882 = arith.index_cast %add3A_851 : i32 to index
          %get3A_883 = arith.constant 48 : index
          %get3A_884 = tpu.vector_load %arg11[%get3A_882, %get3A_883] {strides = array<i32>} : memref<128x128xf32, #tpu.memory_space<vmem>>, vector<1x16xf32>,
          %get3A_885 = vector.shape_cast %get3A_884 : vector<1x16xf32> to vector<16xf32>
          %add3A_886 = arith.addf %get3A_885, %get3A_645 : vector<16xf32>
          %swap3A_887 = arith.index_cast %add3A_851 : i32 to index
          %swap3A_888 = arith.constant 48 : index
          %swap3A_889 = tpu.vector_load %arg11[%swap3A_887, %swap3A_888] {strides = array<i32>} : memref<128x128xf32, #tpu.memory_space<vmem>>, vector<1x16xf32>,
          %swap3A_890 = vector.shape_cast %swap3A_889 : vector<1x16xf32> to vector<16xf32>
          %swap3A_891 = vector.shape_cast %add3A_886 : vector<16xf32> to vector<1x16xf32>
          tpu.vector_store %arg11[%swap3A_887, %swap3A_888], %swap3A_891 {strides = array<i32>} : memref<128x128xf32, #tpu.memory_space<vmem>>, vector<1x16xf32>,
          %get3A_892 = arith.index_cast %add3A_851 : i32 to index
          %get3A_893 = arith.constant 64 : index
          %get3A_894 = tpu.vector_load %arg11[%get3A_892, %get3A_893] {strides = array<i32>} : memref<128x128xf32, #tpu.memory_space<vmem>>, vector<1x16xf32>,
          %get3A_895 = vector.shape_cast %get3A_894 : vector<1x16xf32> to vector<16xf32>
          %add3A_896 = arith.addf %get3A_895, %get3A_652 : vector<16xf32>
          %swap3A_897 = arith.index_cast %add3A_851 : i32 to index
          %swap3A_898 = arith.constant 64 : index
          %swap3A_899 = tpu.vector_load %arg11[%swap3A_897, %swap3A_898] {strides = array<i32>} : memref<128x128xf32, #tpu.memory_space<vmem>>, vector<1x16xf32>,
          %swap3A_900 = vector.shape_cast %swap3A_899 : vector<1x16xf32> to vector<16xf32>
          %swap3A_901 = vector.shape_cast %add3A_896 : vector<16xf32> to vector<1x16xf32>
          tpu.vector_store %arg11[%swap3A_897, %swap3A_898], %swap3A_901 {strides = array<i32>} : memref<128x128xf32, #tpu.memory_space<vmem>>, vector<1x16xf32>,
          %get3A_902 = arith.index_cast %add3A_851 : i32 to index
          %get3A_903 = arith.constant 80 : index
          %get3A_904 = tpu.vector_load %arg11[%get3A_902, %get3A_903] {strides = array<i32>} : memref<128x128xf32, #tpu.memory_space<vmem>>, vector<1x16xf32>,
          %get3A_905 = vector.shape_cast %get3A_904 : vector<1x16xf32> to vector<16xf32>
          %add3A_906 = arith.addf %get3A_905, %get3A_659 : vector<16xf32>
          %swap3A_907 = arith.index_cast %add3A_851 : i32 to index
          %swap3A_908 = arith.constant 80 : index
          %swap3A_909 = tpu.vector_load %arg11[%swap3A_907, %swap3A_908] {strides = array<i32>} : memref<128x128xf32, #tpu.memory_space<vmem>>, vector<1x16xf32>,
          %swap3A_910 = vector.shape_cast %swap3A_909 : vector<1x16xf32> to vector<16xf32>
          %swap3A_911 = vector.shape_cast %add3A_906 : vector<16xf32> to vector<1x16xf32>
          tpu.vector_store %arg11[%swap3A_907, %swap3A_908], %swap3A_911 {strides = array<i32>} : memref<128x128xf32, #tpu.memory_space<vmem>>, vector<1x16xf32>,
          %get3A_912 = arith.index_cast %add3A_851 : i32 to index
          %get3A_913 = arith.constant 96 : index
          %get3A_914 = tpu.vector_load %arg11[%get3A_912, %get3A_913] {strides = array<i32>} : memref<128x128xf32, #tpu.memory_space<vmem>>, vector<1x16xf32>,
          %get3A_915 = vector.shape_cast %get3A_914 : vector<1x16xf32> to vector<16xf32>
          %add3A_916 = arith.addf %get3A_915, %get3A_666 : vector<16xf32>
          %swap3A_917 = arith.index_cast %add3A_851 : i32 to index
          %swap3A_918 = arith.constant 96 : index
          %swap3A_919 = tpu.vector_load %arg11[%swap3A_917, %swap3A_918] {strides = array<i32>} : memref<128x128xf32, #tpu.memory_space<vmem>>, vector<1x16xf32>,
          %swap3A_920 = vector.shape_cast %swap3A_919 : vector<1x16xf32> to vector<16xf32>
          %swap3A_921 = vector.shape_cast %add3A_916 : vector<16xf32> to vector<1x16xf32>
          tpu.vector_store %arg11[%swap3A_917, %swap3A_918], %swap3A_921 {strides = array<i32>} : memref<128x128xf32, #tpu.memory_space<vmem>>, vector<1x16xf32>,
          %get3A_922 = arith.index_cast %add3A_851 : i32 to index
          %get3A_923 = arith.constant 112 : index
          %get3A_924 = tpu.vector_load %arg11[%get3A_922, %get3A_923] {strides = array<i32>} : memref<128x128xf32, #tpu.memory_space<vmem>>, vector<1x16xf32>,
          %get3A_925 = vector.shape_cast %get3A_924 : vector<1x16xf32> to vector<16xf32>
          %add3A_926 = arith.addf %get3A_925, %get3A_673 : vector<16xf32>
          %swap3A_927 = arith.index_cast %add3A_851 : i32 to index
          %swap3A_928 = arith.constant 112 : index
          %swap3A_929 = tpu.vector_load %arg11[%swap3A_927, %swap3A_928] {strides = array<i32>} : memref<128x128xf32, #tpu.memory_space<vmem>>, vector<1x16xf32>,
          %swap3A_930 = vector.shape_cast %swap3A_929 : vector<1x16xf32> to vector<16xf32>
          %swap3A_931 = vector.shape_cast %add3A_926 : vector<16xf32> to vector<1x16xf32>
          tpu.vector_store %arg11[%swap3A_927, %swap3A_928], %swap3A_931 {strides = array<i32>} : memref<128x128xf32, #tpu.memory_space<vmem>>, vector<1x16xf32>,
          %scan3A_932 = arith.constant 3 : i32
          %scan3A_933 = arith.addi %scan3A_679, %scan3A_932 : i32
          %mul3A_934 = arith.constant 16 : i32
          %mul3A_935 = arith.muli %scan3A_618, %mul3A_934 : i32
          %add3A_936 = arith.addi %mul3A_935, %scan3A_933 : i32
          %get3A_937 = arith.index_cast %add3A_936 : i32 to index
          %get3A_938 = arith.constant 0 : index
          %get3A_939 = tpu.vector_load %arg11[%get3A_937, %get3A_938] {strides = array<i32>} : memref<128x128xf32, #tpu.memory_space<vmem>>, vector<1x16xf32>,
          %get3A_940 = vector.shape_cast %get3A_939 : vector<1x16xf32> to vector<16xf32>
          %add3A_941 = arith.addf %get3A_940, %get3A_624 : vector<16xf32>
          %swap3A_942 = arith.index_cast %add3A_936 : i32 to index
          %swap3A_943 = arith.constant 0 : index
          %swap3A_944 = tpu.vector_load %arg11[%swap3A_942, %swap3A_943] {strides = array<i32>} : memref<128x128xf32, #tpu.memory_space<vmem>>, vector<1x16xf32>,
          %swap3A_945 = vector.shape_cast %swap3A_944 : vector<1x16xf32> to vector<16xf32>
          %swap3A_946 = vector.shape_cast %add3A_941 : vector<16xf32> to vector<1x16xf32>
          tpu.vector_store %arg11[%swap3A_942, %swap3A_943], %swap3A_946 {strides = array<i32>} : memref<128x128xf32, #tpu.memory_space<vmem>>, vector<1x16xf32>,
          %get3A_947 = arith.index_cast %add3A_936 : i32 to index
          %get3A_948 = arith.constant 16 : index
          %get3A_949 = tpu.vector_load %arg11[%get3A_947, %get3A_948] {strides = array<i32>} : memref<128x128xf32, #tpu.memory_space<vmem>>, vector<1x16xf32>,
          %get3A_950 = vector.shape_cast %get3A_949 : vector<1x16xf32> to vector<16xf32>
          %add3A_951 = arith.addf %get3A_950, %get3A_631 : vector<16xf32>
          %swap3A_952 = arith.index_cast %add3A_936 : i32 to index
          %swap3A_953 = arith.constant 16 : index
          %swap3A_954 = tpu.vector_load %arg11[%swap3A_952, %swap3A_953] {strides = array<i32>} : memref<128x128xf32, #tpu.memory_space<vmem>>, vector<1x16xf32>,
          %swap3A_955 = vector.shape_cast %swap3A_954 : vector<1x16xf32> to vector<16xf32>
          %swap3A_956 = vector.shape_cast %add3A_951 : vector<16xf32> to vector<1x16xf32>
          tpu.vector_store %arg11[%swap3A_952, %swap3A_953], %swap3A_956 {strides = array<i32>} : memref<128x128xf32, #tpu.memory_space<vmem>>, vector<1x16xf32>,
          %get3A_957 = arith.index_cast %add3A_936 : i32 to index
          %get3A_958 = arith.constant 32 : index
          %get3A_959 = tpu.vector_load %arg11[%get3A_957, %get3A_958] {strides = array<i32>} : memref<128x128xf32, #tpu.memory_space<vmem>>, vector<1x16xf32>,
          %get3A_960 = vector.shape_cast %get3A_959 : vector<1x16xf32> to vector<16xf32>
          %add3A_961 = arith.addf %get3A_960, %get3A_638 : vector<16xf32>
          %swap3A_962 = arith.index_cast %add3A_936 : i32 to index
          %swap3A_963 = arith.constant 32 : index
          %swap3A_964 = tpu.vector_load %arg11[%swap3A_962, %swap3A_963] {strides = array<i32>} : memref<128x128xf32, #tpu.memory_space<vmem>>, vector<1x16xf32>,
          %swap3A_965 = vector.shape_cast %swap3A_964 : vector<1x16xf32> to vector<16xf32>
          %swap3A_966 = vector.shape_cast %add3A_961 : vector<16xf32> to vector<1x16xf32>
          tpu.vector_store %arg11[%swap3A_962, %swap3A_963], %swap3A_966 {strides = array<i32>} : memref<128x128xf32, #tpu.memory_space<vmem>>, vector<1x16xf32>,
          %get3A_967 = arith.index_cast %add3A_936 : i32 to index
          %get3A_968 = arith.constant 48 : index
          %get3A_969 = tpu.vector_load %arg11[%get3A_967, %get3A_968] {strides = array<i32>} : memref<128x128xf32, #tpu.memory_space<vmem>>, vector<1x16xf32>,
          %get3A_970 = vector.shape_cast %get3A_969 : vector<1x16xf32> to vector<16xf32>
          %add3A_971 = arith.addf %get3A_970, %get3A_645 : vector<16xf32>
          %swap3A_972 = arith.index_cast %add3A_936 : i32 to index
          %swap3A_973 = arith.constant 48 : index
          %swap3A_974 = tpu.vector_load %arg11[%swap3A_972, %swap3A_973] {strides = array<i32>} : memref<128x128xf32, #tpu.memory_space<vmem>>, vector<1x16xf32>,
          %swap3A_975 = vector.shape_cast %swap3A_974 : vector<1x16xf32> to vector<16xf32>
          %swap3A_976 = vector.shape_cast %add3A_971 : vector<16xf32> to vector<1x16xf32>
          tpu.vector_store %arg11[%swap3A_972, %swap3A_973], %swap3A_976 {strides = array<i32>} : memref<128x128xf32, #tpu.memory_space<vmem>>, vector<1x16xf32>,
          %get3A_977 = arith.index_cast %add3A_936 : i32 to index
          %get3A_978 = arith.constant 64 : index
          %get3A_979 = tpu.vector_load %arg11[%get3A_977, %get3A_978] {strides = array<i32>} : memref<128x128xf32, #tpu.memory_space<vmem>>, vector<1x16xf32>,
          %get3A_980 = vector.shape_cast %get3A_979 : vector<1x16xf32> to vector<16xf32>
          %add3A_981 = arith.addf %get3A_980, %get3A_652 : vector<16xf32>
          %swap3A_982 = arith.index_cast %add3A_936 : i32 to index
          %swap3A_983 = arith.constant 64 : index
          %swap3A_984 = tpu.vector_load %arg11[%swap3A_982, %swap3A_983] {strides = array<i32>} : memref<128x128xf32, #tpu.memory_space<vmem>>, vector<1x16xf32>,
          %swap3A_985 = vector.shape_cast %swap3A_984 : vector<1x16xf32> to vector<16xf32>
          %swap3A_986 = vector.shape_cast %add3A_981 : vector<16xf32> to vector<1x16xf32>
          tpu.vector_store %arg11[%swap3A_982, %swap3A_983], %swap3A_986 {strides = array<i32>} : memref<128x128xf32, #tpu.memory_space<vmem>>, vector<1x16xf32>,
          %get3A_987 = arith.index_cast %add3A_936 : i32 to index
          %get3A_988 = arith.constant 80 : index
          %get3A_989 = tpu.vector_load %arg11[%get3A_987, %get3A_988] {strides = array<i32>} : memref<128x128xf32, #tpu.memory_space<vmem>>, vector<1x16xf32>,
          %get3A_990 = vector.shape_cast %get3A_989 : vector<1x16xf32> to vector<16xf32>
          %add3A_991 = arith.addf %get3A_990, %get3A_659 : vector<16xf32>
          %swap3A_992 = arith.index_cast %add3A_936 : i32 to index
          %swap3A_993 = arith.constant 80 : index
          %swap3A_994 = tpu.vector_load %arg11[%swap3A_992, %swap3A_993] {strides = array<i32>} : memref<128x128xf32, #tpu.memory_space<vmem>>, vector<1x16xf32>,
          %swap3A_995 = vector.shape_cast %swap3A_994 : vector<1x16xf32> to vector<16xf32>
          %swap3A_996 = vector.shape_cast %add3A_991 : vector<16xf32> to vector<1x16xf32>
          tpu.vector_store %arg11[%swap3A_992, %swap3A_993], %swap3A_996 {strides = array<i32>} : memref<128x128xf32, #tpu.memory_space<vmem>>, vector<1x16xf32>,
          %get3A_997 = arith.index_cast %add3A_936 : i32 to index
          %get3A_998 = arith.constant 96 : index
          %get3A_999 = tpu.vector_load %arg11[%get3A_997, %get3A_998] {strides = array<i32>} : memref<128x128xf32, #tpu.memory_space<vmem>>, vector<1x16xf32>,
          %get3A_1000 = vector.shape_cast %get3A_999 : vector<1x16xf32> to vector<16xf32>
          %add3A_1001 = arith.addf %get3A_1000, %get3A_666 : vector<16xf32>
          %swap3A_1002 = arith.index_cast %add3A_936 : i32 to index
          %swap3A_1003 = arith.constant 96 : index
          %swap3A_1004 = tpu.vector_load %arg11[%swap3A_1002, %swap3A_1003] {strides = array<i32>} : memref<128x128xf32, #tpu.memory_space<vmem>>, vector<1x16xf32>,
          %swap3A_1005 = vector.shape_cast %swap3A_1004 : vector<1x16xf32> to vector<16xf32>
          %swap3A_1006 = vector.shape_cast %add3A_1001 : vector<16xf32> to vector<1x16xf32>
          tpu.vector_store %arg11[%swap3A_1002, %swap3A_1003], %swap3A_1006 {strides = array<i32>} : memref<128x128xf32, #tpu.memory_space<vmem>>, vector<1x16xf32>,
          %get3A_1007 = arith.index_cast %add3A_936 : i32 to index
          %get3A_1008 = arith.constant 112 : index
          %get3A_1009 = tpu.vector_load %arg11[%get3A_1007, %get3A_1008] {strides = array<i32>} : memref<128x128xf32, #tpu.memory_space<vmem>>, vector<1x16xf32>,
          %get3A_1010 = vector.shape_cast %get3A_1009 : vector<1x16xf32> to vector<16xf32>
          %add3A_1011 = arith.addf %get3A_1010, %get3A_673 : vector<16xf32>
          %swap3A_1012 = arith.index_cast %add3A_936 : i32 to index
          %swap3A_1013 = arith.constant 112 : index
          %swap3A_1014 = tpu.vector_load %arg11[%swap3A_1012, %swap3A_1013] {strides = array<i32>} : memref<128x128xf32, #tpu.memory_space<vmem>>, vector<1x16xf32>,
          %swap3A_1015 = vector.shape_cast %swap3A_1014 : vector<1x16xf32> to vector<16xf32>
          %swap3A_1016 = vector.shape_cast %add3A_1011 : vector<16xf32> to vector<1x16xf32>
          tpu.vector_store %arg11[%swap3A_1012, %swap3A_1013], %swap3A_1016 {strides = array<i32>} : memref<128x128xf32, #tpu.memory_space<vmem>>, vector<1x16xf32>,
        }
        %scan3A_678 = arith.constant 16 : i32
      }
      %scan3A_567 = arith.constant 8 : i32
      %jit3A_568 = arith.constant 4 : i32
      %div3A_569 = arith.divsi %add3A_483, %jit3A_568 : i32
      %sign3A_570 = arith.constant 0 : i32
      %sign3A_571 = arith.cmpi sgt, %add3A_483, %sign3A_570 : i32
      %sign3A_572 = arith.extui %sign3A_571 : i1 to i32
      %sign3A_573 = arith.constant 0 : i32
      %sign3A_574 = arith.cmpi slt, %add3A_483, %sign3A_573 : i32
      %sign3A_575 = arith.extui %sign3A_574 : i1 to i32
      %sign3A_576 = arith.subi %sign3A_572, %sign3A_575 : i32
      %sign3A_577 = arith.constant 0 : i32
      %sign3A_578 = arith.cmpi sgt, %jit3A_568, %sign3A_577 : i32
      %sign3A_579 = arith.extui %sign3A_578 : i1 to i32
      %sign3A_580 = arith.constant 0 : i32
      %sign3A_581 = arith.cmpi slt, %jit3A_568, %sign3A_580 : i32
      %sign3A_582 = arith.extui %sign3A_581 : i1 to i32
      %sign3A_583 = arith.subi %sign3A_579, %sign3A_582 : i32
      %ne3A_584 = arith.cmpi ne, %sign3A_576, %sign3A_583 : i32
      %rem3A_585 = arith.remsi %add3A_483, %jit3A_568 : i32
      %ne3A_586 = arith.constant 0 : i32
      %ne3A_587 = arith.cmpi ne, %rem3A_585, %ne3A_586 : i32
      %and3A_588 = arith.andi %ne3A_584, %ne3A_587 : i1
      %sub3A_589 = arith.constant 1 : i32
      %sub3A_590 = arith.subi %div3A_569, %sub3A_589 : i32
      %select_n3A_591 = arith.select %and3A_588, %sub3A_590, %div3A_569 : i32
      %mul3A_592 = arith.constant 16384 : i32
      %mul3A_593 = arith.muli %select_n3A_591, %mul3A_592 : i32
      %add3A_594 = arith.addi %mul3A_593, %mul3A_4 : i32
      %jit3A_595 = arith.constant 4 : i32
      %eq3A_596 = arith.constant 0 : i32
      %eq3A_597 = arith.cmpi eq, %jit3A_595, %eq3A_596 : i32
      %jit3A_598 = arith.constant 1 : i32
      %select_n3A_599 = arith.select %eq3A_597, %jit3A_598, %jit3A_595 : i32
      %rem3A_600 = arith.remsi %add3A_483, %select_n3A_599 : i32
      %ne3A_601 = arith.constant 0 : i32
      %ne3A_602 = arith.cmpi ne, %rem3A_600, %ne3A_601 : i32
      %lt3A_603 = arith.constant 0 : i32
      %lt3A_604 = arith.cmpi slt, %rem3A_600, %lt3A_603 : i32
      %lt3A_605 = arith.constant 0 : i32
      %lt3A_606 = arith.cmpi slt, %select_n3A_599, %lt3A_605 : i32
      %ne3A_607 = arith.xori %lt3A_604, %lt3A_606 : i1
      %and3A_608 = arith.andi %ne3A_607, %ne3A_602 : i1
      %add3A_609 = arith.addi %rem3A_600, %select_n3A_599 : i32
      %select_n3A_610 = arith.select %and3A_608, %add3A_609, %rem3A_600 : i32
      %mul3A_611 = arith.constant 128 : i32
      %mul3A_612 = arith.muli %select_n3A_610, %mul3A_611 : i32
      %add3A_613 = arith.addi %add3A_594, %mul3A_612 : i32
      %dma_start3A_614 = arith.constant 0 : i32
      %dma_start3A_615 = tpu.memref_slice %arg5[%add3A_613, %dma_start3A_614] : memref<65536x128xf32, #tpu.memory_space<hbm>> -> memref<128x128xf32, #tpu.memory_space<hbm>>
      %dma_start3A_616 = arith.constant 0 : i32
      %dma_start3A_617 = tpu.memref_slice %arg5[%add3A_613, %dma_start3A_616] : memref<65536x128xf32, #tpu.memory_space<hbm>> -> memref<128x128xf32, #tpu.memory_space<hbm>>
      tpu.enqueue_dma source(%arg11 : memref<128x128xf32, #tpu.memory_space<vmem>>) target(%dma_start3A_617 : memref<128x128xf32, #tpu.memory_space<hbm>>) target_semaphore(%arg20 : memref<!tpu.dma_semaphore, #tpu.memory_space<semaphore_mem>>)
    }
    %scan3A_45 = arith.constant 4 : i32
    %add3A_46 = arith.constant 49152 : i32
    %add3A_47 = arith.addi %add3A_46, %mul3A_4 : i32
    %add3A_48 = arith.constant 0 : i32
    %add3A_49 = arith.addi %add3A_47, %add3A_48 : i32
    %dma_wait3A_50 = arith.constant 0 : i32
    %dma_wait3A_51 = tpu.memref_slice %arg5[%add3A_49, %dma_wait3A_50] : memref<65536x128xf32, #tpu.memory_space<hbm>> -> memref<128x128xf32, #tpu.memory_space<hbm>>
    %dma_wait3A_52 = arith.constant 0 : i32
    %dma_wait3A_53 = tpu.memref_slice %arg5[%add3A_49, %dma_wait3A_52] : memref<65536x128xf32, #tpu.memory_space<hbm>> -> memref<128x128xf32, #tpu.memory_space<hbm>>
    tpu.wait_dma2 semaphore(%arg17 : memref<!tpu.dma_semaphore, #tpu.memory_space<semaphore_mem>>) src(%arg8 : memref<128x128xf32, #tpu.memory_space<vmem>>) dst(%dma_wait3A_53 : memref<128x128xf32, #tpu.memory_space<hbm>>)
    %add3A_54 = arith.constant 49152 : i32
    %add3A_55 = arith.addi %add3A_54, %mul3A_4 : i32
    %add3A_56 = arith.constant 128 : i32
    %add3A_57 = arith.addi %add3A_55, %add3A_56 : i32
    %dma_wait3A_58 = arith.constant 0 : i32
    %dma_wait3A_59 = tpu.memref_slice %arg5[%add3A_57, %dma_wait3A_58] : memref<65536x128xf32, #tpu.memory_space<hbm>> -> memref<128x128xf32, #tpu.memory_space<hbm>>
    %dma_wait3A_60 = arith.constant 0 : i32
    %dma_wait3A_61 = tpu.memref_slice %arg5[%add3A_57, %dma_wait3A_60] : memref<65536x128xf32, #tpu.memory_space<hbm>> -> memref<128x128xf32, #tpu.memory_space<hbm>>
    tpu.wait_dma2 semaphore(%arg18 : memref<!tpu.dma_semaphore, #tpu.memory_space<semaphore_mem>>) src(%arg9 : memref<128x128xf32, #tpu.memory_space<vmem>>) dst(%dma_wait3A_61 : memref<128x128xf32, #tpu.memory_space<hbm>>)
    %add3A_62 = arith.constant 49152 : i32
    %add3A_63 = arith.addi %add3A_62, %mul3A_4 : i32
    %add3A_64 = arith.constant 256 : i32
    %add3A_65 = arith.addi %add3A_63, %add3A_64 : i32
    %dma_wait3A_66 = arith.constant 0 : i32
    %dma_wait3A_67 = tpu.memref_slice %arg5[%add3A_65, %dma_wait3A_66] : memref<65536x128xf32, #tpu.memory_space<hbm>> -> memref<128x128xf32, #tpu.memory_space<hbm>>
    %dma_wait3A_68 = arith.constant 0 : i32
    %dma_wait3A_69 = tpu.memref_slice %arg5[%add3A_65, %dma_wait3A_68] : memref<65536x128xf32, #tpu.memory_space<hbm>> -> memref<128x128xf32, #tpu.memory_space<hbm>>
    tpu.wait_dma2 semaphore(%arg19 : memref<!tpu.dma_semaphore, #tpu.memory_space<semaphore_mem>>) src(%arg10 : memref<128x128xf32, #tpu.memory_space<vmem>>) dst(%dma_wait3A_69 : memref<128x128xf32, #tpu.memory_space<hbm>>)
    %add3A_70 = arith.constant 49152 : i32
    %add3A_71 = arith.addi %add3A_70, %mul3A_4 : i32
    %add3A_72 = arith.constant 384 : i32
    %add3A_73 = arith.addi %add3A_71, %add3A_72 : i32
    %dma_wait3A_74 = arith.constant 0 : i32
    %dma_wait3A_75 = tpu.memref_slice %arg5[%add3A_73, %dma_wait3A_74] : memref<65536x128xf32, #tpu.memory_space<hbm>> -> memref<128x128xf32, #tpu.memory_space<hbm>>
    %dma_wait3A_76 = arith.constant 0 : i32
    %dma_wait3A_77 = tpu.memref_slice %arg5[%add3A_73, %dma_wait3A_76] : memref<65536x128xf32, #tpu.memory_space<hbm>> -> memref<128x128xf32, #tpu.memory_space<hbm>>
    tpu.wait_dma2 semaphore(%arg20 : memref<!tpu.dma_semaphore, #tpu.memory_space<semaphore_mem>>) src(%arg11 : memref<128x128xf32, #tpu.memory_space<vmem>>) dst(%dma_wait3A_77 : memref<128x128xf32, #tpu.memory_space<hbm>>)
    return
  }
}

</mosaic_0001>

<sc_bundles>
// kernel: kernel.3.cloned.1.call-start
scs
__scs_entry_jumppad:
0x0: {  	(pc) =	sbr.rel $0x88, $3  }
0x1: {  	(tag) =	ssettag $0x0;
	lr =	simm.s32 $0x1  }
0x2: {  	[smem:$0x3F9E] =	sst lr;
	_ =	strace $0xD0000000  }
0x3: {  	_ = 	snop  }
0x4: {  	_ = 	snop  }
0x5: {  	_ = 	snop  }
0x6: {  	_ = 	snop  }
0x7: {  	_ = 	snop  }
__scs_overlays_trampoline_lowered:
0x8: {  	[smem:$0x3FAD] =	sst s0  }
0x9: {  	[smem:$0x3FAE] =	sst s1  }
0xa: {  	[smem:$0x3FAF] =	sst s2  }
0xb: {  	[smem:$0x3FB0] =	sst s3  }
0xc: {  	[smem:$0x3FB1] =	sst s4  }
0xd: {  	[smem:$0x3FB2] =	sst s5  }
0xe: {  	[smem:$0x3FB3] =	sst s6  }
0xf: {  	[smem:$0x3FB4] =	sst s7  }
0x10: {  	[smem:$0x3FB5] =	sst s8  }
0x11: {  	[smem:$0x3FB6] =	sst s9;
	s0 =	simm.s32 @!p0 $0x0  }
0x12: {  	s1 =	sld [smem:$0x3F9C];
	s0 =	simm.s32 @p0 $0x1  }
0x13: {  	[smem:$0x3FB7] =	sst s0;
	s0 =	simm.s32 @!p1 $0x0  }
0x14: {  	s2 =	sld [smem:$0x3F9B];
	s0 =	simm.s32 @p1 $0x1  }
0x15: {  	[smem:$0x3FB8] =	sst s0;
	s0 =	simm.s32 @!p2 $0x0  }
0x16: {  	s3 =	sld [smem:$0x3FDB];
	s0 =	simm.s32 @p2 $0x1  }
0x17: {  	s4 =	simm.s32 $0x1BF5;
	[smem:$0x3FBA] =	sst s0  }
0x18: {  	s0 =	sld [smem:$0x3F9D];
	_ =	swait.ge [sflag:s4], $0x0  }
0x19: {  	s7 =	sld [smem:$0x3F9E]  }
0x1a: {  	s8 =	sadd.s32 $0xFFFFE003, lr  }
0x1b: {  	s9 =	sadd.s32 $0xFFFFFEF7, lr;
	s5 =	simm.s32 $0xFFFFFFFF;
	p2 =	slt.u32 s8, $0xFFFFF086  }
0x1c: {  	p1 =	slt.u32 s9, $0xF7A;
	s5 =	simm.s32 @!p2 $0x0  }
0x1d: {  	s5 =	simm.s32 @p1 $0x1;
	p0 =	seq.s32 s7, s2  }
0x1e: {  	s7 =	smul.u32 @!p0 $0xF7A, s2;
	p2 =	seq.s32 @!p0 s5, $0x0  }
0x1f: {  	s9 =	smul.u32 $0xF7A, s1;
	s8 =	simm.s32 @!p0 $0x1BF5;
	p2 =	por !p2, p0  }
0x20: {  	[sflag:s8] =	ssyncset.s32 @!p0 $0xFFFFF086;
	s6 =	sadd.s32 @!p0 s3, s7;
	s7 =	simm.s32 @!p0 $0x108  }
0x21: {  	s3 =	sadd.s32 s3, s9;
	s6 =	sadd.s32 @!p0 $0x88, s6;
	s7 =	simm.s32 @p2 $0x1082  }
0x22: {  	[simem:s7], [sflag:s8] =	dma.local @!p0 [hbm:s6], $0xF7A  }
0x23: {  	s9 =	sor.u32 $0xD0000000, s2;
	s6 =	simm.s32 $0x108;
	_ =	swait.ge @!p0 [sflag:s8], $0x0  }
0x24: {  	s3 =	sadd.s32 $0x88, s3;
	s6 =	simm.s32 @!p1 $0x1082;
	[sflag:s4] =	ssyncset.s32 $0xFFFFF086  }
0x25: {  	[simem:s6], [sflag:s4] =	dma.local [hbm:s3], $0xF7A  }
0x26: {  	[smem:$0x3F9E] =	sst s1;
	(tag) =	ssettag s2;
	_ =	strace s9  }
0x27: {  	s1 =	sld [smem:$0x3FAE]  }
0x28: {  	s2 =	sld [smem:$0x3FAF]  }
0x29: {  	s4 =	sld [smem:$0x3FB1]  }
0x2a: {  	p0 =	seq.s32 s5, $0x0;
	s5 =	sld [smem:$0x3FB2]  }
0x2b: {  	s6 =	sld [smem:$0x3FB3]  }
0x2c: {  	s7 =	sld [smem:$0x3FB4]  }
0x2d: {  	s3 =	simm.s32 $0x108;
	s8 =	sld [smem:$0x3FB5]  }
0x2e: {  	s3 =	simm.s32 @!p0 $0x1082;
	s9 =	sld [smem:$0x3FB6]  }
0x2f: {  	lr =	sadd.s32 s0, s3;
	s0 =	sld [smem:$0x3FAD]  }
0x30: {  	s3 =	sld [smem:$0x3FB0]  }
0x31: {  	[smem:$0x3FB9] =	sst s10  }
0x32: {  	s10 =	sld [smem:$0x3FB7];
	_ =	sdelay $0x3  }
0x33: {  	p0 =	seq.s32 s10, $0x1;
	s10 =	sld [smem:$0x3FB9];
	_ =	sdelay $0x3  }
0x34: {  	[smem:$0x3FB9] =	sst s10  }
0x35: {  	s10 =	sld [smem:$0x3FB8];
	_ =	sdelay $0x3  }
0x36: {  	p1 =	seq.s32 s10, $0x1;
	s10 =	sld [smem:$0x3FB9];
	_ =	sdelay $0x3  }
0x37: {  	[smem:$0x3FB9] =	sst s10  }
0x38: {  	s10 =	sld [smem:$0x3FBA]  }
0x39: {  	_ = 	snop;
	(pc) =	sbr.ind lr, $3  }
0x3a: {  	_ = 	snop  }
0x3b: {  	_ = 	snop  }
0x3c: {  	p2 =	seq.s32 s10, $0x1;
	s10 =	sld [smem:$0x3FB9]  }
0x3d: {  	_ =	shalt  }
0x3e: {  	_ =	shalt  }
0x3f: {  	_ =	shalt  }
0x40: {  	_ =	shalt  }
0x41: {  	_ =	shalt  }
0x42: {  	_ =	shalt  }
0x43: {  	_ =	shalt  }
0x44: {  	_ =	shalt  }
0x45: {  	_ =	shalt  }
0x46: {  	_ =	shalt  }
0x47: {  	_ =	shalt  }
0x48: {  	_ =	shalt  }
0x49: {  	_ =	shalt  }
0x4a: {  	_ =	shalt  }
0x4b: {  	_ =	shalt  }
0x4c: {  	_ =	shalt  }
0x4d: {  	_ =	shalt  }
0x4e: {  	_ =	shalt  }
0x4f: {  	_ =	shalt  }
0x50: {  	_ =	shalt  }
0x51: {  	_ =	shalt  }
0x52: {  	_ =	shalt  }
0x53: {  	_ =	shalt  }
0x54: {  	_ =	shalt  }
0x55: {  	_ =	shalt  }
0x56: {  	_ =	shalt  }
0x57: {  	_ =	shalt  }
0x58: {  	_ =	shalt  }
0x59: {  	_ =	shalt  }
0x5a: {  	_ =	shalt  }
0x5b: {  	_ =	shalt  }
0x5c: {  	_ =	shalt  }
0x5d: {  	_ =	shalt  }
0x5e: {  	_ =	shalt  }
0x5f: {  	_ =	shalt  }
0x60: {  	_ =	shalt  }
0x61: {  	_ =	shalt  }
0x62: {  	_ =	shalt  }
0x63: {  	_ =	shalt  }
0x64: {  	_ =	shalt  }
0x65: {  	_ =	shalt  }
0x66: {  	_ =	shalt  }
0x67: {  	_ =	shalt  }
0x68: {  	_ =	shalt  }
0x69: {  	_ =	shalt  }
0x6a: {  	_ =	shalt  }
0x6b: {  	_ =	shalt  }
0x6c: {  	_ =	shalt  }
0x6d: {  	_ =	shalt  }
0x6e: {  	_ =	shalt  }
0x6f: {  	_ =	shalt  }
0x70: {  	_ =	shalt  }
0x71: {  	_ =	shalt  }
0x72: {  	_ =	shalt  }
0x73: {  	_ =	shalt  }
0x74: {  	_ =	shalt  }
0x75: {  	_ =	shalt  }
0x76: {  	_ =	shalt  }
0x77: {  	_ =	shalt  }
0x78: {  	_ =	shalt  }
0x79: {  	_ =	shalt  }
0x7a: {  	_ =	shalt  }
0x7b: {  	_ =	shalt  }
0x7c: {  	_ =	shalt  }
0x7d: {  	_ =	shalt  }
0x7e: {  	_ =	shalt  }
0x7f: {  	_ =	shalt  }
0x80: {  	_ =	shalt  }
0x81: {  	_ =	shalt  }
0x82: {  	_ =	shalt  }
0x83: {  	_ =	shalt  }
0x84: {  	_ =	shalt  }
0x85: {  	_ =	shalt  }
0x86: {  	_ =	shalt  }
0x87: {  	_ =	shalt  }
.Lfunc_end0:
.L_simem_size_0:
called_computation_lowered:
.L_overlay_start_0:
0x88: {  	s2 =	sld [smem:$0x3FD9]  }
0x89: {  	s3 =	sld [smem:$0x3FFE];
	_ =	sdelay $0x1  }
0x8a: {  	s1 =	srdreg.scid  }
0x8b: {  	s0 =	sand.u32 $0x1, s1  }
0x8c: {  	s18 =	sshll.u32 s0, $0xA;
	s2 =	sadd.s32 s3, s2  }
0x8d: {  	s2 =	sadd.s32 s2, s18  }
0x8e: {  	[smem:$0x3FC5] =	sst s2  }
0x8f: {  	_ = 	snop  }
0x90: {  	s2 =	sld [smem:$0x3FC9]  }
0x91: {  	s19 =	sld [smem:$0x3FC8]  }
0x92: {  	s4 =	sld [smem:$0x3FC7]  }
0x93: {  	s5 =	sld [smem:$0x3FD0];
	(tm) =	ssettm $0x1  }
0x94: {  	s6 =	sld [smem:$0x3FFB];
	_ =	sdelay $0x3  }
0x95: {  	_ =	strace s6  }
0x96: {  	s6 =	sld [smem:$0x3FFC];
	_ =	sdelay $0x3  }
0x97: {  	_ =	strace s6  }
0x98: {  	s6 =	sld [smem:$0x3FFD];
	_ =	sdelay $0x3  }
0x99: {  	_ =	strace s6  }
0x9a: {  	_ =	strace $0x8FFFFFFF  }
0x9b: {  	s20 =	sld [smem:$0x3FDB];
	_ =	sdelay $0x1  }
0x9c: {  	s7 =	simm.s32 $_scs_section_size  }
0x9d: {  	s8 =	simm.s32 $_size__tile_overlayer_lowered;
	s9 =	simm.s32 $_tile_overlayer_lowered  }
0x9e: {  	s23 =	simm.s32 $0x1BFF;
	s22 =	sshll.u32 s9, $0x1;
	s6 =	sadd.s32 s7, s20  }
0x9f: {  	s10 =	simm.s32 $0x0;
	s21 =	sshll.u32 s8, $0x1;
	s8 =	sadd.s32 s22, s6  }
0xa0: {  	[timem:s10], [sflag:s23] =	dma.local [hbm:s8], s21  }
0xa1: {  	_ =	swait.ge [sflag:s23], s21  }
0xa2: {  	s7 =	ssub.s32 $0x0, s21;
	[sflag:s23] =	ssyncset.done $0x0  }
0xa3: {  	[sflag:s23] =	ssyncadd.s32 s7;
	_ =	sdelay $0x1  }
0xa4: {  	s24 =	simm.s32 $0x1B8B  }
0xa5: {  	_ =	swait.ge [sflag:s24], $0x1  }
0xa6: {  	[sflag:s24] =	ssyncset.done $0x0  }
0xa7: {  	s25 =	simm.s32 $0x1B8E;
	[sflag:s24] =	ssyncadd.s32 $0xFFFFFFFF  }
0xa8: {  	s26 =	simm.s32 $execute0_lowered;
	[smem:$0x3FD2] =	sst s25  }
0xa9: {  	s7 =	sshll.u32 s26, $0x1;
	_ =	strace $0x80000046;
	[dreg:$0x1] =	wrdreg $0xFFFFFFFF  }
0xaa: {  	s28 =	simm.s32 $_size_execute0_lowered;
	s6 =	sadd.s32 s6, s7;
	[dreg:$0x0] =	wrdreg $0x0  }
0xab: {  	s7 =	sshll.u32 s28, $0x1;
	[dreg:$0x2] =	wrdreg s6  }
0xac: {  	[dreg:$0x3] =	wrdreg s7  }
0xad: {  	[dreg:$0x4] =	wrdreg $0xC0  }
0xae: {  	_ =	task [dreg:s10], $0x5FFFF  }
0xaf: {  	[dreg:$0x1] =	wrdreg $0xFFFFFFFF  }
0xb0: {  	[dreg:$0x0] =	wrdreg $0x60  }
0xb1: {  	[dreg:$0x2] =	wrdreg s2  }
0xb2: {  	[dreg:$0x3] =	wrdreg s19  }
0xb3: {  	[dreg:$0x4] =	wrdreg s4  }
0xb4: {  	[dreg:$0x5] =	wrdreg s5  }
0xb5: {  	[dreg:$0x6] =	wrdreg $0x9  }
0xb6: {  	_ =	task.clear_ibuf [dreg:s10], $0x7FFFF;
	_ =	strace $0x90000046  }
0xb7: {  	s29 =	simm.s32 $0x9;
	_ =	strace $0x80000048  }
0xb8: {  	_ =	swait.ge [sflag:s29], $0x1  }
0xb9: {  	[sflag:s29] =	ssyncadd.s32 $0xFFFFFFFF  }
0xba: {  	_ =	strace $0x90000048  }
0xbb: {  	_ =	sfence  }
0xbc: {  	s30 =	sld [smem:$0x0];
	_ =	sdelay $0x2  }
0xbd: {  	s31 =	sshll.u32 s1, $0xD;
	s1 =	sshrl.u32 s1, $0x2  }
0xbe: {  	s3 =	sand.u32 $0x4000, s31;
	s1 =	sadd.s32 s1, s30  }
0xbf: {  	s0 =	sor.u32 s3, s0;
	s1 =	sshll.u32 s1, $0x11  }
0xc0: {  	s0 =	sor.u32 s1, s0  }
0xc1: {  	s0 =	sadd.s32 $0x8F2B, s0  }
0xc2: {  	[sflag:s0] =	ssyncadd.remote.s32 $0x1  }
0xc3: {  	_ =	sfence.sel $0xFFFF  }
0xc4: {  	[dreg:$0x0] =	wrdreg $0xFFFFFFFF;
	(pc) =	sbr.abs _section_cstart, $3  }
0xc5: {  	[dreg:$0x1] =	wrdreg $0xFFFFFFFF  }
0xc6: {  	_ =	task.clear_ibuf [dreg:s10], $0x2FFFF;
	_ =	strace $0x9FFFFFFF  }
0xc7: {  	(tm) =	ssettm $0x7FFFFFFF  }
tec
execute0_lowered:
.L_overlay_start_1:
0x0: {  	(tag) =	ssettag $0x1  }
0x1: {  	s0 =	rddreg [dreg:$0x0]  }
0x2: {  	s1 =	rddreg [dreg:$0x1]  }
0x3: {  	s2 =	srdreg.scid;
	s4 =	stileid.u32  }
0x4: {  	s3 =	rddreg [dreg:$0x3];
	s18 =	simm.s32 $0x1080;
	s19 =	simm.s32 $0x5080  }
0x5: {  	s20 =	simm.s32 $0x9080;
	s21 =	simm.s32 $0xD080;
	s28 =	simm.s32 $0x3  }
0x6: {  	s29 =	simm.s32 $0x4;
	s30 =	simm.s32 $0x5;
	s31 =	simm.s32 $0x6  }
0x7: {  	s2 =	sand.u32 $0x1, s2;
	s5 =	sshll.u32 s4, $0x1;
	s4 =	simm.s32 $0x0  }
0x8: {  	s12 =	sadd.s32 $0x800, s3;
	s14 =	sadd.s32 $0x1000, s3;
	s16 =	sadd.s32 $0x1800, s3  }
0x9: {  	s6 =	sor.u32 s2, s5;
	[smem:$0x7FF] =	sst s4;
	s2 =	ssub.s32 $0x2, s2  }
0xa: {  	s5 =	sshll.u32 s6, $0xD;
	_ =	strace $0x80000047;
	s7 =	sshrl.u32 s2, $0x1  }
0xb: {  	s25 =	sshll.u32 s6, $0x2;
	s8 =	sadd.s32 s0, s5;
	s23 =	ssub.s32 s2, s7  }
0xc: {  	s1 =	sadd.s32 s1, s25;
	s2 =	simm.s32 $0x9;
	s24 =	sadd.s32 $0x800, s8  }
0xd: {  	s26 =	sadd.s32 $0x1000, s8;
	s9 =	sadd.s32 $0x1800, s8;
	[dreg:$0x8] =	wrdreg s1  }
0xe: {  	s11 =	sadd.s32 $0x40000, s8;
	s13 =	sadd.s32 $0x40800, s8;
	[dreg:$0x5] =	wrdreg s8  }
0xf: {  	s15 =	sadd.s32 $0x41000, s8;
	s0 =	smax.u32 s23, $0x1;
	[dreg:$0x6] =	wrdreg s24  }
0x10: {  	s1 =	simm.s32 $0x7;
	s23 =	simm.s32 $0x0;
	[dreg:$0x7] =	wrdreg s26  }
0x11: {  	[dreg:$0x9] =	wrdreg s0;
	s26 =	simm.s32 $0x2;
	s0 =	simm.s32 $0x8  }
.LBB2_1:
0x12: {  	s6 =	rddreg [dreg:$0x5]  }
0x13: {  	[tilespmem:s18], [sflag:$0x2] =	stream.linear.gather [hbm4b:s6+s4], $0x4000, $0x38;
	[tilespmem:$0x11080] =	vst v63  }
0x14: {  	s10 =	rddreg [dreg:$0x6]  }
0x15: {  	[tilespmem:s19], [sflag:$0x3] =	stream.linear.gather [hbm4b:s10+s4], $0x4000, $0x38;
	[tilespmem:$0x11080] =	vst v63  }
0x16: {  	s17 =	rddreg [dreg:$0x7]  }
0x17: {  	[tilespmem:s20], [sflag:$0x4] =	stream.linear.gather [hbm4b:s17+s4], $0x4000, $0x38;
	[tilespmem:$0x11080] =	vst v63  }
0x18: {  	_ = 	snop  }
0x19: {  	[tilespmem:s21], [sflag:$0x5] =	stream.linear.gather [hbm4b:s9+s4], $0x4000, $0x38;
	[tilespmem:$0x11080] =	vst v63  }
0x1a: {  	s22 =	rddreg [dreg:$0x8];
	s24 =	simm.s32 $0xA  }
0x1b: {  	[tilespmem:s4], [sflag:$0xA] =	stream.linear.gather [hbm4b:s22+s4], $0x20, $0x38;
	[tilespmem:$0x11080] =	vst v63  }
0x1c: {  	_ =	swait.ge [sflag:s24], $0x20  }
0x1d: {  	[sflag:s24] =	ssyncset.done $0x0  }
0x1e: {  	s7 =	simm.s32 $0x20;
	[sflag:s24] =	ssyncadd.s32 $0xFFFFFFE0  }
0x1f: {  	s8 =	simm.s32 $0x80;
	s25 =	simm.s32 $0x1;
	s6 =	rddreg [dreg:$0x2]  }
0x20: {  	[tilespmem:s8], [sflag:$0x1] =	stream.indirect.gather [hbm4b:s6+s7], $0x80, s4, s7, $0xb8;
	[tilespmem:$0x11080] =	vst v63  }
0x21: {  	_ =	swait.ge [sflag:s25], $0x1000  }
0x22: {  	[sflag:s25] =	ssyncset.done $0x0  }
0x23: {  	s24 =	simm.s32 $0x0;
	[sflag:s25] =	ssyncadd.s32 $0xFFFFF000  }
.LBB2_2:
0x24: {  	p0 =	seq.s32 s24, $0x0  }
0x25: {  	s6 =	simm.s32 @!p0 $0x9  }
0x26: {  	_ =	swait.ge @!p0 [sflag:s6], $0x4000  }
0x27: {  	[sflag:s6] =	ssyncset.done @!p0 $0x0  }
0x28: {  	[sflag:s6] =	ssyncadd.s32 @!p0 $0xFFFFC000;
	s6 =	sshll.u32 @!p0 s24, $0x12  }
0x29: {  	s7 =	simm.s32 @!p0 $0x0;
	s8 =	simm.s32 @!p0 $0xD080;
	s6 =	sadd.s32 @!p0 s6, s9  }
0x2a: {  	[tilespmem:s8], [sflag:$0x5] =	stream.linear.gather @!p0 [hbm4b:s6+s7], $0x4000, $0x38;
	[tilespmem:$0x11080] =	vst v63  }
0x2b: {  	_ =	swait.ge [sflag:s26], $0x4000  }
0x2c: {  	[sflag:s26] =	ssyncset.done $0x0  }
0x2d: {  	s7 =	simm.s32 $0x0;
	s8 =	simm.s32 $0x1180;
	[sflag:s26] =	ssyncadd.s32 $0xFFFFC000  }
.LBB2_3:
0x2e: {  	v8 =	vld [tilespmem:s8+$0xFFFFFF00]  }
0x2f: {  	v9 =	vld [tilespmem:s8+$0xFFFFFF10]  }
0x30: {  	v10 =	vld [tilespmem:s8+$0xFFFFFF20]  }
0x31: {  	v11 =	vld [tilespmem:s8+$0xFFFFFF30]  }
0x32: {  	v12 =	vld [tilespmem:s8+$0xFFFFFF40]  }
0x33: {  	s6 =	sshll.u32 s7, $0x7;
	v13 =	vld [tilespmem:s8+$0xFFFFFF50]  }
0x34: {  	v14 =	vld [tilespmem:s8+$0xFFFFFF60];
	s6 =	sand.u32 $0x3FFFFF80, s6  }
0x35: {  	v2 =	vld [tilespmem:s6+$0x80]  }
0x36: {  	v4 =	vld [tilespmem:s6+$0x90]  }
0x37: {  	v6 =	vld [tilespmem:s6+$0xA0]  }
0x38: {  	v7 =	vld [tilespmem:s6+$0xB0]  }
0x39: {  	v5 =	vld [tilespmem:s6+$0xC0]  }
0x3a: {  	v3 =	vld [tilespmem:s6+$0xD0]  }
0x3b: {  	v1 =	vld [tilespmem:s6+$0xE0];
	v8 =	vadd.f32 v8, v2  }
0x3c: {  	v0 =	vld [tilespmem:s6+$0xF0];
	v9 =	vadd.f32 v9, v4  }
0x3d: {  	[tilespmem:s8+$0xFFFFFF00] =	vst v8;
	v8 =	vadd.f32 v10, v6;
	v10 =	vld [tilespmem:s8+$0xFFFFFF70]  }
0x3e: {  	[tilespmem:s8+$0xFFFFFF10] =	vst v9;
	v9 =	vadd.f32 v11, v7;
	v11 =	vld [tilespmem:s8+$0xFFFFFF80]  }
0x3f: {  	[tilespmem:s8+$0xFFFFFF20] =	vst v8;
	v8 =	vadd.f32 v12, v5;
	v12 =	vld [tilespmem:s8+$0xFFFFFF90]  }
0x40: {  	[tilespmem:s8+$0xFFFFFF30] =	vst v9;
	v9 =	vadd.f32 v13, v3;
	v13 =	vld [tilespmem:s8+$0xFFFFFFA0]  }
0x41: {  	[tilespmem:s8+$0xFFFFFF40] =	vst v8;
	v8 =	vadd.f32 v14, v1;
	v14 =	vld [tilespmem:s8+$0xFFFFFFB0]  }
0x42: {  	[tilespmem:s8+$0xFFFFFF50] =	vst v9;
	v9 =	vadd.f32 v10, v0;
	v10 =	vld [tilespmem:s8+$0xFFFFFFC0]  }
0x43: {  	[tilespmem:s8+$0xFFFFFF60] =	vst v8;
	v8 =	vadd.f32 v11, v2;
	v11 =	vld [tilespmem:s8+$0xFFFFFFD0]  }
0x44: {  	[tilespmem:s8+$0xFFFFFF70] =	vst v9;
	v9 =	vadd.f32 v12, v4;
	v12 =	vld [tilespmem:s8+$0xFFFFFFE0]  }
0x45: {  	[tilespmem:s8+$0xFFFFFF80] =	vst v8;
	v8 =	vadd.f32 v13, v6;
	v13 =	vld [tilespmem:s8+$0x0]  }
0x46: {  	[tilespmem:s8+$0xFFFFFF90] =	vst v9;
	v9 =	vadd.f32 v14, v7;
	v14 =	vld [tilespmem:s8+$0x10]  }
0x47: {  	[tilespmem:s8+$0xFFFFFFA0] =	vst v8;
	v8 =	vadd.f32 v10, v5;
	v10 =	vld [tilespmem:s8+$0x20]  }
0x48: {  	[tilespmem:s8+$0xFFFFFFB0] =	vst v9;
	v9 =	vadd.f32 v11, v3;
	v11 =	vld [tilespmem:s8+$0x30]  }
0x49: {  	[tilespmem:s8+$0xFFFFFFC0] =	vst v8;
	v8 =	vadd.f32 v12, v1;
	v12 =	vld [tilespmem:s8+$0x40]  }
0x4a: {  	[tilespmem:s8+$0xFFFFFFD0] =	vst v9;
	v9 =	vadd.f32 v13, v2;
	v13 =	vld [tilespmem:s8+$0x50]  }
0x4b: {  	[tilespmem:s8+$0xFFFFFFE0] =	vst v8;
	v8 =	vadd.f32 v14, v4;
	v14 =	vld [tilespmem:s8+$0x60]  }
0x4c: {  	[tilespmem:s8+$0x0] =	vst v9;
	v9 =	vadd.f32 v10, v6;
	v10 =	vld [tilespmem:s8+$0x70]  }
0x4d: {  	[tilespmem:s8+$0x10] =	vst v8;
	v8 =	vadd.f32 v11, v7;
	v11 =	vld [tilespmem:s8+$0x80]  }
0x4e: {  	[tilespmem:s8+$0x20] =	vst v9;
	v9 =	vadd.f32 v12, v5;
	v12 =	vld [tilespmem:s8+$0x90]  }
0x4f: {  	[tilespmem:s8+$0x30] =	vst v8;
	v8 =	vadd.f32 v13, v3;
	v13 =	vld [tilespmem:s8+$0xA0]  }
0x50: {  	[tilespmem:s8+$0x40] =	vst v9;
	v9 =	vadd.f32 v14, v1;
	v14 =	vld [tilespmem:s8+$0xB0]  }
0x51: {  	[tilespmem:s8+$0x50] =	vst v8;
	v10 =	vadd.f32 v10, v0;
	v8 =	vld [tilespmem:s8+$0xC0]  }
0x52: {  	[tilespmem:s8+$0x60] =	vst v9;
	v11 =	vadd.f32 v11, v2;
	v9 =	vld [tilespmem:s8+$0xD0]  }
0x53: {  	[tilespmem:s8+$0x70] =	vst v10;
	v15 =	vadd.f32 v12, v4;
	v10 =	vld [tilespmem:s8+$0xE0]  }
0x54: {  	[tilespmem:s8+$0x80] =	vst v11;
	v11 =	vld [tilespmem:s8+$0xF0];
	v13 =	vadd.f32 v13, v6  }
0x55: {  	s17 =	sadd.s32 $0x200, s8;
	s10 =	smov.u32 s8;
	s6 =	simm.s32 $0x0;
	v12 =	vld [tilespmem:s8+$0xFFFFFFF0];
	[tilespmem:s8+$0x90] =	vst v15;
	v14 =	vadd.f32 v14, v7  }
.LBB2_4:
0x56: {  	v15 =	vld [tilespmem:s17+$0xFFFFFF00];
	[tilespmem:s10+$0xA0] =	vst v13;
	v8 =	vadd.f32 v8, v5  }
0x57: {  	v13 =	vld [tilespmem:s17+$0xFFFFFF10];
	[tilespmem:s10+$0xB0] =	vst v14;
	v9 =	vadd.f32 v9, v3  }
0x58: {  	v14 =	vld [tilespmem:s17+$0xFFFFFF20];
	[tilespmem:s10+$0xC0] =	vst v8;
	v8 =	vadd.f32 v10, v1  }
0x59: {  	v10 =	vld [tilespmem:s17+$0xFFFFFF30];
	[tilespmem:s10+$0xD0] =	vst v9;
	v9 =	vadd.f32 v11, v0  }
0x5a: {  	v11 =	vld [tilespmem:s17+$0xFFFFFF40];
	v12 =	vadd.f32 v12, v0;
	[tilespmem:s10+$0xE0] =	vst v8  }
0x5b: {  	v8 =	vadd.f32 v15, v2;
	v15 =	vld [tilespmem:s17+$0xFFFFFF50];
	[tilespmem:s10+$0xF0] =	vst v9  }
0x5c: {  	v9 =	vadd.f32 v13, v4;
	v13 =	vld [tilespmem:s17+$0xFFFFFF60];
	[tilespmem:s10+$0xFFFFFFF0] =	vst v12;
	s10 =	smov.u32 s17  }
0x5d: {  	[tilespmem:s17+$0xFFFFFF00] =	vst v8;
	v8 =	vadd.f32 v14, v6;
	v12 =	vld [tilespmem:s17+$0xFFFFFF70]  }
0x5e: {  	[tilespmem:s17+$0xFFFFFF10] =	vst v9;
	v9 =	vadd.f32 v10, v7;
	v10 =	vld [tilespmem:s17+$0xFFFFFF80]  }
0x5f: {  	[tilespmem:s17+$0xFFFFFF20] =	vst v8;
	v8 =	vadd.f32 v11, v5;
	v11 =	vld [tilespmem:s17+$0xFFFFFF90]  }
0x60: {  	[tilespmem:s17+$0xFFFFFF30] =	vst v9;
	v9 =	vadd.f32 v15, v3;
	v14 =	vld [tilespmem:s17+$0xFFFFFFA0]  }
0x61: {  	[tilespmem:s17+$0xFFFFFF40] =	vst v8;
	v8 =	vadd.f32 v13, v1;
	v13 =	vld [tilespmem:s17+$0xFFFFFFB0]  }
0x62: {  	[tilespmem:s17+$0xFFFFFF50] =	vst v9;
	v9 =	vadd.f32 v12, v0;
	v12 =	vld [tilespmem:s17+$0xFFFFFFC0]  }
0x63: {  	[tilespmem:s17+$0xFFFFFF60] =	vst v8;
	v8 =	vadd.f32 v10, v2;
	v10 =	vld [tilespmem:s17+$0xFFFFFFD0]  }
0x64: {  	[tilespmem:s17+$0xFFFFFF70] =	vst v9;
	v9 =	vadd.f32 v11, v4;
	v11 =	vld [tilespmem:s17+$0xFFFFFFE0]  }
0x65: {  	[tilespmem:s17+$0xFFFFFF80] =	vst v8;
	v8 =	vadd.f32 v14, v6;
	v14 =	vld [tilespmem:s17+$0x0]  }
0x66: {  	[tilespmem:s17+$0xFFFFFF90] =	vst v9;
	v9 =	vadd.f32 v13, v7;
	v13 =	vld [tilespmem:s17+$0x10]  }
0x67: {  	[tilespmem:s17+$0xFFFFFFA0] =	vst v8;
	v8 =	vadd.f32 v12, v5;
	v12 =	vld [tilespmem:s17+$0x20]  }
0x68: {  	[tilespmem:s17+$0xFFFFFFB0] =	vst v9;
	v9 =	vadd.f32 v10, v3;
	v10 =	vld [tilespmem:s17+$0x30]  }
0x69: {  	[tilespmem:s17+$0xFFFFFFC0] =	vst v8;
	v8 =	vadd.f32 v11, v1;
	v11 =	vld [tilespmem:s17+$0x40]  }
0x6a: {  	[tilespmem:s17+$0xFFFFFFD0] =	vst v9;
	v9 =	vadd.f32 v14, v2;
	v14 =	vld [tilespmem:s17+$0x50]  }
0x6b: {  	[tilespmem:s17+$0xFFFFFFE0] =	vst v8;
	v8 =	vadd.f32 v13, v4;
	v13 =	vld [tilespmem:s17+$0x60]  }
0x6c: {  	[tilespmem:s17+$0x0] =	vst v9;
	v9 =	vadd.f32 v12, v6;
	v12 =	vld [tilespmem:s17+$0x70]  }
0x6d: {  	[tilespmem:s17+$0x10] =	vst v8;
	v8 =	vadd.f32 v10, v7;
	v10 =	vld [tilespmem:s17+$0x80]  }
0x6e: {  	[tilespmem:s17+$0x20] =	vst v9;
	v9 =	vadd.f32 v11, v5;
	v11 =	vld [tilespmem:s17+$0x90]  }
0x6f: {  	s6 =	sadd.s32 $0x4, s6;
	[tilespmem:s17+$0x30] =	vst v8;
	v8 =	vadd.f32 v14, v3;
	v14 =	vld [tilespmem:s17+$0xA0]  }
0x70: {  	p0 =	slt.u32 s6, $0xC;
	[tilespmem:s17+$0x40] =	vst v9;
	v9 =	vadd.f32 v13, v1;
	v15 =	vld [tilespmem:s17+$0xB0]  }
.Ltmp0:
0x71: {  	[tilespmem:s17+$0x50] =	vst v8;
	v12 =	vadd.f32 v12, v0;
	v8 =	vld [tilespmem:s17+$0xC0];
	(pc) =	sbr.rel @p0 .LBB2_4-.Ltmp0, $4  }
0x72: {  	[tilespmem:s17+$0x60] =	vst v9;
	v13 =	vadd.f32 v10, v2;
	v9 =	vld [tilespmem:s17+$0xD0]  }
0x73: {  	[tilespmem:s17+$0x70] =	vst v12;
	v16 =	vadd.f32 v11, v4;
	v10 =	vld [tilespmem:s17+$0xE0]  }
0x74: {  	[tilespmem:s17+$0x80] =	vst v13;
	v13 =	vadd.f32 v14, v6;
	v11 =	vld [tilespmem:s17+$0xF0]  }
0x75: {  	s17 =	sadd.s32 $0x200, s17;
	v12 =	vld [tilespmem:s10+$0xFFFFFFF0];
	[tilespmem:s10+$0x90] =	vst v16;
	v14 =	vadd.f32 v15, v7  }
0x76: {  	[tilespmem:s10+$0xA0] =	vst v13;
	v2 =	vadd.f32 v8, v5;
	s7 =	sadd.s32 $0x1, s7  }
0x77: {  	[tilespmem:s10+$0xB0] =	vst v14;
	v3 =	vadd.f32 v9, v3;
	p0 =	sne.s32 s7, $0x8  }
.Ltmp1:
0x78: {  	[tilespmem:s10+$0xC0] =	vst v2;
	v1 =	vadd.f32 v10, v1;
	(pc) =	sbr.rel @p0 .LBB2_3-.Ltmp1, $4  }
0x79: {  	[tilespmem:s10+$0xD0] =	vst v3;
	v62 =	vadd.f32 v11, v0  }
0x7a: {  	v63 =	vadd.f32 v12, v0;
	[tilespmem:s10+$0xE0] =	vst v1  }
0x7b: {  	[tilespmem:s10+$0xF0] =	vst v62  }
0x7c: {  	s8 =	sadd.s32 $0x800, s8;
	[tilespmem:s10+$0xFFFFFFF0] =	vst v63  }
0x7d: {  	s8 =	sshll.u32 s24, $0x12  }
0x7e: {  	s7 =	sor.u32 s5, s8  }
0x7f: {  	p0 =	seq.s32 s24, $0x3;
	s6 =	sadd.s32 s3, s7  }
0x80: {  	[hbm4b:s6+s4] =	stream.linear.scatter [tilespmem:s18], [sflag:$0x6], $0x4000, $0x38;
	[tilespmem:$0x11080] =	vst v63  }
0x81: {  	s6 =	simm.s32 @!p0 $0x6  }
0x82: {  	_ =	swait.ge @!p0 [sflag:s6], $0x4000  }
0x83: {  	s10 =	simm.s32 @!p0 $0x0;
	[sflag:s6] =	ssyncset.done @!p0 $0x0  }
0x84: {  	s17 =	simm.s32 @!p0 $0x1080;
	[sflag:s6] =	ssyncadd.s32 @!p0 $0xFFFFC000;
	s6 =	sadd.s32 @!p0 s8, s11  }
0x85: {  	[tilespmem:s17], [sflag:$0x2] =	stream.linear.gather @!p0 [hbm4b:s6+s10], $0x4000, $0x38;
	[tilespmem:$0x11080] =	vst v63  }
0x86: {  	_ =	swait.ge [sflag:s28], $0x4000  }
0x87: {  	[sflag:s28] =	ssyncset.done $0x0  }
0x88: {  	s10 =	simm.s32 $0x0;
	s6 =	simm.s32 $0x5180;
	[sflag:s28] =	ssyncadd.s32 $0xFFFFC000  }
.LBB2_7:
0x89: {  	v8 =	vld [tilespmem:s6+$0xFFFFFF00]  }
0x8a: {  	v9 =	vld [tilespmem:s6+$0xFFFFFF10]  }
0x8b: {  	v10 =	vld [tilespmem:s6+$0xFFFFFF20]  }
0x8c: {  	v11 =	vld [tilespmem:s6+$0xFFFFFF30]  }
0x8d: {  	v12 =	vld [tilespmem:s6+$0xFFFFFF40]  }
0x8e: {  	s17 =	sshll.u32 s10, $0x7;
	v13 =	vld [tilespmem:s6+$0xFFFFFF50]  }
0x8f: {  	v14 =	vld [tilespmem:s6+$0xFFFFFF60];
	s17 =	sand.u32 $0x3FFFFF80, s17  }
0x90: {  	v2 =	vld [tilespmem:s17+$0x480]  }
0x91: {  	v4 =	vld [tilespmem:s17+$0x490]  }
0x92: {  	v6 =	vld [tilespmem:s17+$0x4A0]  }
0x93: {  	v7 =	vld [tilespmem:s17+$0x4B0]  }
0x94: {  	v5 =	vld [tilespmem:s17+$0x4C0]  }
0x95: {  	v3 =	vld [tilespmem:s17+$0x4D0]  }
0x96: {  	v1 =	vld [tilespmem:s17+$0x4E0];
	v8 =	vadd.f32 v8, v2  }
0x97: {  	v0 =	vld [tilespmem:s17+$0x4F0];
	v9 =	vadd.f32 v9, v4  }
0x98: {  	[tilespmem:s6+$0xFFFFFF00] =	vst v8;
	v8 =	vadd.f32 v10, v6;
	v10 =	vld [tilespmem:s6+$0xFFFFFF70]  }
0x99: {  	[tilespmem:s6+$0xFFFFFF10] =	vst v9;
	v9 =	vadd.f32 v11, v7;
	v11 =	vld [tilespmem:s6+$0xFFFFFF80]  }
0x9a: {  	[tilespmem:s6+$0xFFFFFF20] =	vst v8;
	v8 =	vadd.f32 v12, v5;
	v12 =	vld [tilespmem:s6+$0xFFFFFF90]  }
0x9b: {  	[tilespmem:s6+$0xFFFFFF30] =	vst v9;
	v9 =	vadd.f32 v13, v3;
	v13 =	vld [tilespmem:s6+$0xFFFFFFA0]  }
0x9c: {  	[tilespmem:s6+$0xFFFFFF40] =	vst v8;
	v8 =	vadd.f32 v14, v1;
	v14 =	vld [tilespmem:s6+$0xFFFFFFB0]  }
0x9d: {  	[tilespmem:s6+$0xFFFFFF50] =	vst v9;
	v9 =	vadd.f32 v10, v0;
	v10 =	vld [tilespmem:s6+$0xFFFFFFC0]  }
0x9e: {  	[tilespmem:s6+$0xFFFFFF60] =	vst v8;
	v8 =	vadd.f32 v11, v2;
	v11 =	vld [tilespmem:s6+$0xFFFFFFD0]  }
0x9f: {  	[tilespmem:s6+$0xFFFFFF70] =	vst v9;
	v9 =	vadd.f32 v12, v4;
	v12 =	vld [tilespmem:s6+$0xFFFFFFE0]  }
0xa0: {  	[tilespmem:s6+$0xFFFFFF80] =	vst v8;
	v8 =	vadd.f32 v13, v6;
	v13 =	vld [tilespmem:s6+$0x0]  }
0xa1: {  	[tilespmem:s6+$0xFFFFFF90] =	vst v9;
	v9 =	vadd.f32 v14, v7;
	v14 =	vld [tilespmem:s6+$0x10]  }
0xa2: {  	[tilespmem:s6+$0xFFFFFFA0] =	vst v8;
	v8 =	vadd.f32 v10, v5;
	v10 =	vld [tilespmem:s6+$0x20]  }
0xa3: {  	[tilespmem:s6+$0xFFFFFFB0] =	vst v9;
	v9 =	vadd.f32 v11, v3;
	v11 =	vld [tilespmem:s6+$0x30]  }
0xa4: {  	[tilespmem:s6+$0xFFFFFFC0] =	vst v8;
	v8 =	vadd.f32 v12, v1;
	v12 =	vld [tilespmem:s6+$0x40]  }
0xa5: {  	[tilespmem:s6+$0xFFFFFFD0] =	vst v9;
	v9 =	vadd.f32 v13, v2;
	v13 =	vld [tilespmem:s6+$0x50]  }
0xa6: {  	[tilespmem:s6+$0xFFFFFFE0] =	vst v8;
	v8 =	vadd.f32 v14, v4;
	v14 =	vld [tilespmem:s6+$0x60]  }
0xa7: {  	[tilespmem:s6+$0x0] =	vst v9;
	v9 =	vadd.f32 v10, v6;
	v10 =	vld [tilespmem:s6+$0x70]  }
0xa8: {  	[tilespmem:s6+$0x10] =	vst v8;
	v8 =	vadd.f32 v11, v7;
	v11 =	vld [tilespmem:s6+$0x80]  }
0xa9: {  	[tilespmem:s6+$0x20] =	vst v9;
	v9 =	vadd.f32 v12, v5;
	v12 =	vld [tilespmem:s6+$0x90]  }
0xaa: {  	[tilespmem:s6+$0x30] =	vst v8;
	v8 =	vadd.f32 v13, v3;
	v13 =	vld [tilespmem:s6+$0xA0]  }
0xab: {  	[tilespmem:s6+$0x40] =	vst v9;
	v9 =	vadd.f32 v14, v1;
	v14 =	vld [tilespmem:s6+$0xB0]  }
0xac: {  	[tilespmem:s6+$0x50] =	vst v8;
	v10 =	vadd.f32 v10, v0;
	v8 =	vld [tilespmem:s6+$0xC0]  }
0xad: {  	[tilespmem:s6+$0x60] =	vst v9;
	v11 =	vadd.f32 v11, v2;
	v9 =	vld [tilespmem:s6+$0xD0]  }
0xae: {  	[tilespmem:s6+$0x70] =	vst v10;
	v15 =	vadd.f32 v12, v4;
	v10 =	vld [tilespmem:s6+$0xE0]  }
0xaf: {  	[tilespmem:s6+$0x80] =	vst v11;
	v11 =	vld [tilespmem:s6+$0xF0];
	v13 =	vadd.f32 v13, v6  }
0xb0: {  	s22 =	simm.s32 $0x0;
	s25 =	sadd.s32 $0x200, s6;
	s17 =	smov.u32 s6;
	v12 =	vld [tilespmem:s6+$0xFFFFFFF0];
	[tilespmem:s6+$0x90] =	vst v15;
	v14 =	vadd.f32 v14, v7  }
.LBB2_8:
0xb1: {  	v15 =	vld [tilespmem:s25+$0xFFFFFF00];
	[tilespmem:s17+$0xA0] =	vst v13;
	v8 =	vadd.f32 v8, v5  }
0xb2: {  	v13 =	vld [tilespmem:s25+$0xFFFFFF10];
	[tilespmem:s17+$0xB0] =	vst v14;
	v9 =	vadd.f32 v9, v3  }
0xb3: {  	v14 =	vld [tilespmem:s25+$0xFFFFFF20];
	[tilespmem:s17+$0xC0] =	vst v8;
	v8 =	vadd.f32 v10, v1  }
0xb4: {  	v10 =	vld [tilespmem:s25+$0xFFFFFF30];
	[tilespmem:s17+$0xD0] =	vst v9;
	v9 =	vadd.f32 v11, v0  }
0xb5: {  	v11 =	vld [tilespmem:s25+$0xFFFFFF40];
	v12 =	vadd.f32 v12, v0;
	[tilespmem:s17+$0xE0] =	vst v8  }
0xb6: {  	v8 =	vadd.f32 v15, v2;
	v15 =	vld [tilespmem:s25+$0xFFFFFF50];
	[tilespmem:s17+$0xF0] =	vst v9  }
0xb7: {  	v9 =	vadd.f32 v13, v4;
	v13 =	vld [tilespmem:s25+$0xFFFFFF60];
	[tilespmem:s17+$0xFFFFFFF0] =	vst v12;
	s17 =	smov.u32 s25  }
0xb8: {  	[tilespmem:s25+$0xFFFFFF00] =	vst v8;
	v8 =	vadd.f32 v14, v6;
	v12 =	vld [tilespmem:s25+$0xFFFFFF70]  }
0xb9: {  	[tilespmem:s25+$0xFFFFFF10] =	vst v9;
	v9 =	vadd.f32 v10, v7;
	v10 =	vld [tilespmem:s25+$0xFFFFFF80]  }
0xba: {  	[tilespmem:s25+$0xFFFFFF20] =	vst v8;
	v8 =	vadd.f32 v11, v5;
	v11 =	vld [tilespmem:s25+$0xFFFFFF90]  }
0xbb: {  	[tilespmem:s25+$0xFFFFFF30] =	vst v9;
	v9 =	vadd.f32 v15, v3;
	v14 =	vld [tilespmem:s25+$0xFFFFFFA0]  }
0xbc: {  	[tilespmem:s25+$0xFFFFFF40] =	vst v8;
	v8 =	vadd.f32 v13, v1;
	v13 =	vld [tilespmem:s25+$0xFFFFFFB0]  }
0xbd: {  	[tilespmem:s25+$0xFFFFFF50] =	vst v9;
	v9 =	vadd.f32 v12, v0;
	v12 =	vld [tilespmem:s25+$0xFFFFFFC0]  }
0xbe: {  	[tilespmem:s25+$0xFFFFFF60] =	vst v8;
	v8 =	vadd.f32 v10, v2;
	v10 =	vld [tilespmem:s25+$0xFFFFFFD0]  }
0xbf: {  	[tilespmem:s25+$0xFFFFFF70] =	vst v9;
	v9 =	vadd.f32 v11, v4;
	v11 =	vld [tilespmem:s25+$0xFFFFFFE0]  }
0xc0: {  	[tilespmem:s25+$0xFFFFFF80] =	vst v8;
	v8 =	vadd.f32 v14, v6;
	v14 =	vld [tilespmem:s25+$0x0]  }
0xc1: {  	[tilespmem:s25+$0xFFFFFF90] =	vst v9;
	v9 =	vadd.f32 v13, v7;
	v13 =	vld [tilespmem:s25+$0x10]  }
0xc2: {  	[tilespmem:s25+$0xFFFFFFA0] =	vst v8;
	v8 =	vadd.f32 v12, v5;
	v12 =	vld [tilespmem:s25+$0x20]  }
0xc3: {  	[tilespmem:s25+$0xFFFFFFB0] =	vst v9;
	v9 =	vadd.f32 v10, v3;
	v10 =	vld [tilespmem:s25+$0x30]  }
0xc4: {  	[tilespmem:s25+$0xFFFFFFC0] =	vst v8;
	v8 =	vadd.f32 v11, v1;
	v11 =	vld [tilespmem:s25+$0x40]  }
0xc5: {  	[tilespmem:s25+$0xFFFFFFD0] =	vst v9;
	v9 =	vadd.f32 v14, v2;
	v14 =	vld [tilespmem:s25+$0x50]  }
0xc6: {  	[tilespmem:s25+$0xFFFFFFE0] =	vst v8;
	v8 =	vadd.f32 v13, v4;
	v13 =	vld [tilespmem:s25+$0x60]  }
0xc7: {  	[tilespmem:s25+$0x0] =	vst v9;
	v9 =	vadd.f32 v12, v6;
	v12 =	vld [tilespmem:s25+$0x70]  }
0xc8: {  	[tilespmem:s25+$0x10] =	vst v8;
	v8 =	vadd.f32 v10, v7;
	v10 =	vld [tilespmem:s25+$0x80]  }
0xc9: {  	[tilespmem:s25+$0x20] =	vst v9;
	v9 =	vadd.f32 v11, v5;
	v11 =	vld [tilespmem:s25+$0x90]  }
0xca: {  	s22 =	sadd.s32 $0x4, s22;
	[tilespmem:s25+$0x30] =	vst v8;
	v8 =	vadd.f32 v14, v3;
	v14 =	vld [tilespmem:s25+$0xA0]  }
0xcb: {  	p1 =	slt.u32 s22, $0xC;
	[tilespmem:s25+$0x40] =	vst v9;
	v9 =	vadd.f32 v13, v1;
	v15 =	vld [tilespmem:s25+$0xB0]  }
.Ltmp2:
0xcc: {  	[tilespmem:s25+$0x50] =	vst v8;
	v12 =	vadd.f32 v12, v0;
	v8 =	vld [tilespmem:s25+$0xC0];
	(pc) =	sbr.rel @p1 .LBB2_8-.Ltmp2, $4  }
0xcd: {  	[tilespmem:s25+$0x60] =	vst v9;
	v13 =	vadd.f32 v10, v2;
	v9 =	vld [tilespmem:s25+$0xD0]  }
0xce: {  	[tilespmem:s25+$0x70] =	vst v12;
	v16 =	vadd.f32 v11, v4;
	v10 =	vld [tilespmem:s25+$0xE0]  }
0xcf: {  	[tilespmem:s25+$0x80] =	vst v13;
	v13 =	vadd.f32 v14, v6;
	v11 =	vld [tilespmem:s25+$0xF0]  }
0xd0: {  	s25 =	sadd.s32 $0x200, s25;
	v12 =	vld [tilespmem:s17+$0xFFFFFFF0];
	[tilespmem:s17+$0x90] =	vst v16;
	v14 =	vadd.f32 v15, v7  }
0xd1: {  	[tilespmem:s17+$0xA0] =	vst v13;
	v2 =	vadd.f32 v8, v5;
	s10 =	sadd.s32 $0x1, s10  }
0xd2: {  	[tilespmem:s17+$0xB0] =	vst v14;
	v3 =	vadd.f32 v9, v3;
	p1 =	sne.s32 s10, $0x8  }
.Ltmp3:
0xd3: {  	[tilespmem:s17+$0xC0] =	vst v2;
	v1 =	vadd.f32 v10, v1;
	(pc) =	sbr.rel @p1 .LBB2_7-.Ltmp3, $4  }
0xd4: {  	[tilespmem:s17+$0xD0] =	vst v3;
	v62 =	vadd.f32 v11, v0  }
0xd5: {  	v63 =	vadd.f32 v12, v0;
	[tilespmem:s17+$0xE0] =	vst v1  }
0xd6: {  	[tilespmem:s17+$0xF0] =	vst v62  }
0xd7: {  	s6 =	sadd.s32 $0x800, s6;
	[tilespmem:s17+$0xFFFFFFF0] =	vst v63  }
0xd8: {  	s6 =	sadd.s32 s7, s12  }
0xd9: {  	[hbm4b:s6+s4] =	stream.linear.scatter [tilespmem:s19], [sflag:$0x7], $0x4000, $0x38;
	[tilespmem:$0x11080] =	vst v63  }
0xda: {  	s6 =	simm.s32 @!p0 $0x7  }
0xdb: {  	_ =	swait.ge @!p0 [sflag:s6], $0x4000  }
0xdc: {  	s10 =	simm.s32 @!p0 $0x0;
	[sflag:s6] =	ssyncset.done @!p0 $0x0  }
0xdd: {  	s17 =	simm.s32 @!p0 $0x5080;
	[sflag:s6] =	ssyncadd.s32 @!p0 $0xFFFFC000;
	s6 =	sadd.s32 @!p0 s8, s13  }
0xde: {  	[tilespmem:s17], [sflag:$0x3] =	stream.linear.gather @!p0 [hbm4b:s6+s10], $0x4000, $0x38;
	[tilespmem:$0x11080] =	vst v63  }
0xdf: {  	_ =	swait.ge [sflag:s29], $0x4000  }
0xe0: {  	[sflag:s29] =	ssyncset.done $0x0  }
0xe1: {  	s10 =	simm.s32 $0x0;
	s17 =	simm.s32 $0x9180;
	[sflag:s29] =	ssyncadd.s32 $0xFFFFC000  }
.LBB2_11:
0xe2: {  	v8 =	vld [tilespmem:s17+$0xFFFFFF00]  }
0xe3: {  	v9 =	vld [tilespmem:s17+$0xFFFFFF10]  }
0xe4: {  	v10 =	vld [tilespmem:s17+$0xFFFFFF20]  }
0xe5: {  	v11 =	vld [tilespmem:s17+$0xFFFFFF30]  }
0xe6: {  	v12 =	vld [tilespmem:s17+$0xFFFFFF40]  }
0xe7: {  	s6 =	sshll.u32 s10, $0x7;
	v13 =	vld [tilespmem:s17+$0xFFFFFF50]  }
0xe8: {  	v14 =	vld [tilespmem:s17+$0xFFFFFF60];
	s6 =	sand.u32 $0x3FFFFF80, s6  }
0xe9: {  	v2 =	vld [tilespmem:s6+$0x880]  }
0xea: {  	v4 =	vld [tilespmem:s6+$0x890]  }
0xeb: {  	v6 =	vld [tilespmem:s6+$0x8A0]  }
0xec: {  	v7 =	vld [tilespmem:s6+$0x8B0]  }
0xed: {  	v5 =	vld [tilespmem:s6+$0x8C0]  }
0xee: {  	v3 =	vld [tilespmem:s6+$0x8D0]  }
0xef: {  	v1 =	vld [tilespmem:s6+$0x8E0];
	v8 =	vadd.f32 v8, v2  }
0xf0: {  	v0 =	vld [tilespmem:s6+$0x8F0];
	v9 =	vadd.f32 v9, v4  }
0xf1: {  	[tilespmem:s17+$0xFFFFFF00] =	vst v8;
	v8 =	vadd.f32 v10, v6;
	v10 =	vld [tilespmem:s17+$0xFFFFFF70]  }
0xf2: {  	[tilespmem:s17+$0xFFFFFF10] =	vst v9;
	v9 =	vadd.f32 v11, v7;
	v11 =	vld [tilespmem:s17+$0xFFFFFF80]  }
0xf3: {  	[tilespmem:s17+$0xFFFFFF20] =	vst v8;
	v8 =	vadd.f32 v12, v5;
	v12 =	vld [tilespmem:s17+$0xFFFFFF90]  }
0xf4: {  	[tilespmem:s17+$0xFFFFFF30] =	vst v9;
	v9 =	vadd.f32 v13, v3;
	v13 =	vld [tilespmem:s17+$0xFFFFFFA0]  }
0xf5: {  	[tilespmem:s17+$0xFFFFFF40] =	vst v8;
	v8 =	vadd.f32 v14, v1;
	v14 =	vld [tilespmem:s17+$0xFFFFFFB0]  }
0xf6: {  	[tilespmem:s17+$0xFFFFFF50] =	vst v9;
	v9 =	vadd.f32 v10, v0;
	v10 =	vld [tilespmem:s17+$0xFFFFFFC0]  }
0xf7: {  	[tilespmem:s17+$0xFFFFFF60] =	vst v8;
	v8 =	vadd.f32 v11, v2;
	v11 =	vld [tilespmem:s17+$0xFFFFFFD0]  }
0xf8: {  	[tilespmem:s17+$0xFFFFFF70] =	vst v9;
	v9 =	vadd.f32 v12, v4;
	v12 =	vld [tilespmem:s17+$0xFFFFFFE0]  }
0xf9: {  	[tilespmem:s17+$0xFFFFFF80] =	vst v8;
	v8 =	vadd.f32 v13, v6;
	v13 =	vld [tilespmem:s17+$0x0]  }
0xfa: {  	[tilespmem:s17+$0xFFFFFF90] =	vst v9;
	v9 =	vadd.f32 v14, v7;
	v14 =	vld [tilespmem:s17+$0x10]  }
0xfb: {  	[tilespmem:s17+$0xFFFFFFA0] =	vst v8;
	v8 =	vadd.f32 v10, v5;
	v10 =	vld [tilespmem:s17+$0x20]  }
0xfc: {  	[tilespmem:s17+$0xFFFFFFB0] =	vst v9;
	v9 =	vadd.f32 v11, v3;
	v11 =	vld [tilespmem:s17+$0x30]  }
0xfd: {  	[tilespmem:s17+$0xFFFFFFC0] =	vst v8;
	v8 =	vadd.f32 v12, v1;
	v12 =	vld [tilespmem:s17+$0x40]  }
0xfe: {  	[tilespmem:s17+$0xFFFFFFD0] =	vst v9;
	v9 =	vadd.f32 v13, v2;
	v13 =	vld [tilespmem:s17+$0x50]  }
0xff: {  	[tilespmem:s17+$0xFFFFFFE0] =	vst v8;
	v8 =	vadd.f32 v14, v4;
	v14 =	vld [tilespmem:s17+$0x60]  }
0x100: {  	[tilespmem:s17+$0x0] =	vst v9;
	v9 =	vadd.f32 v10, v6;
	v10 =	vld [tilespmem:s17+$0x70]  }
0x101: {  	[tilespmem:s17+$0x10] =	vst v8;
	v8 =	vadd.f32 v11, v7;
	v11 =	vld [tilespmem:s17+$0x80]  }
0x102: {  	[tilespmem:s17+$0x20] =	vst v9;
	v9 =	vadd.f32 v12, v5;
	v12 =	vld [tilespmem:s17+$0x90]  }
0x103: {  	[tilespmem:s17+$0x30] =	vst v8;
	v8 =	vadd.f32 v13, v3;
	v13 =	vld [tilespmem:s17+$0xA0]  }
0x104: {  	[tilespmem:s17+$0x40] =	vst v9;
	v9 =	vadd.f32 v14, v1;
	v14 =	vld [tilespmem:s17+$0xB0]  }
0x105: {  	[tilespmem:s17+$0x50] =	vst v8;
	v10 =	vadd.f32 v10, v0;
	v8 =	vld [tilespmem:s17+$0xC0]  }
0x106: {  	[tilespmem:s17+$0x60] =	vst v9;
	v11 =	vadd.f32 v11, v2;
	v9 =	vld [tilespmem:s17+$0xD0]  }
0x107: {  	[tilespmem:s17+$0x70] =	vst v10;
	v15 =	vadd.f32 v12, v4;
	v10 =	vld [tilespmem:s17+$0xE0]  }
0x108: {  	[tilespmem:s17+$0x80] =	vst v11;
	v11 =	vld [tilespmem:s17+$0xF0];
	v13 =	vadd.f32 v13, v6  }
0x109: {  	s22 =	simm.s32 $0x0;
	s25 =	sadd.s32 $0x200, s17;
	s6 =	smov.u32 s17;
	v12 =	vld [tilespmem:s17+$0xFFFFFFF0];
	[tilespmem:s17+$0x90] =	vst v15;
	v14 =	vadd.f32 v14, v7  }
.LBB2_12:
0x10a: {  	v15 =	vld [tilespmem:s25+$0xFFFFFF00];
	[tilespmem:s6+$0xA0] =	vst v13;
	v8 =	vadd.f32 v8, v5  }
0x10b: {  	v13 =	vld [tilespmem:s25+$0xFFFFFF10];
	[tilespmem:s6+$0xB0] =	vst v14;
	v9 =	vadd.f32 v9, v3  }
0x10c: {  	v14 =	vld [tilespmem:s25+$0xFFFFFF20];
	[tilespmem:s6+$0xC0] =	vst v8;
	v8 =	vadd.f32 v10, v1  }
0x10d: {  	v10 =	vld [tilespmem:s25+$0xFFFFFF30];
	[tilespmem:s6+$0xD0] =	vst v9;
	v9 =	vadd.f32 v11, v0  }
0x10e: {  	v11 =	vld [tilespmem:s25+$0xFFFFFF40];
	v12 =	vadd.f32 v12, v0;
	[tilespmem:s6+$0xE0] =	vst v8  }
0x10f: {  	v8 =	vadd.f32 v15, v2;
	v15 =	vld [tilespmem:s25+$0xFFFFFF50];
	[tilespmem:s6+$0xF0] =	vst v9  }
0x110: {  	v9 =	vadd.f32 v13, v4;
	v13 =	vld [tilespmem:s25+$0xFFFFFF60];
	[tilespmem:s6+$0xFFFFFFF0] =	vst v12;
	s6 =	smov.u32 s25  }
0x111: {  	[tilespmem:s25+$0xFFFFFF00] =	vst v8;
	v8 =	vadd.f32 v14, v6;
	v12 =	vld [tilespmem:s25+$0xFFFFFF70]  }
0x112: {  	[tilespmem:s25+$0xFFFFFF10] =	vst v9;
	v9 =	vadd.f32 v10, v7;
	v10 =	vld [tilespmem:s25+$0xFFFFFF80]  }
0x113: {  	[tilespmem:s25+$0xFFFFFF20] =	vst v8;
	v8 =	vadd.f32 v11, v5;
	v11 =	vld [tilespmem:s25+$0xFFFFFF90]  }
0x114: {  	[tilespmem:s25+$0xFFFFFF30] =	vst v9;
	v9 =	vadd.f32 v15, v3;
	v14 =	vld [tilespmem:s25+$0xFFFFFFA0]  }
0x115: {  	[tilespmem:s25+$0xFFFFFF40] =	vst v8;
	v8 =	vadd.f32 v13, v1;
	v13 =	vld [tilespmem:s25+$0xFFFFFFB0]  }
0x116: {  	[tilespmem:s25+$0xFFFFFF50] =	vst v9;
	v9 =	vadd.f32 v12, v0;
	v12 =	vld [tilespmem:s25+$0xFFFFFFC0]  }
0x117: {  	[tilespmem:s25+$0xFFFFFF60] =	vst v8;
	v8 =	vadd.f32 v10, v2;
	v10 =	vld [tilespmem:s25+$0xFFFFFFD0]  }
0x118: {  	[tilespmem:s25+$0xFFFFFF70] =	vst v9;
	v9 =	vadd.f32 v11, v4;
	v11 =	vld [tilespmem:s25+$0xFFFFFFE0]  }
0x119: {  	[tilespmem:s25+$0xFFFFFF80] =	vst v8;
	v8 =	vadd.f32 v14, v6;
	v14 =	vld [tilespmem:s25+$0x0]  }
0x11a: {  	[tilespmem:s25+$0xFFFFFF90] =	vst v9;
	v9 =	vadd.f32 v13, v7;
	v13 =	vld [tilespmem:s25+$0x10]  }
0x11b: {  	[tilespmem:s25+$0xFFFFFFA0] =	vst v8;
	v8 =	vadd.f32 v12, v5;
	v12 =	vld [tilespmem:s25+$0x20]  }
0x11c: {  	[tilespmem:s25+$0xFFFFFFB0] =	vst v9;
	v9 =	vadd.f32 v10, v3;
	v10 =	vld [tilespmem:s25+$0x30]  }
0x11d: {  	[tilespmem:s25+$0xFFFFFFC0] =	vst v8;
	v8 =	vadd.f32 v11, v1;
	v11 =	vld [tilespmem:s25+$0x40]  }
0x11e: {  	[tilespmem:s25+$0xFFFFFFD0] =	vst v9;
	v9 =	vadd.f32 v14, v2;
	v14 =	vld [tilespmem:s25+$0x50]  }
0x11f: {  	[tilespmem:s25+$0xFFFFFFE0] =	vst v8;
	v8 =	vadd.f32 v13, v4;
	v13 =	vld [tilespmem:s25+$0x60]  }
0x120: {  	[tilespmem:s25+$0x0] =	vst v9;
	v9 =	vadd.f32 v12, v6;
	v12 =	vld [tilespmem:s25+$0x70]  }
0x121: {  	[tilespmem:s25+$0x10] =	vst v8;
	v8 =	vadd.f32 v10, v7;
	v10 =	vld [tilespmem:s25+$0x80]  }
0x122: {  	[tilespmem:s25+$0x20] =	vst v9;
	v9 =	vadd.f32 v11, v5;
	v11 =	vld [tilespmem:s25+$0x90]  }
0x123: {  	s22 =	sadd.s32 $0x4, s22;
	[tilespmem:s25+$0x30] =	vst v8;
	v8 =	vadd.f32 v14, v3;
	v14 =	vld [tilespmem:s25+$0xA0]  }
0x124: {  	p1 =	slt.u32 s22, $0xC;
	[tilespmem:s25+$0x40] =	vst v9;
	v9 =	vadd.f32 v13, v1;
	v15 =	vld [tilespmem:s25+$0xB0]  }
.Ltmp4:
0x125: {  	[tilespmem:s25+$0x50] =	vst v8;
	v12 =	vadd.f32 v12, v0;
	v8 =	vld [tilespmem:s25+$0xC0];
	(pc) =	sbr.rel @p1 .LBB2_12-.Ltmp4, $4  }
0x126: {  	[tilespmem:s25+$0x60] =	vst v9;
	v13 =	vadd.f32 v10, v2;
	v9 =	vld [tilespmem:s25+$0xD0]  }
0x127: {  	[tilespmem:s25+$0x70] =	vst v12;
	v16 =	vadd.f32 v11, v4;
	v10 =	vld [tilespmem:s25+$0xE0]  }
0x128: {  	[tilespmem:s25+$0x80] =	vst v13;
	v13 =	vadd.f32 v14, v6;
	v11 =	vld [tilespmem:s25+$0xF0]  }
0x129: {  	s25 =	sadd.s32 $0x200, s25;
	v12 =	vld [tilespmem:s6+$0xFFFFFFF0];
	[tilespmem:s6+$0x90] =	vst v16;
	v14 =	vadd.f32 v15, v7  }
0x12a: {  	[tilespmem:s6+$0xA0] =	vst v13;
	v2 =	vadd.f32 v8, v5;
	s10 =	sadd.s32 $0x1, s10  }
0x12b: {  	[tilespmem:s6+$0xB0] =	vst v14;
	v3 =	vadd.f32 v9, v3;
	p1 =	sne.s32 s10, $0x8  }
.Ltmp5:
0x12c: {  	[tilespmem:s6+$0xC0] =	vst v2;
	v1 =	vadd.f32 v10, v1;
	(pc) =	sbr.rel @p1 .LBB2_11-.Ltmp5, $4  }
0x12d: {  	[tilespmem:s6+$0xD0] =	vst v3;
	v62 =	vadd.f32 v11, v0  }
0x12e: {  	v63 =	vadd.f32 v12, v0;
	[tilespmem:s6+$0xE0] =	vst v1  }
0x12f: {  	[tilespmem:s6+$0xF0] =	vst v62  }
0x130: {  	s17 =	sadd.s32 $0x800, s17;
	[tilespmem:s6+$0xFFFFFFF0] =	vst v63  }
0x131: {  	s6 =	sadd.s32 s7, s14  }
0x132: {  	[hbm4b:s6+s4] =	stream.linear.scatter [tilespmem:s20], [sflag:$0x8], $0x4000, $0x38;
	[tilespmem:$0x11080] =	vst v63  }
0x133: {  	s6 =	simm.s32 @!p0 $0x8  }
0x134: {  	_ =	swait.ge @!p0 [sflag:s6], $0x4000  }
0x135: {  	s10 =	simm.s32 @!p0 $0x9080;
	[sflag:s6] =	ssyncset.done @!p0 $0x0  }
0x136: {  	[sflag:s6] =	ssyncadd.s32 @!p0 $0xFFFFC000;
	s6 =	sadd.s32 @!p0 s8, s15;
	s8 =	simm.s32 @!p0 $0x0  }
0x137: {  	[tilespmem:s10], [sflag:$0x4] =	stream.linear.gather @!p0 [hbm4b:s6+s8], $0x4000, $0x38;
	[tilespmem:$0x11080] =	vst v63  }
0x138: {  	_ =	swait.ge [sflag:s30], $0x4000  }
0x139: {  	[sflag:s30] =	ssyncset.done $0x0  }
0x13a: {  	s8 =	simm.s32 $0x0;
	s10 =	simm.s32 $0xD180;
	[sflag:s30] =	ssyncadd.s32 $0xFFFFC000  }
.LBB2_15:
0x13b: {  	v8 =	vld [tilespmem:s10+$0xFFFFFF00]  }
0x13c: {  	v9 =	vld [tilespmem:s10+$0xFFFFFF10]  }
0x13d: {  	v10 =	vld [tilespmem:s10+$0xFFFFFF20]  }
0x13e: {  	v11 =	vld [tilespmem:s10+$0xFFFFFF30]  }
0x13f: {  	v12 =	vld [tilespmem:s10+$0xFFFFFF40]  }
0x140: {  	s6 =	sshll.u32 s8, $0x7;
	v13 =	vld [tilespmem:s10+$0xFFFFFF50]  }
0x141: {  	v14 =	vld [tilespmem:s10+$0xFFFFFF60];
	s6 =	sand.u32 $0x3FFFFF80, s6  }
0x142: {  	v2 =	vld [tilespmem:s6+$0xC80]  }
0x143: {  	v4 =	vld [tilespmem:s6+$0xC90]  }
0x144: {  	v6 =	vld [tilespmem:s6+$0xCA0]  }
0x145: {  	v7 =	vld [tilespmem:s6+$0xCB0]  }
0x146: {  	v5 =	vld [tilespmem:s6+$0xCC0]  }
0x147: {  	v3 =	vld [tilespmem:s6+$0xCD0]  }
0x148: {  	v1 =	vld [tilespmem:s6+$0xCE0];
	v8 =	vadd.f32 v8, v2  }
0x149: {  	v0 =	vld [tilespmem:s6+$0xCF0];
	v9 =	vadd.f32 v9, v4  }
0x14a: {  	[tilespmem:s10+$0xFFFFFF00] =	vst v8;
	v8 =	vadd.f32 v10, v6;
	v10 =	vld [tilespmem:s10+$0xFFFFFF70]  }
0x14b: {  	[tilespmem:s10+$0xFFFFFF10] =	vst v9;
	v9 =	vadd.f32 v11, v7;
	v11 =	vld [tilespmem:s10+$0xFFFFFF80]  }
0x14c: {  	[tilespmem:s10+$0xFFFFFF20] =	vst v8;
	v8 =	vadd.f32 v12, v5;
	v12 =	vld [tilespmem:s10+$0xFFFFFF90]  }
0x14d: {  	[tilespmem:s10+$0xFFFFFF30] =	vst v9;
	v9 =	vadd.f32 v13, v3;
	v13 =	vld [tilespmem:s10+$0xFFFFFFA0]  }
0x14e: {  	[tilespmem:s10+$0xFFFFFF40] =	vst v8;
	v8 =	vadd.f32 v14, v1;
	v14 =	vld [tilespmem:s10+$0xFFFFFFB0]  }
0x14f: {  	[tilespmem:s10+$0xFFFFFF50] =	vst v9;
	v9 =	vadd.f32 v10, v0;
	v10 =	vld [tilespmem:s10+$0xFFFFFFC0]  }
0x150: {  	[tilespmem:s10+$0xFFFFFF60] =	vst v8;
	v8 =	vadd.f32 v11, v2;
	v11 =	vld [tilespmem:s10+$0xFFFFFFD0]  }
0x151: {  	[tilespmem:s10+$0xFFFFFF70] =	vst v9;
	v9 =	vadd.f32 v12, v4;
	v12 =	vld [tilespmem:s10+$0xFFFFFFE0]  }
0x152: {  	[tilespmem:s10+$0xFFFFFF80] =	vst v8;
	v8 =	vadd.f32 v13, v6;
	v13 =	vld [tilespmem:s10+$0x0]  }
0x153: {  	[tilespmem:s10+$0xFFFFFF90] =	vst v9;
	v9 =	vadd.f32 v14, v7;
	v14 =	vld [tilespmem:s10+$0x10]  }
0x154: {  	[tilespmem:s10+$0xFFFFFFA0] =	vst v8;
	v8 =	vadd.f32 v10, v5;
	v10 =	vld [tilespmem:s10+$0x20]  }
0x155: {  	[tilespmem:s10+$0xFFFFFFB0] =	vst v9;
	v9 =	vadd.f32 v11, v3;
	v11 =	vld [tilespmem:s10+$0x30]  }
0x156: {  	[tilespmem:s10+$0xFFFFFFC0] =	vst v8;
	v8 =	vadd.f32 v12, v1;
	v12 =	vld [tilespmem:s10+$0x40]  }
0x157: {  	[tilespmem:s10+$0xFFFFFFD0] =	vst v9;
	v9 =	vadd.f32 v13, v2;
	v13 =	vld [tilespmem:s10+$0x50]  }
0x158: {  	[tilespmem:s10+$0xFFFFFFE0] =	vst v8;
	v8 =	vadd.f32 v14, v4;
	v14 =	vld [tilespmem:s10+$0x60]  }
0x159: {  	[tilespmem:s10+$0x0] =	vst v9;
	v9 =	vadd.f32 v10, v6;
	v10 =	vld [tilespmem:s10+$0x70]  }
0x15a: {  	[tilespmem:s10+$0x10] =	vst v8;
	v8 =	vadd.f32 v11, v7;
	v11 =	vld [tilespmem:s10+$0x80]  }
0x15b: {  	[tilespmem:s10+$0x20] =	vst v9;
	v9 =	vadd.f32 v12, v5;
	v12 =	vld [tilespmem:s10+$0x90]  }
0x15c: {  	[tilespmem:s10+$0x30] =	vst v8;
	v8 =	vadd.f32 v13, v3;
	v13 =	vld [tilespmem:s10+$0xA0]  }
0x15d: {  	[tilespmem:s10+$0x40] =	vst v9;
	v9 =	vadd.f32 v14, v1;
	v14 =	vld [tilespmem:s10+$0xB0]  }
0x15e: {  	[tilespmem:s10+$0x50] =	vst v8;
	v10 =	vadd.f32 v10, v0;
	v8 =	vld [tilespmem:s10+$0xC0]  }
0x15f: {  	[tilespmem:s10+$0x60] =	vst v9;
	v11 =	vadd.f32 v11, v2;
	v9 =	vld [tilespmem:s10+$0xD0]  }
0x160: {  	[tilespmem:s10+$0x70] =	vst v10;
	v15 =	vadd.f32 v12, v4;
	v10 =	vld [tilespmem:s10+$0xE0]  }
0x161: {  	[tilespmem:s10+$0x80] =	vst v11;
	v11 =	vld [tilespmem:s10+$0xF0];
	v13 =	vadd.f32 v13, v6  }
0x162: {  	s17 =	simm.s32 $0x0;
	s22 =	sadd.s32 $0x200, s10;
	s6 =	smov.u32 s10;
	v12 =	vld [tilespmem:s10+$0xFFFFFFF0];
	[tilespmem:s10+$0x90] =	vst v15;
	v14 =	vadd.f32 v14, v7  }
.LBB2_16:
0x163: {  	v15 =	vld [tilespmem:s22+$0xFFFFFF00];
	[tilespmem:s6+$0xA0] =	vst v13;
	v8 =	vadd.f32 v8, v5  }
0x164: {  	v13 =	vld [tilespmem:s22+$0xFFFFFF10];
	[tilespmem:s6+$0xB0] =	vst v14;
	v9 =	vadd.f32 v9, v3  }
0x165: {  	v14 =	vld [tilespmem:s22+$0xFFFFFF20];
	[tilespmem:s6+$0xC0] =	vst v8;
	v8 =	vadd.f32 v10, v1  }
0x166: {  	v10 =	vld [tilespmem:s22+$0xFFFFFF30];
	[tilespmem:s6+$0xD0] =	vst v9;
	v9 =	vadd.f32 v11, v0  }
0x167: {  	v11 =	vld [tilespmem:s22+$0xFFFFFF40];
	v12 =	vadd.f32 v12, v0;
	[tilespmem:s6+$0xE0] =	vst v8  }
0x168: {  	v8 =	vadd.f32 v15, v2;
	v15 =	vld [tilespmem:s22+$0xFFFFFF50];
	[tilespmem:s6+$0xF0] =	vst v9  }
0x169: {  	v9 =	vadd.f32 v13, v4;
	v13 =	vld [tilespmem:s22+$0xFFFFFF60];
	[tilespmem:s6+$0xFFFFFFF0] =	vst v12;
	s6 =	smov.u32 s22  }
0x16a: {  	[tilespmem:s22+$0xFFFFFF00] =	vst v8;
	v8 =	vadd.f32 v14, v6;
	v12 =	vld [tilespmem:s22+$0xFFFFFF70]  }
0x16b: {  	[tilespmem:s22+$0xFFFFFF10] =	vst v9;
	v9 =	vadd.f32 v10, v7;
	v10 =	vld [tilespmem:s22+$0xFFFFFF80]  }
0x16c: {  	[tilespmem:s22+$0xFFFFFF20] =	vst v8;
	v8 =	vadd.f32 v11, v5;
	v11 =	vld [tilespmem:s22+$0xFFFFFF90]  }
0x16d: {  	[tilespmem:s22+$0xFFFFFF30] =	vst v9;
	v9 =	vadd.f32 v15, v3;
	v14 =	vld [tilespmem:s22+$0xFFFFFFA0]  }
0x16e: {  	[tilespmem:s22+$0xFFFFFF40] =	vst v8;
	v8 =	vadd.f32 v13, v1;
	v13 =	vld [tilespmem:s22+$0xFFFFFFB0]  }
0x16f: {  	[tilespmem:s22+$0xFFFFFF50] =	vst v9;
	v9 =	vadd.f32 v12, v0;
	v12 =	vld [tilespmem:s22+$0xFFFFFFC0]  }
0x170: {  	[tilespmem:s22+$0xFFFFFF60] =	vst v8;
	v8 =	vadd.f32 v10, v2;
	v10 =	vld [tilespmem:s22+$0xFFFFFFD0]  }
0x171: {  	[tilespmem:s22+$0xFFFFFF70] =	vst v9;
	v9 =	vadd.f32 v11, v4;
	v11 =	vld [tilespmem:s22+$0xFFFFFFE0]  }
0x172: {  	[tilespmem:s22+$0xFFFFFF80] =	vst v8;
	v8 =	vadd.f32 v14, v6;
	v14 =	vld [tilespmem:s22+$0x0]  }
0x173: {  	[tilespmem:s22+$0xFFFFFF90] =	vst v9;
	v9 =	vadd.f32 v13, v7;
	v13 =	vld [tilespmem:s22+$0x10]  }
0x174: {  	[tilespmem:s22+$0xFFFFFFA0] =	vst v8;
	v8 =	vadd.f32 v12, v5;
	v12 =	vld [tilespmem:s22+$0x20]  }
0x175: {  	[tilespmem:s22+$0xFFFFFFB0] =	vst v9;
	v9 =	vadd.f32 v10, v3;
	v10 =	vld [tilespmem:s22+$0x30]  }
0x176: {  	[tilespmem:s22+$0xFFFFFFC0] =	vst v8;
	v8 =	vadd.f32 v11, v1;
	v11 =	vld [tilespmem:s22+$0x40]  }
0x177: {  	[tilespmem:s22+$0xFFFFFFD0] =	vst v9;
	v9 =	vadd.f32 v14, v2;
	v14 =	vld [tilespmem:s22+$0x50]  }
0x178: {  	[tilespmem:s22+$0xFFFFFFE0] =	vst v8;
	v8 =	vadd.f32 v13, v4;
	v13 =	vld [tilespmem:s22+$0x60]  }
0x179: {  	[tilespmem:s22+$0x0] =	vst v9;
	v9 =	vadd.f32 v12, v6;
	v12 =	vld [tilespmem:s22+$0x70]  }
0x17a: {  	[tilespmem:s22+$0x10] =	vst v8;
	v8 =	vadd.f32 v10, v7;
	v10 =	vld [tilespmem:s22+$0x80]  }
0x17b: {  	[tilespmem:s22+$0x20] =	vst v9;
	v9 =	vadd.f32 v11, v5;
	v11 =	vld [tilespmem:s22+$0x90]  }
0x17c: {  	s17 =	sadd.s32 $0x4, s17;
	[tilespmem:s22+$0x30] =	vst v8;
	v8 =	vadd.f32 v14, v3;
	v14 =	vld [tilespmem:s22+$0xA0]  }
0x17d: {  	p0 =	slt.u32 s17, $0xC;
	[tilespmem:s22+$0x40] =	vst v9;
	v9 =	vadd.f32 v13, v1;
	v15 =	vld [tilespmem:s22+$0xB0]  }
.Ltmp6:
0x17e: {  	[tilespmem:s22+$0x50] =	vst v8;
	v12 =	vadd.f32 v12, v0;
	v8 =	vld [tilespmem:s22+$0xC0];
	(pc) =	sbr.rel @p0 .LBB2_16-.Ltmp6, $4  }
0x17f: {  	[tilespmem:s22+$0x60] =	vst v9;
	v13 =	vadd.f32 v10, v2;
	v9 =	vld [tilespmem:s22+$0xD0]  }
0x180: {  	[tilespmem:s22+$0x70] =	vst v12;
	v16 =	vadd.f32 v11, v4;
	v10 =	vld [tilespmem:s22+$0xE0]  }
0x181: {  	[tilespmem:s22+$0x80] =	vst v13;
	v13 =	vadd.f32 v14, v6;
	v11 =	vld [tilespmem:s22+$0xF0]  }
0x182: {  	s22 =	sadd.s32 $0x200, s22;
	v12 =	vld [tilespmem:s6+$0xFFFFFFF0];
	[tilespmem:s6+$0x90] =	vst v16;
	v14 =	vadd.f32 v15, v7  }
0x183: {  	[tilespmem:s6+$0xA0] =	vst v13;
	v2 =	vadd.f32 v8, v5;
	s8 =	sadd.s32 $0x1, s8  }
0x184: {  	[tilespmem:s6+$0xB0] =	vst v14;
	v3 =	vadd.f32 v9, v3;
	p0 =	sne.s32 s8, $0x8  }
.Ltmp7:
0x185: {  	[tilespmem:s6+$0xC0] =	vst v2;
	v1 =	vadd.f32 v10, v1;
	(pc) =	sbr.rel @p0 .LBB2_15-.Ltmp7, $4  }
0x186: {  	[tilespmem:s6+$0xD0] =	vst v3;
	v62 =	vadd.f32 v11, v0  }
0x187: {  	v63 =	vadd.f32 v12, v0;
	[tilespmem:s6+$0xE0] =	vst v1  }
0x188: {  	[tilespmem:s6+$0xF0] =	vst v62  }
0x189: {  	s10 =	sadd.s32 $0x800, s10;
	[tilespmem:s6+$0xFFFFFFF0] =	vst v63  }
0x18a: {  	s24 =	sadd.s32 $0x1, s24  }
0x18b: {  	p0 =	sne.s32 s24, $0x4  }
.Ltmp8:
0x18c: {  	_ = 	snop;
	(pc) =	sbr.rel @p0 .LBB2_2-.Ltmp8, $3  }
0x18d: {  	_ =	sdelay $0x1  }
0x18e: {  	s6 =	sadd.s32 s7, s16  }
0x18f: {  	[hbm4b:s6+s4] =	stream.linear.scatter [tilespmem:s21], [sflag:$0x9], $0x4000, $0x38;
	[tilespmem:$0x11080] =	vst v63  }
0x190: {  	_ =	swait.ge [sflag:s31], $0x4000  }
0x191: {  	[sflag:s31] =	ssyncset.done $0x0  }
0x192: {  	[sflag:s31] =	ssyncadd.s32 $0xFFFFC000  }
0x193: {  	_ =	swait.ge [sflag:s1], $0x4000  }
0x194: {  	[sflag:s1] =	ssyncset.done $0x0  }
0x195: {  	[sflag:s1] =	ssyncadd.s32 $0xFFFFC000  }
0x196: {  	_ =	swait.ge [sflag:s0], $0x4000  }
0x197: {  	[sflag:s0] =	ssyncset.done $0x0  }
0x198: {  	[sflag:s0] =	ssyncadd.s32 $0xFFFFC000  }
0x199: {  	_ =	swait.ge [sflag:s2], $0x4000  }
0x19a: {  	s23 =	sadd.s32 $0x1, s23;
	s6 =	rddreg [dreg:$0x9]  }
0x19b: {  	p0 =	sne.s32 s23, s6  }
.Ltmp9:
0x19c: {  	_ = 	snop;
	(pc) =	sbr.rel @p0 .LBB2_1-.Ltmp9, $3  }
0x19d: {  	_ =	sdelay $0x1  }
0x19e: {  	[sflag:s2] =	ssyncset.done $0x0  }
0x19f: {  	[sflag:s2] =	ssyncadd.s32 $0xFFFFC000  }
0x1a0: {  	_ =	sfence.sel $0x180000  }
0x1a1: {  	[bflag:$0x0] =	sbarrier.arrive $0xFFFF  }
0x1a2: {  	_ =	strace $0x90000047  }
0x1a3: {  	s0 =	stileid.u32;
	[bflag:$0x2] =	sbarrier.arrive $0xFFFF  }
0x1a4: {  	p0 =	sne.s32 s0, $0x0;
	s0 =	rddreg [dreg:$0x4]  }
0x1a5: {  	s0 =	sadd.s32 @!p0 $0x100000, s0  }
0x1a6: {  	[sflag:s0] =	ssyncadd.tile.s32 @!p0 $0x1;
	_ =	shalt  }
.Lfunc_end2:
_tile_overlayer_lowered:
.L_overlay_start_2:
0x1a7: {  	(tag) =	ssettag $0x2  }
0x1a8: {  	s0 =	rddreg [dreg:$0x0];
	s2 =	stileid.u32  }
0x1a9: {  	s1 =	rddreg [dreg:$0x1];
	p0 =	sne.s32 s2, $0x0  }
0x1aa: {  	s3 =	rddreg [dreg:$0x2];
	[bflag:$0x3] =	sbarrier.arrive $0xFFFF;
	s2 =	simm.s32 @!p0 $0x1C0A  }
0x1ab: {  	[timem:s3], [sflag:s2] =	dma.local @!p0 [hbm:s0], s1  }
0x1ac: {  	s0 =	simm.s32 @!p0 $0xA  }
0x1ad: {  	_ =	swait.ge @!p0 [sflag:s0], s1  }
0x1ae: {  	s1 =	ssub.s32 @!p0 $0x0, s1;
	[sflag:s0] =	ssyncset.done @!p0 $0x0  }
0x1af: {  	[sflag:s0] =	ssyncadd.s32 @!p0 s1  }
0x1b0: {  	[bflag:$0x3] =	sbarrier.arrive $0xFFFF  }
0x1b1: {  	_ =	shalt  }

</sc_bundles>
